<compile_context>
chip_gen: v7x
topology: tpu7x:2x2x1
jax: 0.10.2.dev20260603
libtpu: 0.0.44.dev20260713+nightly
codegen_flags: <defaults>
</compile_context>

<pallas_src>
import functools

import jax
import jax.numpy as jnp
from jax import lax
from jax.experimental import pallas as pl
from jax.experimental.pallas import tpu as pltpu
from jax.experimental.pallas import tpu_sc as plsc

BATCH = 4096
SEQ = 50
EMBED = 128
OUT = 512

NUM_CORES = 2
NUM_SUBCORES = 16
NUM_WORKERS = NUM_CORES * NUM_SUBCORES
BPW = BATCH // NUM_WORKERS
CB = 4
NBUF = 4
NSTEPS = BPW // CB
LANES = 16
NJ = EMBED // LANES

_MESH = plsc.VectorSubcoreMesh(core_axis_name="c", subcore_axis_name="s")


@jax.jit
def _sc_pool(table, idx_flat):

    @functools.partial(
        pl.kernel,
        mesh=_MESH,
        out_type=jax.ShapeDtypeStruct((BATCH, EMBED), jnp.float32),
        scratch_types=[
            pltpu.VMEM((BPW * SEQ,), jnp.int32),
            pltpu.VMEM((NBUF, CB * SEQ, EMBED), jnp.float32),
            pltpu.VMEM((BPW, EMBED), jnp.float32),
        ] + [pltpu.SemaphoreType.DMA] * NBUF,
    )
    def k(table_hbm, idx_hbm, out_hbm, idx_v, rows_v, pooled_v, *sems):
        wid = lax.axis_index("s") * NUM_CORES + lax.axis_index("c")
        pltpu.sync_copy(idx_hbm.at[pl.ds(wid * BPW * SEQ, BPW * SEQ)], idx_v)
        halves = ((0, 104), (104, 96))

        def gather(step, p):
            for off, n in halves:
                pltpu.make_async_copy(
                    table_hbm.at[idx_v.at[pl.ds(step * CB * SEQ + off, n)]],
                    rows_v.at[p, pl.ds(off, n)], sems[p]).start()

        def gather_wait(p):
            for off, n in halves:
                pltpu.make_async_copy(
                    table_hbm.at[idx_v.at[pl.ds(off, n)]],
                    rows_v.at[p, pl.ds(off, n)], sems[p]).wait()

        for p in range(NBUF):
            gather(p, p)

        @pl.loop(0, NSTEPS // NBUF)
        def _step(g):
            for p in range(NBUF):
                step = g * NBUF + p
                gather_wait(p)

                @pl.loop(0, CB)
                def _elem(b):
                    def body(t, acc):
                        for u in range(4):
                            l = 1 + t * 4 + u
                            acc = tuple(
                                acc[j] + rows_v[p, b * SEQ + l,
                                                pl.ds(j * LANES, LANES)]
                                for j in range(NJ))
                        return acc
                    acc0 = tuple(
                        rows_v[p, b * SEQ, pl.ds(j * LANES, LANES)]
                        + rows_v[p, b * SEQ + SEQ - 1, pl.ds(j * LANES, LANES)]
                        for j in range(NJ))
                    acc = lax.fori_loop(0, (SEQ - 2) // 4, body, acc0)
                    for j in range(NJ):
                        pooled_v[step * CB + b, pl.ds(j * LANES, LANES)] = acc[j]

                @pl.when(step + NBUF < NSTEPS)
                def _():
                    gather(step + NBUF, p)

        pltpu.sync_copy(pooled_v, out_hbm.at[pl.ds(wid * BPW, BPW)])

    return k(table, idx_flat)


def _tc_proj_body(p_ref, w_ref, b_ref, o_ref):
    acc = jax.lax.dot_general(
        p_ref[...], w_ref[...],
        dimension_numbers=(((1,), (0,)), ((), ())),
        preferred_element_type=jnp.float32)
    o_ref[...] = acc * (1.0 / SEQ) + b_ref[...]


@jax.jit
def _tc_proj(pooled, W, b2d):
    blk = 2048
    return pl.pallas_call(
        _tc_proj_body,
        grid=(BATCH // blk,),
        in_specs=[
            pl.BlockSpec((blk, EMBED), lambda i: (i, 0)),
            pl.BlockSpec((EMBED, OUT), lambda i: (0, 0)),
            pl.BlockSpec((1, OUT), lambda i: (0, 0)),
        ],
        out_specs=pl.BlockSpec((blk, OUT), lambda i: (i, 0)),
        out_shape=jax.ShapeDtypeStruct((BATCH, OUT), jnp.float32),
    )(pooled, W, b2d)


def kernel(x, table, W, b):
    idx_flat = x.reshape(-1).astype(jnp.int32)
    pooled = _sc_pool(table, idx_flat)
    return _tc_proj(pooled, W, b.reshape(1, OUT))

# --- scband reference (transcript-rebuilt; emitter-appended) ---
"""Pipeline reference for scband-text-encoder-326417515042 (READ-ONLY COPY).

The authoritative reference and input builder live on the scoring server;
editing this copy changes nothing except your own understanding.
"""

import jax, jax.numpy as jnp
import numpy as np

VOCAB = 100000
EMBED_DIM = 128
OUTPUT_DIM = 512
BATCH = 4096
SEQ = 50


def setup_inputs(seed: int = 0) -> dict:
    key = jax.random.key(seed)
    k1, k2, k3, k4 = jax.random.split(key, 4)
    x = jax.random.randint(k1, (BATCH, SEQ), 0, VOCAB, dtype=jnp.int64 if jax.config.jax_enable_x64 else jnp.int32)
    # embedding table (nn.Embedding default init ~ N(0,1))
    table = jax.random.normal(k2, (VOCAB, EMBED_DIM), dtype=jnp.float32)
    # linear layer params (kaiming-uniform-ish)
    bound = 1.0 / np.sqrt(EMBED_DIM)
    W = jax.random.uniform(k3, (EMBED_DIM, OUTPUT_DIM), minval=-bound, maxval=bound, dtype=jnp.float32)
    b = jax.random.uniform(k4, (OUTPUT_DIM,), minval=-bound, maxval=bound, dtype=jnp.float32)
    return {"x": x, "table": table, "W": W, "b": b}


def reference(x, table, W, b):
    # embedding lookup: [B, L, D]
    emb = jnp.take(table, x, axis=0)
    # mean over sequence dim
    pooled = jnp.mean(emb, axis=1)
    # linear projection
    out = pooled @ W + b
    return out

if __name__ == "__main__":
    import jax
    _d = setup_inputs()
    print(jax.jit(kernel)(*tuple(_d.values())))

</pallas_src>

<mosaic_0001>
#map = affine_map<(d0, d1) -> (0, 0)>
#map1 = affine_map<(d0, d1) -> (0)>
module attributes {stable_mosaic.version = 14 : i64} {
  func.func @k(%arg0: i32, %arg1: i32, %arg2: memref<100000x128xf32, #tpu.memory_space<hbm>>, %arg3: memref<204800xi32, #tpu.memory_space<hbm>>, %arg4: memref<4096x128xf32, #tpu.memory_space<hbm>>, %arg5: memref<6400xi32, #tpu.memory_space<vmem>>, %arg6: memref<4x200x128xf32, #tpu.memory_space<vmem>>, %arg7: memref<128x128xf32, #tpu.memory_space<vmem>>, %arg8: memref<!tpu.dma_semaphore, #tpu.memory_space<semaphore_mem>>, %arg9: memref<!tpu.dma_semaphore, #tpu.memory_space<semaphore_mem>>, %arg10: memref<!tpu.dma_semaphore, #tpu.memory_space<semaphore_mem>>, %arg11: memref<!tpu.dma_semaphore, #tpu.memory_space<semaphore_mem>>) attributes {dimension_semantics = [#tpu.dimension_semantics<core_parallel>, #tpu.dimension_semantics<subcore_parallel>], iteration_bounds = array<i64: 2, 16>, scalar_prefetch = 0 : i64, scratch_operands = 7 : i64, tpu.core_type = #tpu.core_type<sc_vector_subcore>, window_params = [{transform_indices = #map}, {transform_indices = #map1}, {transform_indices = #map}]} {
    %mul3A = arith.constant 2 : i32
    %mul3A_0 = arith.muli %arg1, %mul3A : i32
    %add3A = arith.addi %mul3A_0, %arg0 : i32
    %mul3A_1 = arith.constant 128 : i32
    %mul3A_2 = arith.muli %add3A, %mul3A_1 : i32
    %mul3A_3 = arith.constant 50 : i32
    %mul3A_4 = arith.muli %mul3A_2, %mul3A_3 : i32
    "tpu.region"() ({
      %run_scoped3A = tpu.sem_alloc : memref<!tpu.dma_semaphore, #tpu.memory_space<semaphore_mem>>
      %dma_start3A_90 = tpu.memref_slice %arg3[%mul3A_4] : memref<204800xi32, #tpu.memory_space<hbm>> -> memref<6400xi32, #tpu.memory_space<hbm>>
      %dma_start3A_91 = tpu.memref_slice %arg3[%mul3A_4] : memref<204800xi32, #tpu.memory_space<hbm>> -> memref<6400xi32, #tpu.memory_space<hbm>>
      tpu.enqueue_dma source(%dma_start3A_91 : memref<6400xi32, #tpu.memory_space<hbm>>) target(%arg5 : memref<6400xi32, #tpu.memory_space<vmem>>) target_semaphore(%run_scoped3A : memref<!tpu.dma_semaphore, #tpu.memory_space<semaphore_mem>>)
      %dma_wait3A = tpu.memref_slice %arg3[%mul3A_4] : memref<204800xi32, #tpu.memory_space<hbm>> -> memref<6400xi32, #tpu.memory_space<hbm>>
      %dma_wait3A_92 = tpu.memref_slice %arg3[%mul3A_4] : memref<204800xi32, #tpu.memory_space<hbm>> -> memref<6400xi32, #tpu.memory_space<hbm>>
      tpu.wait_dma2 semaphore(%run_scoped3A : memref<!tpu.dma_semaphore, #tpu.memory_space<semaphore_mem>>) src(%dma_wait3A_92 : memref<6400xi32, #tpu.memory_space<hbm>>) dst(%arg5 : memref<6400xi32, #tpu.memory_space<vmem>>)
      tpu.yield
    }) : () -> ()
    %dma_start3A = arith.constant 0 : i32
    %dma_start3A_5 = arith.constant 0 : i32
    %dma_start3A_6 = arith.constant 0 : i32
    %dma_start3A_7 = tpu.memref_slice %arg6[%dma_start3A, %dma_start3A_5, %dma_start3A_6] : memref<4x200x128xf32, #tpu.memory_space<vmem>> -> memref<1x104x128xf32, #tpu.memory_space<vmem>>
    %dma_start3A_8 = tpu.memref_squeeze %dma_start3A_7 : memref<1x104x128xf32, #tpu.memory_space<vmem>> -> memref<104x128xf32, #tpu.memory_space<vmem>>
    %dma_start3A_9 = arith.constant 0 : i32
    %dma_start3A_10 = tpu.memref_slice %arg5[%dma_start3A_9] : memref<6400xi32, #tpu.memory_space<vmem>> -> memref<104xi32, #tpu.memory_space<vmem>>
    %dma_start3A_11 = arith.constant 0 : i32
    %dma_start3A_12 = arith.constant 0 : i32
    %dma_start3A_13 = tpu.memref_slice %arg2[%dma_start3A_11, %dma_start3A_12] : memref<100000x128xf32, #tpu.memory_space<hbm>> -> memref<100000x128xf32, #tpu.memory_space<hbm>>
    tpu.enqueue_indirect_dma source(%dma_start3A_13 : memref<100000x128xf32, #tpu.memory_space<hbm>>) target(%dma_start3A_8 : memref<104x128xf32, #tpu.memory_space<vmem>>) offsets(%dma_start3A_10 : memref<104xi32, #tpu.memory_space<vmem>>) semaphore(%arg8 : memref<!tpu.dma_semaphore, #tpu.memory_space<semaphore_mem>>)
    %dma_start3A_14 = arith.constant 0 : i32
    %dma_start3A_15 = arith.constant 104 : i32
    %dma_start3A_16 = arith.constant 0 : i32
    %dma_start3A_17 = tpu.memref_slice %arg6[%dma_start3A_14, %dma_start3A_15, %dma_start3A_16] : memref<4x200x128xf32, #tpu.memory_space<vmem>> -> memref<1x96x128xf32, #tpu.memory_space<vmem>>
    %dma_start3A_18 = tpu.memref_squeeze %dma_start3A_17 : memref<1x96x128xf32, #tpu.memory_space<vmem>> -> memref<96x128xf32, #tpu.memory_space<vmem>>
    %dma_start3A_19 = arith.constant 104 : i32
    %dma_start3A_20 = tpu.memref_slice %arg5[%dma_start3A_19] : memref<6400xi32, #tpu.memory_space<vmem>> -> memref<96xi32, #tpu.memory_space<vmem>>
    %dma_start3A_21 = arith.constant 0 : i32
    %dma_start3A_22 = arith.constant 0 : i32
    %dma_start3A_23 = tpu.memref_slice %arg2[%dma_start3A_21, %dma_start3A_22] : memref<100000x128xf32, #tpu.memory_space<hbm>> -> memref<100000x128xf32, #tpu.memory_space<hbm>>
    tpu.enqueue_indirect_dma source(%dma_start3A_23 : memref<100000x128xf32, #tpu.memory_space<hbm>>) target(%dma_start3A_18 : memref<96x128xf32, #tpu.memory_space<vmem>>) offsets(%dma_start3A_20 : memref<96xi32, #tpu.memory_space<vmem>>) semaphore(%arg8 : memref<!tpu.dma_semaphore, #tpu.memory_space<semaphore_mem>>)
    %dma_start3A_24 = arith.constant 1 : i32
    %dma_start3A_25 = arith.constant 0 : i32
    %dma_start3A_26 = arith.constant 0 : i32
    %dma_start3A_27 = tpu.memref_slice %arg6[%dma_start3A_24, %dma_start3A_25, %dma_start3A_26] : memref<4x200x128xf32, #tpu.memory_space<vmem>> -> memref<1x104x128xf32, #tpu.memory_space<vmem>>
    %dma_start3A_28 = tpu.memref_squeeze %dma_start3A_27 : memref<1x104x128xf32, #tpu.memory_space<vmem>> -> memref<104x128xf32, #tpu.memory_space<vmem>>
    %dma_start3A_29 = arith.constant 200 : i32
    %dma_start3A_30 = tpu.memref_slice %arg5[%dma_start3A_29] : memref<6400xi32, #tpu.memory_space<vmem>> -> memref<104xi32, #tpu.memory_space<vmem>>
    %dma_start3A_31 = arith.constant 0 : i32
    %dma_start3A_32 = arith.constant 0 : i32
    %dma_start3A_33 = tpu.memref_slice %arg2[%dma_start3A_31, %dma_start3A_32] : memref<100000x128xf32, #tpu.memory_space<hbm>> -> memref<100000x128xf32, #tpu.memory_space<hbm>>
    tpu.enqueue_indirect_dma source(%dma_start3A_33 : memref<100000x128xf32, #tpu.memory_space<hbm>>) target(%dma_start3A_28 : memref<104x128xf32, #tpu.memory_space<vmem>>) offsets(%dma_start3A_30 : memref<104xi32, #tpu.memory_space<vmem>>) semaphore(%arg9 : memref<!tpu.dma_semaphore, #tpu.memory_space<semaphore_mem>>)
    %dma_start3A_34 = arith.constant 1 : i32
    %dma_start3A_35 = arith.constant 104 : i32
    %dma_start3A_36 = arith.constant 0 : i32
    %dma_start3A_37 = tpu.memref_slice %arg6[%dma_start3A_34, %dma_start3A_35, %dma_start3A_36] : memref<4x200x128xf32, #tpu.memory_space<vmem>> -> memref<1x96x128xf32, #tpu.memory_space<vmem>>
    %dma_start3A_38 = tpu.memref_squeeze %dma_start3A_37 : memref<1x96x128xf32, #tpu.memory_space<vmem>> -> memref<96x128xf32, #tpu.memory_space<vmem>>
    %dma_start3A_39 = arith.constant 304 : i32
    %dma_start3A_40 = tpu.memref_slice %arg5[%dma_start3A_39] : memref<6400xi32, #tpu.memory_space<vmem>> -> memref<96xi32, #tpu.memory_space<vmem>>
    %dma_start3A_41 = arith.constant 0 : i32
    %dma_start3A_42 = arith.constant 0 : i32
    %dma_start3A_43 = tpu.memref_slice %arg2[%dma_start3A_41, %dma_start3A_42] : memref<100000x128xf32, #tpu.memory_space<hbm>> -> memref<100000x128xf32, #tpu.memory_space<hbm>>
    tpu.enqueue_indirect_dma source(%dma_start3A_43 : memref<100000x128xf32, #tpu.memory_space<hbm>>) target(%dma_start3A_38 : memref<96x128xf32, #tpu.memory_space<vmem>>) offsets(%dma_start3A_40 : memref<96xi32, #tpu.memory_space<vmem>>) semaphore(%arg9 : memref<!tpu.dma_semaphore, #tpu.memory_space<semaphore_mem>>)
    %dma_start3A_44 = arith.constant 2 : i32
    %dma_start3A_45 = arith.constant 0 : i32
    %dma_start3A_46 = arith.constant 0 : i32
    %dma_start3A_47 = tpu.memref_slice %arg6[%dma_start3A_44, %dma_start3A_45, %dma_start3A_46] : memref<4x200x128xf32, #tpu.memory_space<vmem>> -> memref<1x104x128xf32, #tpu.memory_space<vmem>>
    %dma_start3A_48 = tpu.memref_squeeze %dma_start3A_47 : memref<1x104x128xf32, #tpu.memory_space<vmem>> -> memref<104x128xf32, #tpu.memory_space<vmem>>
    %dma_start3A_49 = arith.constant 400 : i32
    %dma_start3A_50 = tpu.memref_slice %arg5[%dma_start3A_49] : memref<6400xi32, #tpu.memory_space<vmem>> -> memref<104xi32, #tpu.memory_space<vmem>>
    %dma_start3A_51 = arith.constant 0 : i32
    %dma_start3A_52 = arith.constant 0 : i32
    %dma_start3A_53 = tpu.memref_slice %arg2[%dma_start3A_51, %dma_start3A_52] : memref<100000x128xf32, #tpu.memory_space<hbm>> -> memref<100000x128xf32, #tpu.memory_space<hbm>>
    tpu.enqueue_indirect_dma source(%dma_start3A_53 : memref<100000x128xf32, #tpu.memory_space<hbm>>) target(%dma_start3A_48 : memref<104x128xf32, #tpu.memory_space<vmem>>) offsets(%dma_start3A_50 : memref<104xi32, #tpu.memory_space<vmem>>) semaphore(%arg10 : memref<!tpu.dma_semaphore, #tpu.memory_space<semaphore_mem>>)
    %dma_start3A_54 = arith.constant 2 : i32
    %dma_start3A_55 = arith.constant 104 : i32
    %dma_start3A_56 = arith.constant 0 : i32
    %dma_start3A_57 = tpu.memref_slice %arg6[%dma_start3A_54, %dma_start3A_55, %dma_start3A_56] : memref<4x200x128xf32, #tpu.memory_space<vmem>> -> memref<1x96x128xf32, #tpu.memory_space<vmem>>
    %dma_start3A_58 = tpu.memref_squeeze %dma_start3A_57 : memref<1x96x128xf32, #tpu.memory_space<vmem>> -> memref<96x128xf32, #tpu.memory_space<vmem>>
    %dma_start3A_59 = arith.constant 504 : i32
    %dma_start3A_60 = tpu.memref_slice %arg5[%dma_start3A_59] : memref<6400xi32, #tpu.memory_space<vmem>> -> memref<96xi32, #tpu.memory_space<vmem>>
    %dma_start3A_61 = arith.constant 0 : i32
    %dma_start3A_62 = arith.constant 0 : i32
    %dma_start3A_63 = tpu.memref_slice %arg2[%dma_start3A_61, %dma_start3A_62] : memref<100000x128xf32, #tpu.memory_space<hbm>> -> memref<100000x128xf32, #tpu.memory_space<hbm>>
    tpu.enqueue_indirect_dma source(%dma_start3A_63 : memref<100000x128xf32, #tpu.memory_space<hbm>>) target(%dma_start3A_58 : memref<96x128xf32, #tpu.memory_space<vmem>>) offsets(%dma_start3A_60 : memref<96xi32, #tpu.memory_space<vmem>>) semaphore(%arg10 : memref<!tpu.dma_semaphore, #tpu.memory_space<semaphore_mem>>)
    %dma_start3A_64 = arith.constant 3 : i32
    %dma_start3A_65 = arith.constant 0 : i32
    %dma_start3A_66 = arith.constant 0 : i32
    %dma_start3A_67 = tpu.memref_slice %arg6[%dma_start3A_64, %dma_start3A_65, %dma_start3A_66] : memref<4x200x128xf32, #tpu.memory_space<vmem>> -> memref<1x104x128xf32, #tpu.memory_space<vmem>>
    %dma_start3A_68 = tpu.memref_squeeze %dma_start3A_67 : memref<1x104x128xf32, #tpu.memory_space<vmem>> -> memref<104x128xf32, #tpu.memory_space<vmem>>
    %dma_start3A_69 = arith.constant 600 : i32
    %dma_start3A_70 = tpu.memref_slice %arg5[%dma_start3A_69] : memref<6400xi32, #tpu.memory_space<vmem>> -> memref<104xi32, #tpu.memory_space<vmem>>
    %dma_start3A_71 = arith.constant 0 : i32
    %dma_start3A_72 = arith.constant 0 : i32
    %dma_start3A_73 = tpu.memref_slice %arg2[%dma_start3A_71, %dma_start3A_72] : memref<100000x128xf32, #tpu.memory_space<hbm>> -> memref<100000x128xf32, #tpu.memory_space<hbm>>
    tpu.enqueue_indirect_dma source(%dma_start3A_73 : memref<100000x128xf32, #tpu.memory_space<hbm>>) target(%dma_start3A_68 : memref<104x128xf32, #tpu.memory_space<vmem>>) offsets(%dma_start3A_70 : memref<104xi32, #tpu.memory_space<vmem>>) semaphore(%arg11 : memref<!tpu.dma_semaphore, #tpu.memory_space<semaphore_mem>>)
    %dma_start3A_74 = arith.constant 3 : i32
    %dma_start3A_75 = arith.constant 104 : i32
    %dma_start3A_76 = arith.constant 0 : i32
    %dma_start3A_77 = tpu.memref_slice %arg6[%dma_start3A_74, %dma_start3A_75, %dma_start3A_76] : memref<4x200x128xf32, #tpu.memory_space<vmem>> -> memref<1x96x128xf32, #tpu.memory_space<vmem>>
    %dma_start3A_78 = tpu.memref_squeeze %dma_start3A_77 : memref<1x96x128xf32, #tpu.memory_space<vmem>> -> memref<96x128xf32, #tpu.memory_space<vmem>>
    %dma_start3A_79 = arith.constant 704 : i32
    %dma_start3A_80 = tpu.memref_slice %arg5[%dma_start3A_79] : memref<6400xi32, #tpu.memory_space<vmem>> -> memref<96xi32, #tpu.memory_space<vmem>>
    %dma_start3A_81 = arith.constant 0 : i32
    %dma_start3A_82 = arith.constant 0 : i32
    %dma_start3A_83 = tpu.memref_slice %arg2[%dma_start3A_81, %dma_start3A_82] : memref<100000x128xf32, #tpu.memory_space<hbm>> -> memref<100000x128xf32, #tpu.memory_space<hbm>>
    tpu.enqueue_indirect_dma source(%dma_start3A_83 : memref<100000x128xf32, #tpu.memory_space<hbm>>) target(%dma_start3A_78 : memref<96x128xf32, #tpu.memory_space<vmem>>) offsets(%dma_start3A_80 : memref<96xi32, #tpu.memory_space<vmem>>) semaphore(%arg11 : memref<!tpu.dma_semaphore, #tpu.memory_space<semaphore_mem>>)
    %scan3A = arith.constant 0 : i32
    %scan3A_84 = arith.constant 8 : i32
    %scan3A_85 = arith.addi %scan3A, %scan3A_84 : i32
    %scan3A_86 = arith.constant 1 : i32
    scf.for %scan3A_90 = %scan3A to %scan3A_85 step %scan3A_86  : i32 {
      %mul3A_91 = arith.constant 1 : i32
      %mul3A_92 = arith.muli %scan3A_90, %mul3A_91 : i32
      %add3A_93 = arith.constant 0 : i32
      %add3A_94 = arith.addi %add3A_93, %mul3A_92 : i32
      %mul3A_95 = arith.constant 4 : i32
      %mul3A_96 = arith.muli %add3A_94, %mul3A_95 : i32
      %add3A_97 = arith.constant 0 : i32
      %add3A_98 = arith.addi %mul3A_96, %add3A_97 : i32
      %dma_wait3A = arith.constant 0 : i32
      %dma_wait3A_99 = arith.constant 0 : i32
      %dma_wait3A_100 = arith.constant 0 : i32
      %dma_wait3A_101 = tpu.memref_slice %arg6[%dma_wait3A, %dma_wait3A_99, %dma_wait3A_100] : memref<4x200x128xf32, #tpu.memory_space<vmem>> -> memref<1x104x128xf32, #tpu.memory_space<vmem>>
      %dma_wait3A_102 = tpu.memref_squeeze %dma_wait3A_101 : memref<1x104x128xf32, #tpu.memory_space<vmem>> -> memref<104x128xf32, #tpu.memory_space<vmem>>
      %dma_wait3A_103 = arith.constant 0 : i32
      %dma_wait3A_104 = tpu.memref_slice %arg5[%dma_wait3A_103] : memref<6400xi32, #tpu.memory_space<vmem>> -> memref<104xi32, #tpu.memory_space<vmem>>
      %dma_wait3A_105 = arith.constant 0 : i32
      %dma_wait3A_106 = arith.constant 0 : i32
      %dma_wait3A_107 = tpu.memref_slice %arg2[%dma_wait3A_105, %dma_wait3A_106] : memref<100000x128xf32, #tpu.memory_space<hbm>> -> memref<100000x128xf32, #tpu.memory_space<hbm>>
      tpu.wait_indirect_dma semaphore(%arg8 : memref<!tpu.dma_semaphore, #tpu.memory_space<semaphore_mem>>) src(%dma_wait3A_107 : memref<100000x128xf32, #tpu.memory_space<hbm>>) dst(%dma_wait3A_102 : memref<104x128xf32, #tpu.memory_space<vmem>>)
      %dma_wait3A_108 = arith.constant 0 : i32
      %dma_wait3A_109 = arith.constant 104 : i32
      %dma_wait3A_110 = arith.constant 0 : i32
      %dma_wait3A_111 = tpu.memref_slice %arg6[%dma_wait3A_108, %dma_wait3A_109, %dma_wait3A_110] : memref<4x200x128xf32, #tpu.memory_space<vmem>> -> memref<1x96x128xf32, #tpu.memory_space<vmem>>
      %dma_wait3A_112 = tpu.memref_squeeze %dma_wait3A_111 : memref<1x96x128xf32, #tpu.memory_space<vmem>> -> memref<96x128xf32, #tpu.memory_space<vmem>>
      %dma_wait3A_113 = arith.constant 104 : i32
      %dma_wait3A_114 = tpu.memref_slice %arg5[%dma_wait3A_113] : memref<6400xi32, #tpu.memory_space<vmem>> -> memref<96xi32, #tpu.memory_space<vmem>>
      %dma_wait3A_115 = arith.constant 0 : i32
      %dma_wait3A_116 = arith.constant 0 : i32
      %dma_wait3A_117 = tpu.memref_slice %arg2[%dma_wait3A_115, %dma_wait3A_116] : memref<100000x128xf32, #tpu.memory_space<hbm>> -> memref<100000x128xf32, #tpu.memory_space<hbm>>
      tpu.wait_indirect_dma semaphore(%arg8 : memref<!tpu.dma_semaphore, #tpu.memory_space<semaphore_mem>>) src(%dma_wait3A_117 : memref<100000x128xf32, #tpu.memory_space<hbm>>) dst(%dma_wait3A_112 : memref<96x128xf32, #tpu.memory_space<vmem>>)
      %scan3A_118 = arith.constant 0 : i32
      %scan3A_119 = arith.constant 4 : i32
      %scan3A_120 = arith.addi %scan3A_118, %scan3A_119 : i32
      %scan3A_121 = arith.constant 1 : i32
      scf.for %scan3A_235 = %scan3A_118 to %scan3A_120 step %scan3A_121  : i32 {
        %mul3A_236 = arith.constant 1 : i32
        %mul3A_237 = arith.muli %scan3A_235, %mul3A_236 : i32
        %add3A_238 = arith.constant 0 : i32
        %add3A_239 = arith.addi %add3A_238, %mul3A_237 : i32
        %mul3A_240 = arith.constant 50 : i32
        %mul3A_241 = arith.muli %add3A_239, %mul3A_240 : i32
        %get3A = arith.constant 0 : i32
        %get3A_242 = arith.index_cast %get3A : i32 to index
        %get3A_243 = arith.index_cast %mul3A_241 : i32 to index
        %get3A_244 = arith.constant 0 : index
        %get3A_245 = tpu.vector_load %arg6[%get3A_242, %get3A_243, %get3A_244] {strides = array<i32>} : memref<4x200x128xf32, #tpu.memory_space<vmem>>, vector<1x1x16xf32>,
        %get3A_246 = vector.shape_cast %get3A_245 : vector<1x1x16xf32> to vector<16xf32>
        %mul3A_247 = arith.constant 50 : i32
        %mul3A_248 = arith.muli %add3A_239, %mul3A_247 : i32
        %add3A_249 = arith.constant 50 : i32
        %add3A_250 = arith.addi %mul3A_248, %add3A_249 : i32
        %sub3A = arith.constant 1 : i32
        %sub3A_251 = arith.subi %add3A_250, %sub3A : i32
        %get3A_252 = arith.constant 0 : i32
        %get3A_253 = arith.index_cast %get3A_252 : i32 to index
        %get3A_254 = arith.index_cast %sub3A_251 : i32 to index
        %get3A_255 = arith.constant 0 : index
        %get3A_256 = tpu.vector_load %arg6[%get3A_253, %get3A_254, %get3A_255] {strides = array<i32>} : memref<4x200x128xf32, #tpu.memory_space<vmem>>, vector<1x1x16xf32>,
        %get3A_257 = vector.shape_cast %get3A_256 : vector<1x1x16xf32> to vector<16xf32>
        %add3A_258 = arith.addf %get3A_246, %get3A_257 : vector<16xf32>
        %mul3A_259 = arith.constant 50 : i32
        %mul3A_260 = arith.muli %add3A_239, %mul3A_259 : i32
        %get3A_261 = arith.constant 0 : i32
        %get3A_262 = arith.index_cast %get3A_261 : i32 to index
        %get3A_263 = arith.index_cast %mul3A_260 : i32 to index
        %get3A_264 = arith.constant 16 : index
        %get3A_265 = tpu.vector_load %arg6[%get3A_262, %get3A_263, %get3A_264] {strides = array<i32>} : memref<4x200x128xf32, #tpu.memory_space<vmem>>, vector<1x1x16xf32>,
        %get3A_266 = vector.shape_cast %get3A_265 : vector<1x1x16xf32> to vector<16xf32>
        %mul3A_267 = arith.constant 50 : i32
        %mul3A_268 = arith.muli %add3A_239, %mul3A_267 : i32
        %add3A_269 = arith.constant 50 : i32
        %add3A_270 = arith.addi %mul3A_268, %add3A_269 : i32
        %sub3A_271 = arith.constant 1 : i32
        %sub3A_272 = arith.subi %add3A_270, %sub3A_271 : i32
        %get3A_273 = arith.constant 0 : i32
        %get3A_274 = arith.index_cast %get3A_273 : i32 to index
        %get3A_275 = arith.index_cast %sub3A_272 : i32 to index
        %get3A_276 = arith.constant 16 : index
        %get3A_277 = tpu.vector_load %arg6[%get3A_274, %get3A_275, %get3A_276] {strides = array<i32>} : memref<4x200x128xf32, #tpu.memory_space<vmem>>, vector<1x1x16xf32>,
        %get3A_278 = vector.shape_cast %get3A_277 : vector<1x1x16xf32> to vector<16xf32>
        %add3A_279 = arith.addf %get3A_266, %get3A_278 : vector<16xf32>
        %mul3A_280 = arith.constant 50 : i32
        %mul3A_281 = arith.muli %add3A_239, %mul3A_280 : i32
        %get3A_282 = arith.constant 0 : i32
        %get3A_283 = arith.index_cast %get3A_282 : i32 to index
        %get3A_284 = arith.index_cast %mul3A_281 : i32 to index
        %get3A_285 = arith.constant 32 : index
        %get3A_286 = tpu.vector_load %arg6[%get3A_283, %get3A_284, %get3A_285] {strides = array<i32>} : memref<4x200x128xf32, #tpu.memory_space<vmem>>, vector<1x1x16xf32>,
        %get3A_287 = vector.shape_cast %get3A_286 : vector<1x1x16xf32> to vector<16xf32>
        %mul3A_288 = arith.constant 50 : i32
        %mul3A_289 = arith.muli %add3A_239, %mul3A_288 : i32
        %add3A_290 = arith.constant 50 : i32
        %add3A_291 = arith.addi %mul3A_289, %add3A_290 : i32
        %sub3A_292 = arith.constant 1 : i32
        %sub3A_293 = arith.subi %add3A_291, %sub3A_292 : i32
        %get3A_294 = arith.constant 0 : i32
        %get3A_295 = arith.index_cast %get3A_294 : i32 to index
        %get3A_296 = arith.index_cast %sub3A_293 : i32 to index
        %get3A_297 = arith.constant 32 : index
        %get3A_298 = tpu.vector_load %arg6[%get3A_295, %get3A_296, %get3A_297] {strides = array<i32>} : memref<4x200x128xf32, #tpu.memory_space<vmem>>, vector<1x1x16xf32>,
        %get3A_299 = vector.shape_cast %get3A_298 : vector<1x1x16xf32> to vector<16xf32>
        %add3A_300 = arith.addf %get3A_287, %get3A_299 : vector<16xf32>
        %mul3A_301 = arith.constant 50 : i32
        %mul3A_302 = arith.muli %add3A_239, %mul3A_301 : i32
        %get3A_303 = arith.constant 0 : i32
        %get3A_304 = arith.index_cast %get3A_303 : i32 to index
        %get3A_305 = arith.index_cast %mul3A_302 : i32 to index
        %get3A_306 = arith.constant 48 : index
        %get3A_307 = tpu.vector_load %arg6[%get3A_304, %get3A_305, %get3A_306] {strides = array<i32>} : memref<4x200x128xf32, #tpu.memory_space<vmem>>, vector<1x1x16xf32>,
        %get3A_308 = vector.shape_cast %get3A_307 : vector<1x1x16xf32> to vector<16xf32>
        %mul3A_309 = arith.constant 50 : i32
        %mul3A_310 = arith.muli %add3A_239, %mul3A_309 : i32
        %add3A_311 = arith.constant 50 : i32
        %add3A_312 = arith.addi %mul3A_310, %add3A_311 : i32
        %sub3A_313 = arith.constant 1 : i32
        %sub3A_314 = arith.subi %add3A_312, %sub3A_313 : i32
        %get3A_315 = arith.constant 0 : i32
        %get3A_316 = arith.index_cast %get3A_315 : i32 to index
        %get3A_317 = arith.index_cast %sub3A_314 : i32 to index
        %get3A_318 = arith.constant 48 : index
        %get3A_319 = tpu.vector_load %arg6[%get3A_316, %get3A_317, %get3A_318] {strides = array<i32>} : memref<4x200x128xf32, #tpu.memory_space<vmem>>, vector<1x1x16xf32>,
        %get3A_320 = vector.shape_cast %get3A_319 : vector<1x1x16xf32> to vector<16xf32>
        %add3A_321 = arith.addf %get3A_308, %get3A_320 : vector<16xf32>
        %mul3A_322 = arith.constant 50 : i32
        %mul3A_323 = arith.muli %add3A_239, %mul3A_322 : i32
        %get3A_324 = arith.constant 0 : i32
        %get3A_325 = arith.index_cast %get3A_324 : i32 to index
        %get3A_326 = arith.index_cast %mul3A_323 : i32 to index
        %get3A_327 = arith.constant 64 : index
        %get3A_328 = tpu.vector_load %arg6[%get3A_325, %get3A_326, %get3A_327] {strides = array<i32>} : memref<4x200x128xf32, #tpu.memory_space<vmem>>, vector<1x1x16xf32>,
        %get3A_329 = vector.shape_cast %get3A_328 : vector<1x1x16xf32> to vector<16xf32>
        %mul3A_330 = arith.constant 50 : i32
        %mul3A_331 = arith.muli %add3A_239, %mul3A_330 : i32
        %add3A_332 = arith.constant 50 : i32
        %add3A_333 = arith.addi %mul3A_331, %add3A_332 : i32
        %sub3A_334 = arith.constant 1 : i32
        %sub3A_335 = arith.subi %add3A_333, %sub3A_334 : i32
        %get3A_336 = arith.constant 0 : i32
        %get3A_337 = arith.index_cast %get3A_336 : i32 to index
        %get3A_338 = arith.index_cast %sub3A_335 : i32 to index
        %get3A_339 = arith.constant 64 : index
        %get3A_340 = tpu.vector_load %arg6[%get3A_337, %get3A_338, %get3A_339] {strides = array<i32>} : memref<4x200x128xf32, #tpu.memory_space<vmem>>, vector<1x1x16xf32>,
        %get3A_341 = vector.shape_cast %get3A_340 : vector<1x1x16xf32> to vector<16xf32>
        %add3A_342 = arith.addf %get3A_329, %get3A_341 : vector<16xf32>
        %mul3A_343 = arith.constant 50 : i32
        %mul3A_344 = arith.muli %add3A_239, %mul3A_343 : i32
        %get3A_345 = arith.constant 0 : i32
        %get3A_346 = arith.index_cast %get3A_345 : i32 to index
        %get3A_347 = arith.index_cast %mul3A_344 : i32 to index
        %get3A_348 = arith.constant 80 : index
        %get3A_349 = tpu.vector_load %arg6[%get3A_346, %get3A_347, %get3A_348] {strides = array<i32>} : memref<4x200x128xf32, #tpu.memory_space<vmem>>, vector<1x1x16xf32>,
        %get3A_350 = vector.shape_cast %get3A_349 : vector<1x1x16xf32> to vector<16xf32>
        %mul3A_351 = arith.constant 50 : i32
        %mul3A_352 = arith.muli %add3A_239, %mul3A_351 : i32
        %add3A_353 = arith.constant 50 : i32
        %add3A_354 = arith.addi %mul3A_352, %add3A_353 : i32
        %sub3A_355 = arith.constant 1 : i32
        %sub3A_356 = arith.subi %add3A_354, %sub3A_355 : i32
        %get3A_357 = arith.constant 0 : i32
        %get3A_358 = arith.index_cast %get3A_357 : i32 to index
        %get3A_359 = arith.index_cast %sub3A_356 : i32 to index
        %get3A_360 = arith.constant 80 : index
        %get3A_361 = tpu.vector_load %arg6[%get3A_358, %get3A_359, %get3A_360] {strides = array<i32>} : memref<4x200x128xf32, #tpu.memory_space<vmem>>, vector<1x1x16xf32>,
        %get3A_362 = vector.shape_cast %get3A_361 : vector<1x1x16xf32> to vector<16xf32>
        %add3A_363 = arith.addf %get3A_350, %get3A_362 : vector<16xf32>
        %mul3A_364 = arith.constant 50 : i32
        %mul3A_365 = arith.muli %add3A_239, %mul3A_364 : i32
        %get3A_366 = arith.constant 0 : i32
        %get3A_367 = arith.index_cast %get3A_366 : i32 to index
        %get3A_368 = arith.index_cast %mul3A_365 : i32 to index
        %get3A_369 = arith.constant 96 : index
        %get3A_370 = tpu.vector_load %arg6[%get3A_367, %get3A_368, %get3A_369] {strides = array<i32>} : memref<4x200x128xf32, #tpu.memory_space<vmem>>, vector<1x1x16xf32>,
        %get3A_371 = vector.shape_cast %get3A_370 : vector<1x1x16xf32> to vector<16xf32>
        %mul3A_372 = arith.constant 50 : i32
        %mul3A_373 = arith.muli %add3A_239, %mul3A_372 : i32
        %add3A_374 = arith.constant 50 : i32
        %add3A_375 = arith.addi %mul3A_373, %add3A_374 : i32
        %sub3A_376 = arith.constant 1 : i32
        %sub3A_377 = arith.subi %add3A_375, %sub3A_376 : i32
        %get3A_378 = arith.constant 0 : i32
        %get3A_379 = arith.index_cast %get3A_378 : i32 to index
        %get3A_380 = arith.index_cast %sub3A_377 : i32 to index
        %get3A_381 = arith.constant 96 : index
        %get3A_382 = tpu.vector_load %arg6[%get3A_379, %get3A_380, %get3A_381] {strides = array<i32>} : memref<4x200x128xf32, #tpu.memory_space<vmem>>, vector<1x1x16xf32>,
        %get3A_383 = vector.shape_cast %get3A_382 : vector<1x1x16xf32> to vector<16xf32>
        %add3A_384 = arith.addf %get3A_371, %get3A_383 : vector<16xf32>
        %mul3A_385 = arith.constant 50 : i32
        %mul3A_386 = arith.muli %add3A_239, %mul3A_385 : i32
        %get3A_387 = arith.constant 0 : i32
        %get3A_388 = arith.index_cast %get3A_387 : i32 to index
        %get3A_389 = arith.index_cast %mul3A_386 : i32 to index
        %get3A_390 = arith.constant 112 : index
        %get3A_391 = tpu.vector_load %arg6[%get3A_388, %get3A_389, %get3A_390] {strides = array<i32>} : memref<4x200x128xf32, #tpu.memory_space<vmem>>, vector<1x1x16xf32>,
        %get3A_392 = vector.shape_cast %get3A_391 : vector<1x1x16xf32> to vector<16xf32>
        %mul3A_393 = arith.constant 50 : i32
        %mul3A_394 = arith.muli %add3A_239, %mul3A_393 : i32
        %add3A_395 = arith.constant 50 : i32
        %add3A_396 = arith.addi %mul3A_394, %add3A_395 : i32
        %sub3A_397 = arith.constant 1 : i32
        %sub3A_398 = arith.subi %add3A_396, %sub3A_397 : i32
        %get3A_399 = arith.constant 0 : i32
        %get3A_400 = arith.index_cast %get3A_399 : i32 to index
        %get3A_401 = arith.index_cast %sub3A_398 : i32 to index
        %get3A_402 = arith.constant 112 : index
        %get3A_403 = tpu.vector_load %arg6[%get3A_400, %get3A_401, %get3A_402] {strides = array<i32>} : memref<4x200x128xf32, #tpu.memory_space<vmem>>, vector<1x1x16xf32>,
        %get3A_404 = vector.shape_cast %get3A_403 : vector<1x1x16xf32> to vector<16xf32>
        %add3A_405 = arith.addf %get3A_392, %get3A_404 : vector<16xf32>
        %scan3A_406 = arith.constant 0 : i32
        %scan3A_407 = arith.constant 12 : i32
        %scan3A_408 = arith.addi %scan3A_406, %scan3A_407 : i32
        %scan3A_409 = arith.constant 1 : i32
        %scan3A_410:8 = scf.for %scan3A_475 = %scan3A_406 to %scan3A_408 step %scan3A_409 iter_args(%scan3A_476 = %add3A_258, %scan3A_477 = %add3A_279, %scan3A_478 = %add3A_300, %scan3A_479 = %add3A_321, %scan3A_480 = %add3A_342, %scan3A_481 = %add3A_363, %scan3A_482 = %add3A_384, %scan3A_483 = %add3A_405) -> (vector<16xf32>, vector<16xf32>, vector<16xf32>, vector<16xf32>, vector<16xf32>, vector<16xf32>, vector<16xf32>, vector<16xf32>)  : i32 {
          %mul3A_484 = arith.constant 4 : i32
          %mul3A_485 = arith.muli %scan3A_475, %mul3A_484 : i32
          %add3A_486 = arith.constant 1 : i32
          %add3A_487 = arith.addi %add3A_486, %mul3A_485 : i32
          %add3A_488 = arith.constant 0 : i32
          %add3A_489 = arith.addi %add3A_487, %add3A_488 : i32
          %mul3A_490 = arith.constant 50 : i32
          %mul3A_491 = arith.muli %add3A_239, %mul3A_490 : i32
          %add3A_492 = arith.addi %mul3A_491, %add3A_489 : i32
          %get3A_493 = arith.constant 0 : i32
          %get3A_494 = arith.index_cast %get3A_493 : i32 to index
          %get3A_495 = arith.index_cast %add3A_492 : i32 to index
          %get3A_496 = arith.constant 0 : index
          %get3A_497 = tpu.vector_load %arg6[%get3A_494, %get3A_495, %get3A_496] {strides = array<i32>} : memref<4x200x128xf32, #tpu.memory_space<vmem>>, vector<1x1x16xf32>,
          %get3A_498 = vector.shape_cast %get3A_497 : vector<1x1x16xf32> to vector<16xf32>
          %add3A_499 = arith.addf %scan3A_476, %get3A_498 : vector<16xf32>
          %mul3A_500 = arith.constant 50 : i32
          %mul3A_501 = arith.muli %add3A_239, %mul3A_500 : i32
          %add3A_502 = arith.addi %mul3A_501, %add3A_489 : i32
          %get3A_503 = arith.constant 0 : i32
          %get3A_504 = arith.index_cast %get3A_503 : i32 to index
          %get3A_505 = arith.index_cast %add3A_502 : i32 to index
          %get3A_506 = arith.constant 16 : index
          %get3A_507 = tpu.vector_load %arg6[%get3A_504, %get3A_505, %get3A_506] {strides = array<i32>} : memref<4x200x128xf32, #tpu.memory_space<vmem>>, vector<1x1x16xf32>,
          %get3A_508 = vector.shape_cast %get3A_507 : vector<1x1x16xf32> to vector<16xf32>
          %add3A_509 = arith.addf %scan3A_477, %get3A_508 : vector<16xf32>
          %mul3A_510 = arith.constant 50 : i32
          %mul3A_511 = arith.muli %add3A_239, %mul3A_510 : i32
          %add3A_512 = arith.addi %mul3A_511, %add3A_489 : i32
          %get3A_513 = arith.constant 0 : i32
          %get3A_514 = arith.index_cast %get3A_513 : i32 to index
          %get3A_515 = arith.index_cast %add3A_512 : i32 to index
          %get3A_516 = arith.constant 32 : index
          %get3A_517 = tpu.vector_load %arg6[%get3A_514, %get3A_515, %get3A_516] {strides = array<i32>} : memref<4x200x128xf32, #tpu.memory_space<vmem>>, vector<1x1x16xf32>,
          %get3A_518 = vector.shape_cast %get3A_517 : vector<1x1x16xf32> to vector<16xf32>
          %add3A_519 = arith.addf %scan3A_478, %get3A_518 : vector<16xf32>
          %mul3A_520 = arith.constant 50 : i32
          %mul3A_521 = arith.muli %add3A_239, %mul3A_520 : i32
          %add3A_522 = arith.addi %mul3A_521, %add3A_489 : i32
          %get3A_523 = arith.constant 0 : i32
          %get3A_524 = arith.index_cast %get3A_523 : i32 to index
          %get3A_525 = arith.index_cast %add3A_522 : i32 to index
          %get3A_526 = arith.constant 48 : index
          %get3A_527 = tpu.vector_load %arg6[%get3A_524, %get3A_525, %get3A_526] {strides = array<i32>} : memref<4x200x128xf32, #tpu.memory_space<vmem>>, vector<1x1x16xf32>,
          %get3A_528 = vector.shape_cast %get3A_527 : vector<1x1x16xf32> to vector<16xf32>
          %add3A_529 = arith.addf %scan3A_479, %get3A_528 : vector<16xf32>
          %mul3A_530 = arith.constant 50 : i32
          %mul3A_531 = arith.muli %add3A_239, %mul3A_530 : i32
          %add3A_532 = arith.addi %mul3A_531, %add3A_489 : i32
          %get3A_533 = arith.constant 0 : i32
          %get3A_534 = arith.index_cast %get3A_533 : i32 to index
          %get3A_535 = arith.index_cast %add3A_532 : i32 to index
          %get3A_536 = arith.constant 64 : index
          %get3A_537 = tpu.vector_load %arg6[%get3A_534, %get3A_535, %get3A_536] {strides = array<i32>} : memref<4x200x128xf32, #tpu.memory_space<vmem>>, vector<1x1x16xf32>,
          %get3A_538 = vector.shape_cast %get3A_537 : vector<1x1x16xf32> to vector<16xf32>
          %add3A_539 = arith.addf %scan3A_480, %get3A_538 : vector<16xf32>
          %mul3A_540 = arith.constant 50 : i32
          %mul3A_541 = arith.muli %add3A_239, %mul3A_540 : i32
          %add3A_542 = arith.addi %mul3A_541, %add3A_489 : i32
          %get3A_543 = arith.constant 0 : i32
          %get3A_544 = arith.index_cast %get3A_543 : i32 to index
          %get3A_545 = arith.index_cast %add3A_542 : i32 to index
          %get3A_546 = arith.constant 80 : index
          %get3A_547 = tpu.vector_load %arg6[%get3A_544, %get3A_545, %get3A_546] {strides = array<i32>} : memref<4x200x128xf32, #tpu.memory_space<vmem>>, vector<1x1x16xf32>,
          %get3A_548 = vector.shape_cast %get3A_547 : vector<1x1x16xf32> to vector<16xf32>
          %add3A_549 = arith.addf %scan3A_481, %get3A_548 : vector<16xf32>
          %mul3A_550 = arith.constant 50 : i32
          %mul3A_551 = arith.muli %add3A_239, %mul3A_550 : i32
          %add3A_552 = arith.addi %mul3A_551, %add3A_489 : i32
          %get3A_553 = arith.constant 0 : i32
          %get3A_554 = arith.index_cast %get3A_553 : i32 to index
          %get3A_555 = arith.index_cast %add3A_552 : i32 to index
          %get3A_556 = arith.constant 96 : index
          %get3A_557 = tpu.vector_load %arg6[%get3A_554, %get3A_555, %get3A_556] {strides = array<i32>} : memref<4x200x128xf32, #tpu.memory_space<vmem>>, vector<1x1x16xf32>,
          %get3A_558 = vector.shape_cast %get3A_557 : vector<1x1x16xf32> to vector<16xf32>
          %add3A_559 = arith.addf %scan3A_482, %get3A_558 : vector<16xf32>
          %mul3A_560 = arith.constant 50 : i32
          %mul3A_561 = arith.muli %add3A_239, %mul3A_560 : i32
          %add3A_562 = arith.addi %mul3A_561, %add3A_489 : i32
          %get3A_563 = arith.constant 0 : i32
          %get3A_564 = arith.index_cast %get3A_563 : i32 to index
          %get3A_565 = arith.index_cast %add3A_562 : i32 to index
          %get3A_566 = arith.constant 112 : index
          %get3A_567 = tpu.vector_load %arg6[%get3A_564, %get3A_565, %get3A_566] {strides = array<i32>} : memref<4x200x128xf32, #tpu.memory_space<vmem>>, vector<1x1x16xf32>,
          %get3A_568 = vector.shape_cast %get3A_567 : vector<1x1x16xf32> to vector<16xf32>
          %add3A_569 = arith.addf %scan3A_483, %get3A_568 : vector<16xf32>
          %mul3A_570 = arith.constant 4 : i32
          %mul3A_571 = arith.muli %scan3A_475, %mul3A_570 : i32
          %add3A_572 = arith.constant 1 : i32
          %add3A_573 = arith.addi %add3A_572, %mul3A_571 : i32
          %add3A_574 = arith.constant 1 : i32
          %add3A_575 = arith.addi %add3A_573, %add3A_574 : i32
          %mul3A_576 = arith.constant 50 : i32
          %mul3A_577 = arith.muli %add3A_239, %mul3A_576 : i32
          %add3A_578 = arith.addi %mul3A_577, %add3A_575 : i32
          %get3A_579 = arith.constant 0 : i32
          %get3A_580 = arith.index_cast %get3A_579 : i32 to index
          %get3A_581 = arith.index_cast %add3A_578 : i32 to index
          %get3A_582 = arith.constant 0 : index
          %get3A_583 = tpu.vector_load %arg6[%get3A_580, %get3A_581, %get3A_582] {strides = array<i32>} : memref<4x200x128xf32, #tpu.memory_space<vmem>>, vector<1x1x16xf32>,
          %get3A_584 = vector.shape_cast %get3A_583 : vector<1x1x16xf32> to vector<16xf32>
          %add3A_585 = arith.addf %add3A_499, %get3A_584 : vector<16xf32>
          %mul3A_586 = arith.constant 50 : i32
          %mul3A_587 = arith.muli %add3A_239, %mul3A_586 : i32
          %add3A_588 = arith.addi %mul3A_587, %add3A_575 : i32
          %get3A_589 = arith.constant 0 : i32
          %get3A_590 = arith.index_cast %get3A_589 : i32 to index
          %get3A_591 = arith.index_cast %add3A_588 : i32 to index
          %get3A_592 = arith.constant 16 : index
          %get3A_593 = tpu.vector_load %arg6[%get3A_590, %get3A_591, %get3A_592] {strides = array<i32>} : memref<4x200x128xf32, #tpu.memory_space<vmem>>, vector<1x1x16xf32>,
          %get3A_594 = vector.shape_cast %get3A_593 : vector<1x1x16xf32> to vector<16xf32>
          %add3A_595 = arith.addf %add3A_509, %get3A_594 : vector<16xf32>
          %mul3A_596 = arith.constant 50 : i32
          %mul3A_597 = arith.muli %add3A_239, %mul3A_596 : i32
          %add3A_598 = arith.addi %mul3A_597, %add3A_575 : i32
          %get3A_599 = arith.constant 0 : i32
          %get3A_600 = arith.index_cast %get3A_599 : i32 to index
          %get3A_601 = arith.index_cast %add3A_598 : i32 to index
          %get3A_602 = arith.constant 32 : index
          %get3A_603 = tpu.vector_load %arg6[%get3A_600, %get3A_601, %get3A_602] {strides = array<i32>} : memref<4x200x128xf32, #tpu.memory_space<vmem>>, vector<1x1x16xf32>,
          %get3A_604 = vector.shape_cast %get3A_603 : vector<1x1x16xf32> to vector<16xf32>
          %add3A_605 = arith.addf %add3A_519, %get3A_604 : vector<16xf32>
          %mul3A_606 = arith.constant 50 : i32
          %mul3A_607 = arith.muli %add3A_239, %mul3A_606 : i32
          %add3A_608 = arith.addi %mul3A_607, %add3A_575 : i32
          %get3A_609 = arith.constant 0 : i32
          %get3A_610 = arith.index_cast %get3A_609 : i32 to index
          %get3A_611 = arith.index_cast %add3A_608 : i32 to index
          %get3A_612 = arith.constant 48 : index
          %get3A_613 = tpu.vector_load %arg6[%get3A_610, %get3A_611, %get3A_612] {strides = array<i32>} : memref<4x200x128xf32, #tpu.memory_space<vmem>>, vector<1x1x16xf32>,
          %get3A_614 = vector.shape_cast %get3A_613 : vector<1x1x16xf32> to vector<16xf32>
          %add3A_615 = arith.addf %add3A_529, %get3A_614 : vector<16xf32>
          %mul3A_616 = arith.constant 50 : i32
          %mul3A_617 = arith.muli %add3A_239, %mul3A_616 : i32
          %add3A_618 = arith.addi %mul3A_617, %add3A_575 : i32
          %get3A_619 = arith.constant 0 : i32
          %get3A_620 = arith.index_cast %get3A_619 : i32 to index
          %get3A_621 = arith.index_cast %add3A_618 : i32 to index
          %get3A_622 = arith.constant 64 : index
          %get3A_623 = tpu.vector_load %arg6[%get3A_620, %get3A_621, %get3A_622] {strides = array<i32>} : memref<4x200x128xf32, #tpu.memory_space<vmem>>, vector<1x1x16xf32>,
          %get3A_624 = vector.shape_cast %get3A_623 : vector<1x1x16xf32> to vector<16xf32>
          %add3A_625 = arith.addf %add3A_539, %get3A_624 : vector<16xf32>
          %mul3A_626 = arith.constant 50 : i32
          %mul3A_627 = arith.muli %add3A_239, %mul3A_626 : i32
          %add3A_628 = arith.addi %mul3A_627, %add3A_575 : i32
          %get3A_629 = arith.constant 0 : i32
          %get3A_630 = arith.index_cast %get3A_629 : i32 to index
          %get3A_631 = arith.index_cast %add3A_628 : i32 to index
          %get3A_632 = arith.constant 80 : index
          %get3A_633 = tpu.vector_load %arg6[%get3A_630, %get3A_631, %get3A_632] {strides = array<i32>} : memref<4x200x128xf32, #tpu.memory_space<vmem>>, vector<1x1x16xf32>,
          %get3A_634 = vector.shape_cast %get3A_633 : vector<1x1x16xf32> to vector<16xf32>
          %add3A_635 = arith.addf %add3A_549, %get3A_634 : vector<16xf32>
          %mul3A_636 = arith.constant 50 : i32
          %mul3A_637 = arith.muli %add3A_239, %mul3A_636 : i32
          %add3A_638 = arith.addi %mul3A_637, %add3A_575 : i32
          %get3A_639 = arith.constant 0 : i32
          %get3A_640 = arith.index_cast %get3A_639 : i32 to index
          %get3A_641 = arith.index_cast %add3A_638 : i32 to index
          %get3A_642 = arith.constant 96 : index
          %get3A_643 = tpu.vector_load %arg6[%get3A_640, %get3A_641, %get3A_642] {strides = array<i32>} : memref<4x200x128xf32, #tpu.memory_space<vmem>>, vector<1x1x16xf32>,
          %get3A_644 = vector.shape_cast %get3A_643 : vector<1x1x16xf32> to vector<16xf32>
          %add3A_645 = arith.addf %add3A_559, %get3A_644 : vector<16xf32>
          %mul3A_646 = arith.constant 50 : i32
          %mul3A_647 = arith.muli %add3A_239, %mul3A_646 : i32
          %add3A_648 = arith.addi %mul3A_647, %add3A_575 : i32
          %get3A_649 = arith.constant 0 : i32
          %get3A_650 = arith.index_cast %get3A_649 : i32 to index
          %get3A_651 = arith.index_cast %add3A_648 : i32 to index
          %get3A_652 = arith.constant 112 : index
          %get3A_653 = tpu.vector_load %arg6[%get3A_650, %get3A_651, %get3A_652] {strides = array<i32>} : memref<4x200x128xf32, #tpu.memory_space<vmem>>, vector<1x1x16xf32>,
          %get3A_654 = vector.shape_cast %get3A_653 : vector<1x1x16xf32> to vector<16xf32>
          %add3A_655 = arith.addf %add3A_569, %get3A_654 : vector<16xf32>
          %mul3A_656 = arith.constant 4 : i32
          %mul3A_657 = arith.muli %scan3A_475, %mul3A_656 : i32
          %add3A_658 = arith.constant 1 : i32
          %add3A_659 = arith.addi %add3A_658, %mul3A_657 : i32
          %add3A_660 = arith.constant 2 : i32
          %add3A_661 = arith.addi %add3A_659, %add3A_660 : i32
          %mul3A_662 = arith.constant 50 : i32
          %mul3A_663 = arith.muli %add3A_239, %mul3A_662 : i32
          %add3A_664 = arith.addi %mul3A_663, %add3A_661 : i32
          %get3A_665 = arith.constant 0 : i32
          %get3A_666 = arith.index_cast %get3A_665 : i32 to index
          %get3A_667 = arith.index_cast %add3A_664 : i32 to index
          %get3A_668 = arith.constant 0 : index
          %get3A_669 = tpu.vector_load %arg6[%get3A_666, %get3A_667, %get3A_668] {strides = array<i32>} : memref<4x200x128xf32, #tpu.memory_space<vmem>>, vector<1x1x16xf32>,
          %get3A_670 = vector.shape_cast %get3A_669 : vector<1x1x16xf32> to vector<16xf32>
          %add3A_671 = arith.addf %add3A_585, %get3A_670 : vector<16xf32>
          %mul3A_672 = arith.constant 50 : i32
          %mul3A_673 = arith.muli %add3A_239, %mul3A_672 : i32
          %add3A_674 = arith.addi %mul3A_673, %add3A_661 : i32
          %get3A_675 = arith.constant 0 : i32
          %get3A_676 = arith.index_cast %get3A_675 : i32 to index
          %get3A_677 = arith.index_cast %add3A_674 : i32 to index
          %get3A_678 = arith.constant 16 : index
          %get3A_679 = tpu.vector_load %arg6[%get3A_676, %get3A_677, %get3A_678] {strides = array<i32>} : memref<4x200x128xf32, #tpu.memory_space<vmem>>, vector<1x1x16xf32>,
          %get3A_680 = vector.shape_cast %get3A_679 : vector<1x1x16xf32> to vector<16xf32>
          %add3A_681 = arith.addf %add3A_595, %get3A_680 : vector<16xf32>
          %mul3A_682 = arith.constant 50 : i32
          %mul3A_683 = arith.muli %add3A_239, %mul3A_682 : i32
          %add3A_684 = arith.addi %mul3A_683, %add3A_661 : i32
          %get3A_685 = arith.constant 0 : i32
          %get3A_686 = arith.index_cast %get3A_685 : i32 to index
          %get3A_687 = arith.index_cast %add3A_684 : i32 to index
          %get3A_688 = arith.constant 32 : index
          %get3A_689 = tpu.vector_load %arg6[%get3A_686, %get3A_687, %get3A_688] {strides = array<i32>} : memref<4x200x128xf32, #tpu.memory_space<vmem>>, vector<1x1x16xf32>,
          %get3A_690 = vector.shape_cast %get3A_689 : vector<1x1x16xf32> to vector<16xf32>
          %add3A_691 = arith.addf %add3A_605, %get3A_690 : vector<16xf32>
          %mul3A_692 = arith.constant 50 : i32
          %mul3A_693 = arith.muli %add3A_239, %mul3A_692 : i32
          %add3A_694 = arith.addi %mul3A_693, %add3A_661 : i32
          %get3A_695 = arith.constant 0 : i32
          %get3A_696 = arith.index_cast %get3A_695 : i32 to index
          %get3A_697 = arith.index_cast %add3A_694 : i32 to index
          %get3A_698 = arith.constant 48 : index
          %get3A_699 = tpu.vector_load %arg6[%get3A_696, %get3A_697, %get3A_698] {strides = array<i32>} : memref<4x200x128xf32, #tpu.memory_space<vmem>>, vector<1x1x16xf32>,
          %get3A_700 = vector.shape_cast %get3A_699 : vector<1x1x16xf32> to vector<16xf32>
          %add3A_701 = arith.addf %add3A_615, %get3A_700 : vector<16xf32>
          %mul3A_702 = arith.constant 50 : i32
          %mul3A_703 = arith.muli %add3A_239, %mul3A_702 : i32
          %add3A_704 = arith.addi %mul3A_703, %add3A_661 : i32
          %get3A_705 = arith.constant 0 : i32
          %get3A_706 = arith.index_cast %get3A_705 : i32 to index
          %get3A_707 = arith.index_cast %add3A_704 : i32 to index
          %get3A_708 = arith.constant 64 : index
          %get3A_709 = tpu.vector_load %arg6[%get3A_706, %get3A_707, %get3A_708] {strides = array<i32>} : memref<4x200x128xf32, #tpu.memory_space<vmem>>, vector<1x1x16xf32>,
          %get3A_710 = vector.shape_cast %get3A_709 : vector<1x1x16xf32> to vector<16xf32>
          %add3A_711 = arith.addf %add3A_625, %get3A_710 : vector<16xf32>
          %mul3A_712 = arith.constant 50 : i32
          %mul3A_713 = arith.muli %add3A_239, %mul3A_712 : i32
          %add3A_714 = arith.addi %mul3A_713, %add3A_661 : i32
          %get3A_715 = arith.constant 0 : i32
          %get3A_716 = arith.index_cast %get3A_715 : i32 to index
          %get3A_717 = arith.index_cast %add3A_714 : i32 to index
          %get3A_718 = arith.constant 80 : index
          %get3A_719 = tpu.vector_load %arg6[%get3A_716, %get3A_717, %get3A_718] {strides = array<i32>} : memref<4x200x128xf32, #tpu.memory_space<vmem>>, vector<1x1x16xf32>,
          %get3A_720 = vector.shape_cast %get3A_719 : vector<1x1x16xf32> to vector<16xf32>
          %add3A_721 = arith.addf %add3A_635, %get3A_720 : vector<16xf32>
          %mul3A_722 = arith.constant 50 : i32
          %mul3A_723 = arith.muli %add3A_239, %mul3A_722 : i32
          %add3A_724 = arith.addi %mul3A_723, %add3A_661 : i32
          %get3A_725 = arith.constant 0 : i32
          %get3A_726 = arith.index_cast %get3A_725 : i32 to index
          %get3A_727 = arith.index_cast %add3A_724 : i32 to index
          %get3A_728 = arith.constant 96 : index
          %get3A_729 = tpu.vector_load %arg6[%get3A_726, %get3A_727, %get3A_728] {strides = array<i32>} : memref<4x200x128xf32, #tpu.memory_space<vmem>>, vector<1x1x16xf32>,
          %get3A_730 = vector.shape_cast %get3A_729 : vector<1x1x16xf32> to vector<16xf32>
          %add3A_731 = arith.addf %add3A_645, %get3A_730 : vector<16xf32>
          %mul3A_732 = arith.constant 50 : i32
          %mul3A_733 = arith.muli %add3A_239, %mul3A_732 : i32
          %add3A_734 = arith.addi %mul3A_733, %add3A_661 : i32
          %get3A_735 = arith.constant 0 : i32
          %get3A_736 = arith.index_cast %get3A_735 : i32 to index
          %get3A_737 = arith.index_cast %add3A_734 : i32 to index
          %get3A_738 = arith.constant 112 : index
          %get3A_739 = tpu.vector_load %arg6[%get3A_736, %get3A_737, %get3A_738] {strides = array<i32>} : memref<4x200x128xf32, #tpu.memory_space<vmem>>, vector<1x1x16xf32>,
          %get3A_740 = vector.shape_cast %get3A_739 : vector<1x1x16xf32> to vector<16xf32>
          %add3A_741 = arith.addf %add3A_655, %get3A_740 : vector<16xf32>
          %mul3A_742 = arith.constant 4 : i32
          %mul3A_743 = arith.muli %scan3A_475, %mul3A_742 : i32
          %add3A_744 = arith.constant 1 : i32
          %add3A_745 = arith.addi %add3A_744, %mul3A_743 : i32
          %add3A_746 = arith.constant 3 : i32
          %add3A_747 = arith.addi %add3A_745, %add3A_746 : i32
          %mul3A_748 = arith.constant 50 : i32
          %mul3A_749 = arith.muli %add3A_239, %mul3A_748 : i32
          %add3A_750 = arith.addi %mul3A_749, %add3A_747 : i32
          %get3A_751 = arith.constant 0 : i32
          %get3A_752 = arith.index_cast %get3A_751 : i32 to index
          %get3A_753 = arith.index_cast %add3A_750 : i32 to index
          %get3A_754 = arith.constant 0 : index
          %get3A_755 = tpu.vector_load %arg6[%get3A_752, %get3A_753, %get3A_754] {strides = array<i32>} : memref<4x200x128xf32, #tpu.memory_space<vmem>>, vector<1x1x16xf32>,
          %get3A_756 = vector.shape_cast %get3A_755 : vector<1x1x16xf32> to vector<16xf32>
          %add3A_757 = arith.addf %add3A_671, %get3A_756 : vector<16xf32>
          %mul3A_758 = arith.constant 50 : i32
          %mul3A_759 = arith.muli %add3A_239, %mul3A_758 : i32
          %add3A_760 = arith.addi %mul3A_759, %add3A_747 : i32
          %get3A_761 = arith.constant 0 : i32
          %get3A_762 = arith.index_cast %get3A_761 : i32 to index
          %get3A_763 = arith.index_cast %add3A_760 : i32 to index
          %get3A_764 = arith.constant 16 : index
          %get3A_765 = tpu.vector_load %arg6[%get3A_762, %get3A_763, %get3A_764] {strides = array<i32>} : memref<4x200x128xf32, #tpu.memory_space<vmem>>, vector<1x1x16xf32>,
          %get3A_766 = vector.shape_cast %get3A_765 : vector<1x1x16xf32> to vector<16xf32>
          %add3A_767 = arith.addf %add3A_681, %get3A_766 : vector<16xf32>
          %mul3A_768 = arith.constant 50 : i32
          %mul3A_769 = arith.muli %add3A_239, %mul3A_768 : i32
          %add3A_770 = arith.addi %mul3A_769, %add3A_747 : i32
          %get3A_771 = arith.constant 0 : i32
          %get3A_772 = arith.index_cast %get3A_771 : i32 to index
          %get3A_773 = arith.index_cast %add3A_770 : i32 to index
          %get3A_774 = arith.constant 32 : index
          %get3A_775 = tpu.vector_load %arg6[%get3A_772, %get3A_773, %get3A_774] {strides = array<i32>} : memref<4x200x128xf32, #tpu.memory_space<vmem>>, vector<1x1x16xf32>,
          %get3A_776 = vector.shape_cast %get3A_775 : vector<1x1x16xf32> to vector<16xf32>
          %add3A_777 = arith.addf %add3A_691, %get3A_776 : vector<16xf32>
          %mul3A_778 = arith.constant 50 : i32
          %mul3A_779 = arith.muli %add3A_239, %mul3A_778 : i32
          %add3A_780 = arith.addi %mul3A_779, %add3A_747 : i32
          %get3A_781 = arith.constant 0 : i32
          %get3A_782 = arith.index_cast %get3A_781 : i32 to index
          %get3A_783 = arith.index_cast %add3A_780 : i32 to index
          %get3A_784 = arith.constant 48 : index
          %get3A_785 = tpu.vector_load %arg6[%get3A_782, %get3A_783, %get3A_784] {strides = array<i32>} : memref<4x200x128xf32, #tpu.memory_space<vmem>>, vector<1x1x16xf32>,
          %get3A_786 = vector.shape_cast %get3A_785 : vector<1x1x16xf32> to vector<16xf32>
          %add3A_787 = arith.addf %add3A_701, %get3A_786 : vector<16xf32>
          %mul3A_788 = arith.constant 50 : i32
          %mul3A_789 = arith.muli %add3A_239, %mul3A_788 : i32
          %add3A_790 = arith.addi %mul3A_789, %add3A_747 : i32
          %get3A_791 = arith.constant 0 : i32
          %get3A_792 = arith.index_cast %get3A_791 : i32 to index
          %get3A_793 = arith.index_cast %add3A_790 : i32 to index
          %get3A_794 = arith.constant 64 : index
          %get3A_795 = tpu.vector_load %arg6[%get3A_792, %get3A_793, %get3A_794] {strides = array<i32>} : memref<4x200x128xf32, #tpu.memory_space<vmem>>, vector<1x1x16xf32>,
          %get3A_796 = vector.shape_cast %get3A_795 : vector<1x1x16xf32> to vector<16xf32>
          %add3A_797 = arith.addf %add3A_711, %get3A_796 : vector<16xf32>
          %mul3A_798 = arith.constant 50 : i32
          %mul3A_799 = arith.muli %add3A_239, %mul3A_798 : i32
          %add3A_800 = arith.addi %mul3A_799, %add3A_747 : i32
          %get3A_801 = arith.constant 0 : i32
          %get3A_802 = arith.index_cast %get3A_801 : i32 to index
          %get3A_803 = arith.index_cast %add3A_800 : i32 to index
          %get3A_804 = arith.constant 80 : index
          %get3A_805 = tpu.vector_load %arg6[%get3A_802, %get3A_803, %get3A_804] {strides = array<i32>} : memref<4x200x128xf32, #tpu.memory_space<vmem>>, vector<1x1x16xf32>,
          %get3A_806 = vector.shape_cast %get3A_805 : vector<1x1x16xf32> to vector<16xf32>
          %add3A_807 = arith.addf %add3A_721, %get3A_806 : vector<16xf32>
          %mul3A_808 = arith.constant 50 : i32
          %mul3A_809 = arith.muli %add3A_239, %mul3A_808 : i32
          %add3A_810 = arith.addi %mul3A_809, %add3A_747 : i32
          %get3A_811 = arith.constant 0 : i32
          %get3A_812 = arith.index_cast %get3A_811 : i32 to index
          %get3A_813 = arith.index_cast %add3A_810 : i32 to index
          %get3A_814 = arith.constant 96 : index
          %get3A_815 = tpu.vector_load %arg6[%get3A_812, %get3A_813, %get3A_814] {strides = array<i32>} : memref<4x200x128xf32, #tpu.memory_space<vmem>>, vector<1x1x16xf32>,
          %get3A_816 = vector.shape_cast %get3A_815 : vector<1x1x16xf32> to vector<16xf32>
          %add3A_817 = arith.addf %add3A_731, %get3A_816 : vector<16xf32>
          %mul3A_818 = arith.constant 50 : i32
          %mul3A_819 = arith.muli %add3A_239, %mul3A_818 : i32
          %add3A_820 = arith.addi %mul3A_819, %add3A_747 : i32
          %get3A_821 = arith.constant 0 : i32
          %get3A_822 = arith.index_cast %get3A_821 : i32 to index
          %get3A_823 = arith.index_cast %add3A_820 : i32 to index
          %get3A_824 = arith.constant 112 : index
          %get3A_825 = tpu.vector_load %arg6[%get3A_822, %get3A_823, %get3A_824] {strides = array<i32>} : memref<4x200x128xf32, #tpu.memory_space<vmem>>, vector<1x1x16xf32>,
          %get3A_826 = vector.shape_cast %get3A_825 : vector<1x1x16xf32> to vector<16xf32>
          %add3A_827 = arith.addf %add3A_741, %get3A_826 : vector<16xf32>
          scf.yield %add3A_757, %add3A_767, %add3A_777, %add3A_787, %add3A_797, %add3A_807, %add3A_817, %add3A_827 : vector<16xf32>, vector<16xf32>, vector<16xf32>, vector<16xf32>, vector<16xf32>, vector<16xf32>, vector<16xf32>, vector<16xf32>
        }
        %scan3A_411 = arith.constant 12 : i32
        %mul3A_412 = arith.constant 4 : i32
        %mul3A_413 = arith.muli %add3A_98, %mul3A_412 : i32
        %add3A_414 = arith.addi %mul3A_413, %add3A_239 : i32
        %swap3A = arith.index_cast %add3A_414 : i32 to index
        %swap3A_415 = arith.constant 0 : index
        %swap3A_416 = tpu.vector_load %arg7[%swap3A, %swap3A_415] {strides = array<i32>} : memref<128x128xf32, #tpu.memory_space<vmem>>, vector<1x16xf32>,
        %swap3A_417 = vector.shape_cast %swap3A_416 : vector<1x16xf32> to vector<16xf32>
        %swap3A_418 = vector.shape_cast %scan3A_410#0 : vector<16xf32> to vector<1x16xf32>
        tpu.vector_store %arg7[%swap3A, %swap3A_415], %swap3A_418 {strides = array<i32>} : memref<128x128xf32, #tpu.memory_space<vmem>>, vector<1x16xf32>,
        %mul3A_419 = arith.constant 4 : i32
        %mul3A_420 = arith.muli %add3A_98, %mul3A_419 : i32
        %add3A_421 = arith.addi %mul3A_420, %add3A_239 : i32
        %swap3A_422 = arith.index_cast %add3A_421 : i32 to index
        %swap3A_423 = arith.constant 16 : index
        %swap3A_424 = tpu.vector_load %arg7[%swap3A_422, %swap3A_423] {strides = array<i32>} : memref<128x128xf32, #tpu.memory_space<vmem>>, vector<1x16xf32>,
        %swap3A_425 = vector.shape_cast %swap3A_424 : vector<1x16xf32> to vector<16xf32>
        %swap3A_426 = vector.shape_cast %scan3A_410#1 : vector<16xf32> to vector<1x16xf32>
        tpu.vector_store %arg7[%swap3A_422, %swap3A_423], %swap3A_426 {strides = array<i32>} : memref<128x128xf32, #tpu.memory_space<vmem>>, vector<1x16xf32>,
        %mul3A_427 = arith.constant 4 : i32
        %mul3A_428 = arith.muli %add3A_98, %mul3A_427 : i32
        %add3A_429 = arith.addi %mul3A_428, %add3A_239 : i32
        %swap3A_430 = arith.index_cast %add3A_429 : i32 to index
        %swap3A_431 = arith.constant 32 : index
        %swap3A_432 = tpu.vector_load %arg7[%swap3A_430, %swap3A_431] {strides = array<i32>} : memref<128x128xf32, #tpu.memory_space<vmem>>, vector<1x16xf32>,
        %swap3A_433 = vector.shape_cast %swap3A_432 : vector<1x16xf32> to vector<16xf32>
        %swap3A_434 = vector.shape_cast %scan3A_410#2 : vector<16xf32> to vector<1x16xf32>
        tpu.vector_store %arg7[%swap3A_430, %swap3A_431], %swap3A_434 {strides = array<i32>} : memref<128x128xf32, #tpu.memory_space<vmem>>, vector<1x16xf32>,
        %mul3A_435 = arith.constant 4 : i32
        %mul3A_436 = arith.muli %add3A_98, %mul3A_435 : i32
        %add3A_437 = arith.addi %mul3A_436, %add3A_239 : i32
        %swap3A_438 = arith.index_cast %add3A_437 : i32 to index
        %swap3A_439 = arith.constant 48 : index
        %swap3A_440 = tpu.vector_load %arg7[%swap3A_438, %swap3A_439] {strides = array<i32>} : memref<128x128xf32, #tpu.memory_space<vmem>>, vector<1x16xf32>,
        %swap3A_441 = vector.shape_cast %swap3A_440 : vector<1x16xf32> to vector<16xf32>
        %swap3A_442 = vector.shape_cast %scan3A_410#3 : vector<16xf32> to vector<1x16xf32>
        tpu.vector_store %arg7[%swap3A_438, %swap3A_439], %swap3A_442 {strides = array<i32>} : memref<128x128xf32, #tpu.memory_space<vmem>>, vector<1x16xf32>,
        %mul3A_443 = arith.constant 4 : i32
        %mul3A_444 = arith.muli %add3A_98, %mul3A_443 : i32
        %add3A_445 = arith.addi %mul3A_444, %add3A_239 : i32
        %swap3A_446 = arith.index_cast %add3A_445 : i32 to index
        %swap3A_447 = arith.constant 64 : index
        %swap3A_448 = tpu.vector_load %arg7[%swap3A_446, %swap3A_447] {strides = array<i32>} : memref<128x128xf32, #tpu.memory_space<vmem>>, vector<1x16xf32>,
        %swap3A_449 = vector.shape_cast %swap3A_448 : vector<1x16xf32> to vector<16xf32>
        %swap3A_450 = vector.shape_cast %scan3A_410#4 : vector<16xf32> to vector<1x16xf32>
        tpu.vector_store %arg7[%swap3A_446, %swap3A_447], %swap3A_450 {strides = array<i32>} : memref<128x128xf32, #tpu.memory_space<vmem>>, vector<1x16xf32>,
        %mul3A_451 = arith.constant 4 : i32
        %mul3A_452 = arith.muli %add3A_98, %mul3A_451 : i32
        %add3A_453 = arith.addi %mul3A_452, %add3A_239 : i32
        %swap3A_454 = arith.index_cast %add3A_453 : i32 to index
        %swap3A_455 = arith.constant 80 : index
        %swap3A_456 = tpu.vector_load %arg7[%swap3A_454, %swap3A_455] {strides = array<i32>} : memref<128x128xf32, #tpu.memory_space<vmem>>, vector<1x16xf32>,
        %swap3A_457 = vector.shape_cast %swap3A_456 : vector<1x16xf32> to vector<16xf32>
        %swap3A_458 = vector.shape_cast %scan3A_410#5 : vector<16xf32> to vector<1x16xf32>
        tpu.vector_store %arg7[%swap3A_454, %swap3A_455], %swap3A_458 {strides = array<i32>} : memref<128x128xf32, #tpu.memory_space<vmem>>, vector<1x16xf32>,
        %mul3A_459 = arith.constant 4 : i32
        %mul3A_460 = arith.muli %add3A_98, %mul3A_459 : i32
        %add3A_461 = arith.addi %mul3A_460, %add3A_239 : i32
        %swap3A_462 = arith.index_cast %add3A_461 : i32 to index
        %swap3A_463 = arith.constant 96 : index
        %swap3A_464 = tpu.vector_load %arg7[%swap3A_462, %swap3A_463] {strides = array<i32>} : memref<128x128xf32, #tpu.memory_space<vmem>>, vector<1x16xf32>,
        %swap3A_465 = vector.shape_cast %swap3A_464 : vector<1x16xf32> to vector<16xf32>
        %swap3A_466 = vector.shape_cast %scan3A_410#6 : vector<16xf32> to vector<1x16xf32>
        tpu.vector_store %arg7[%swap3A_462, %swap3A_463], %swap3A_466 {strides = array<i32>} : memref<128x128xf32, #tpu.memory_space<vmem>>, vector<1x16xf32>,
        %mul3A_467 = arith.constant 4 : i32
        %mul3A_468 = arith.muli %add3A_98, %mul3A_467 : i32
        %add3A_469 = arith.addi %mul3A_468, %add3A_239 : i32
        %swap3A_470 = arith.index_cast %add3A_469 : i32 to index
        %swap3A_471 = arith.constant 112 : index
        %swap3A_472 = tpu.vector_load %arg7[%swap3A_470, %swap3A_471] {strides = array<i32>} : memref<128x128xf32, #tpu.memory_space<vmem>>, vector<1x16xf32>,
        %swap3A_473 = vector.shape_cast %swap3A_472 : vector<1x16xf32> to vector<16xf32>
        %swap3A_474 = vector.shape_cast %scan3A_410#7 : vector<16xf32> to vector<1x16xf32>
        tpu.vector_store %arg7[%swap3A_470, %swap3A_471], %swap3A_474 {strides = array<i32>} : memref<128x128xf32, #tpu.memory_space<vmem>>, vector<1x16xf32>,
      }
      %scan3A_122 = arith.constant 4 : i32
      %add3A_123 = arith.constant 4 : i32
      %add3A_124 = arith.addi %add3A_98, %add3A_123 : i32
      %lt3A = arith.constant 32 : i32
      %lt3A_125 = arith.cmpi slt, %add3A_124, %lt3A : i32
      %convert_element_type3A = arith.extui %lt3A_125 : i1 to i32
      %cond3A = arith.constant 0 : i32
      %cond3A_126 = arith.cmpi ne, %convert_element_type3A, %cond3A : i32
      scf.if %cond3A_126 {
        %add3A_235 = arith.constant 4 : i32
        %add3A_236 = arith.addi %add3A_98, %add3A_235 : i32
        %mul3A_237 = arith.constant 4 : i32
        %mul3A_238 = arith.muli %add3A_236, %mul3A_237 : i32
        %mul3A_239 = arith.constant 50 : i32
        %mul3A_240 = arith.muli %mul3A_238, %mul3A_239 : i32
        %add3A_241 = arith.constant 0 : i32
        %add3A_242 = arith.addi %mul3A_240, %add3A_241 : i32
        %dma_start3A_243 = arith.constant 0 : i32
        %dma_start3A_244 = arith.constant 0 : i32
        %dma_start3A_245 = arith.constant 0 : i32
        %dma_start3A_246 = tpu.memref_slice %arg6[%dma_start3A_243, %dma_start3A_244, %dma_start3A_245] : memref<4x200x128xf32, #tpu.memory_space<vmem>> -> memref<1x104x128xf32, #tpu.memory_space<vmem>>
        %dma_start3A_247 = tpu.memref_squeeze %dma_start3A_246 : memref<1x104x128xf32, #tpu.memory_space<vmem>> -> memref<104x128xf32, #tpu.memory_space<vmem>>
        %dma_start3A_248 = tpu.memref_slice %arg5[%add3A_242] : memref<6400xi32, #tpu.memory_space<vmem>> -> memref<104xi32, #tpu.memory_space<vmem>>
        %dma_start3A_249 = arith.constant 0 : i32
        %dma_start3A_250 = arith.constant 0 : i32
        %dma_start3A_251 = tpu.memref_slice %arg2[%dma_start3A_249, %dma_start3A_250] : memref<100000x128xf32, #tpu.memory_space<hbm>> -> memref<100000x128xf32, #tpu.memory_space<hbm>>
        tpu.enqueue_indirect_dma source(%dma_start3A_251 : memref<100000x128xf32, #tpu.memory_space<hbm>>) target(%dma_start3A_247 : memref<104x128xf32, #tpu.memory_space<vmem>>) offsets(%dma_start3A_248 : memref<104xi32, #tpu.memory_space<vmem>>) semaphore(%arg8 : memref<!tpu.dma_semaphore, #tpu.memory_space<semaphore_mem>>)
        %mul3A_252 = arith.constant 4 : i32
        %mul3A_253 = arith.muli %add3A_236, %mul3A_252 : i32
        %mul3A_254 = arith.constant 50 : i32
        %mul3A_255 = arith.muli %mul3A_253, %mul3A_254 : i32
        %add3A_256 = arith.constant 104 : i32
        %add3A_257 = arith.addi %mul3A_255, %add3A_256 : i32
        %dma_start3A_258 = arith.constant 0 : i32
        %dma_start3A_259 = arith.constant 104 : i32
        %dma_start3A_260 = arith.constant 0 : i32
        %dma_start3A_261 = tpu.memref_slice %arg6[%dma_start3A_258, %dma_start3A_259, %dma_start3A_260] : memref<4x200x128xf32, #tpu.memory_space<vmem>> -> memref<1x96x128xf32, #tpu.memory_space<vmem>>
        %dma_start3A_262 = tpu.memref_squeeze %dma_start3A_261 : memref<1x96x128xf32, #tpu.memory_space<vmem>> -> memref<96x128xf32, #tpu.memory_space<vmem>>
        %dma_start3A_263 = tpu.memref_slice %arg5[%add3A_257] : memref<6400xi32, #tpu.memory_space<vmem>> -> memref<96xi32, #tpu.memory_space<vmem>>
        %dma_start3A_264 = arith.constant 0 : i32
        %dma_start3A_265 = arith.constant 0 : i32
        %dma_start3A_266 = tpu.memref_slice %arg2[%dma_start3A_264, %dma_start3A_265] : memref<100000x128xf32, #tpu.memory_space<hbm>> -> memref<100000x128xf32, #tpu.memory_space<hbm>>
        tpu.enqueue_indirect_dma source(%dma_start3A_266 : memref<100000x128xf32, #tpu.memory_space<hbm>>) target(%dma_start3A_262 : memref<96x128xf32, #tpu.memory_space<vmem>>) offsets(%dma_start3A_263 : memref<96xi32, #tpu.memory_space<vmem>>) semaphore(%arg8 : memref<!tpu.dma_semaphore, #tpu.memory_space<semaphore_mem>>)
      } else {
      }
      %mul3A_127 = arith.constant 4 : i32
      %mul3A_128 = arith.muli %add3A_94, %mul3A_127 : i32
      %add3A_129 = arith.constant 1 : i32
      %add3A_130 = arith.addi %mul3A_128, %add3A_129 : i32
      %dma_wait3A_131 = arith.constant 1 : i32
      %dma_wait3A_132 = arith.constant 0 : i32
      %dma_wait3A_133 = arith.constant 0 : i32
      %dma_wait3A_134 = tpu.memref_slice %arg6[%dma_wait3A_131, %dma_wait3A_132, %dma_wait3A_133] : memref<4x200x128xf32, #tpu.memory_space<vmem>> -> memref<1x104x128xf32, #tpu.memory_space<vmem>>
      %dma_wait3A_135 = tpu.memref_squeeze %dma_wait3A_134 : memref<1x104x128xf32, #tpu.memory_space<vmem>> -> memref<104x128xf32, #tpu.memory_space<vmem>>
      %dma_wait3A_136 = arith.constant 0 : i32
      %dma_wait3A_137 = tpu.memref_slice %arg5[%dma_wait3A_136] : memref<6400xi32, #tpu.memory_space<vmem>> -> memref<104xi32, #tpu.memory_space<vmem>>
      %dma_wait3A_138 = arith.constant 0 : i32
      %dma_wait3A_139 = arith.constant 0 : i32
      %dma_wait3A_140 = tpu.memref_slice %arg2[%dma_wait3A_138, %dma_wait3A_139] : memref<100000x128xf32, #tpu.memory_space<hbm>> -> memref<100000x128xf32, #tpu.memory_space<hbm>>
      tpu.wait_indirect_dma semaphore(%arg9 : memref<!tpu.dma_semaphore, #tpu.memory_space<semaphore_mem>>) src(%dma_wait3A_140 : memref<100000x128xf32, #tpu.memory_space<hbm>>) dst(%dma_wait3A_135 : memref<104x128xf32, #tpu.memory_space<vmem>>)
      %dma_wait3A_141 = arith.constant 1 : i32
      %dma_wait3A_142 = arith.constant 104 : i32
      %dma_wait3A_143 = arith.constant 0 : i32
      %dma_wait3A_144 = tpu.memref_slice %arg6[%dma_wait3A_141, %dma_wait3A_142, %dma_wait3A_143] : memref<4x200x128xf32, #tpu.memory_space<vmem>> -> memref<1x96x128xf32, #tpu.memory_space<vmem>>
      %dma_wait3A_145 = tpu.memref_squeeze %dma_wait3A_144 : memref<1x96x128xf32, #tpu.memory_space<vmem>> -> memref<96x128xf32, #tpu.memory_space<vmem>>
      %dma_wait3A_146 = arith.constant 104 : i32
      %dma_wait3A_147 = tpu.memref_slice %arg5[%dma_wait3A_146] : memref<6400xi32, #tpu.memory_space<vmem>> -> memref<96xi32, #tpu.memory_space<vmem>>
      %dma_wait3A_148 = arith.constant 0 : i32
      %dma_wait3A_149 = arith.constant 0 : i32
      %dma_wait3A_150 = tpu.memref_slice %arg2[%dma_wait3A_148, %dma_wait3A_149] : memref<100000x128xf32, #tpu.memory_space<hbm>> -> memref<100000x128xf32, #tpu.memory_space<hbm>>
      tpu.wait_indirect_dma semaphore(%arg9 : memref<!tpu.dma_semaphore, #tpu.memory_space<semaphore_mem>>) src(%dma_wait3A_150 : memref<100000x128xf32, #tpu.memory_space<hbm>>) dst(%dma_wait3A_145 : memref<96x128xf32, #tpu.memory_space<vmem>>)
      %scan3A_151 = arith.constant 0 : i32
      %scan3A_152 = arith.constant 4 : i32
      %scan3A_153 = arith.addi %scan3A_151, %scan3A_152 : i32
      %scan3A_154 = arith.constant 1 : i32
      scf.for %scan3A_235 = %scan3A_151 to %scan3A_153 step %scan3A_154  : i32 {
        %mul3A_236 = arith.constant 1 : i32
        %mul3A_237 = arith.muli %scan3A_235, %mul3A_236 : i32
        %add3A_238 = arith.constant 0 : i32
        %add3A_239 = arith.addi %add3A_238, %mul3A_237 : i32
        %mul3A_240 = arith.constant 50 : i32
        %mul3A_241 = arith.muli %add3A_239, %mul3A_240 : i32
        %get3A = arith.constant 1 : i32
        %get3A_242 = arith.index_cast %get3A : i32 to index
        %get3A_243 = arith.index_cast %mul3A_241 : i32 to index
        %get3A_244 = arith.constant 0 : index
        %get3A_245 = tpu.vector_load %arg6[%get3A_242, %get3A_243, %get3A_244] {strides = array<i32>} : memref<4x200x128xf32, #tpu.memory_space<vmem>>, vector<1x1x16xf32>,
        %get3A_246 = vector.shape_cast %get3A_245 : vector<1x1x16xf32> to vector<16xf32>
        %mul3A_247 = arith.constant 50 : i32
        %mul3A_248 = arith.muli %add3A_239, %mul3A_247 : i32
        %add3A_249 = arith.constant 50 : i32
        %add3A_250 = arith.addi %mul3A_248, %add3A_249 : i32
        %sub3A = arith.constant 1 : i32
        %sub3A_251 = arith.subi %add3A_250, %sub3A : i32
        %get3A_252 = arith.constant 1 : i32
        %get3A_253 = arith.index_cast %get3A_252 : i32 to index
        %get3A_254 = arith.index_cast %sub3A_251 : i32 to index
        %get3A_255 = arith.constant 0 : index
        %get3A_256 = tpu.vector_load %arg6[%get3A_253, %get3A_254, %get3A_255] {strides = array<i32>} : memref<4x200x128xf32, #tpu.memory_space<vmem>>, vector<1x1x16xf32>,
        %get3A_257 = vector.shape_cast %get3A_256 : vector<1x1x16xf32> to vector<16xf32>
        %add3A_258 = arith.addf %get3A_246, %get3A_257 : vector<16xf32>
        %mul3A_259 = arith.constant 50 : i32
        %mul3A_260 = arith.muli %add3A_239, %mul3A_259 : i32
        %get3A_261 = arith.constant 1 : i32
        %get3A_262 = arith.index_cast %get3A_261 : i32 to index
        %get3A_263 = arith.index_cast %mul3A_260 : i32 to index
        %get3A_264 = arith.constant 16 : index
        %get3A_265 = tpu.vector_load %arg6[%get3A_262, %get3A_263, %get3A_264] {strides = array<i32>} : memref<4x200x128xf32, #tpu.memory_space<vmem>>, vector<1x1x16xf32>,
        %get3A_266 = vector.shape_cast %get3A_265 : vector<1x1x16xf32> to vector<16xf32>
        %mul3A_267 = arith.constant 50 : i32
        %mul3A_268 = arith.muli %add3A_239, %mul3A_267 : i32
        %add3A_269 = arith.constant 50 : i32
        %add3A_270 = arith.addi %mul3A_268, %add3A_269 : i32
        %sub3A_271 = arith.constant 1 : i32
        %sub3A_272 = arith.subi %add3A_270, %sub3A_271 : i32
        %get3A_273 = arith.constant 1 : i32
        %get3A_274 = arith.index_cast %get3A_273 : i32 to index
        %get3A_275 = arith.index_cast %sub3A_272 : i32 to index
        %get3A_276 = arith.constant 16 : index
        %get3A_277 = tpu.vector_load %arg6[%get3A_274, %get3A_275, %get3A_276] {strides = array<i32>} : memref<4x200x128xf32, #tpu.memory_space<vmem>>, vector<1x1x16xf32>,
        %get3A_278 = vector.shape_cast %get3A_277 : vector<1x1x16xf32> to vector<16xf32>
        %add3A_279 = arith.addf %get3A_266, %get3A_278 : vector<16xf32>
        %mul3A_280 = arith.constant 50 : i32
        %mul3A_281 = arith.muli %add3A_239, %mul3A_280 : i32
        %get3A_282 = arith.constant 1 : i32
        %get3A_283 = arith.index_cast %get3A_282 : i32 to index
        %get3A_284 = arith.index_cast %mul3A_281 : i32 to index
        %get3A_285 = arith.constant 32 : index
        %get3A_286 = tpu.vector_load %arg6[%get3A_283, %get3A_284, %get3A_285] {strides = array<i32>} : memref<4x200x128xf32, #tpu.memory_space<vmem>>, vector<1x1x16xf32>,
        %get3A_287 = vector.shape_cast %get3A_286 : vector<1x1x16xf32> to vector<16xf32>
        %mul3A_288 = arith.constant 50 : i32
        %mul3A_289 = arith.muli %add3A_239, %mul3A_288 : i32
        %add3A_290 = arith.constant 50 : i32
        %add3A_291 = arith.addi %mul3A_289, %add3A_290 : i32
        %sub3A_292 = arith.constant 1 : i32
        %sub3A_293 = arith.subi %add3A_291, %sub3A_292 : i32
        %get3A_294 = arith.constant 1 : i32
        %get3A_295 = arith.index_cast %get3A_294 : i32 to index
        %get3A_296 = arith.index_cast %sub3A_293 : i32 to index
        %get3A_297 = arith.constant 32 : index
        %get3A_298 = tpu.vector_load %arg6[%get3A_295, %get3A_296, %get3A_297] {strides = array<i32>} : memref<4x200x128xf32, #tpu.memory_space<vmem>>, vector<1x1x16xf32>,
        %get3A_299 = vector.shape_cast %get3A_298 : vector<1x1x16xf32> to vector<16xf32>
        %add3A_300 = arith.addf %get3A_287, %get3A_299 : vector<16xf32>
        %mul3A_301 = arith.constant 50 : i32
        %mul3A_302 = arith.muli %add3A_239, %mul3A_301 : i32
        %get3A_303 = arith.constant 1 : i32
        %get3A_304 = arith.index_cast %get3A_303 : i32 to index
        %get3A_305 = arith.index_cast %mul3A_302 : i32 to index
        %get3A_306 = arith.constant 48 : index
        %get3A_307 = tpu.vector_load %arg6[%get3A_304, %get3A_305, %get3A_306] {strides = array<i32>} : memref<4x200x128xf32, #tpu.memory_space<vmem>>, vector<1x1x16xf32>,
        %get3A_308 = vector.shape_cast %get3A_307 : vector<1x1x16xf32> to vector<16xf32>
        %mul3A_309 = arith.constant 50 : i32
        %mul3A_310 = arith.muli %add3A_239, %mul3A_309 : i32
        %add3A_311 = arith.constant 50 : i32
        %add3A_312 = arith.addi %mul3A_310, %add3A_311 : i32
        %sub3A_313 = arith.constant 1 : i32
        %sub3A_314 = arith.subi %add3A_312, %sub3A_313 : i32
        %get3A_315 = arith.constant 1 : i32
        %get3A_316 = arith.index_cast %get3A_315 : i32 to index
        %get3A_317 = arith.index_cast %sub3A_314 : i32 to index
        %get3A_318 = arith.constant 48 : index
        %get3A_319 = tpu.vector_load %arg6[%get3A_316, %get3A_317, %get3A_318] {strides = array<i32>} : memref<4x200x128xf32, #tpu.memory_space<vmem>>, vector<1x1x16xf32>,
        %get3A_320 = vector.shape_cast %get3A_319 : vector<1x1x16xf32> to vector<16xf32>
        %add3A_321 = arith.addf %get3A_308, %get3A_320 : vector<16xf32>
        %mul3A_322 = arith.constant 50 : i32
        %mul3A_323 = arith.muli %add3A_239, %mul3A_322 : i32
        %get3A_324 = arith.constant 1 : i32
        %get3A_325 = arith.index_cast %get3A_324 : i32 to index
        %get3A_326 = arith.index_cast %mul3A_323 : i32 to index
        %get3A_327 = arith.constant 64 : index
        %get3A_328 = tpu.vector_load %arg6[%get3A_325, %get3A_326, %get3A_327] {strides = array<i32>} : memref<4x200x128xf32, #tpu.memory_space<vmem>>, vector<1x1x16xf32>,
        %get3A_329 = vector.shape_cast %get3A_328 : vector<1x1x16xf32> to vector<16xf32>
        %mul3A_330 = arith.constant 50 : i32
        %mul3A_331 = arith.muli %add3A_239, %mul3A_330 : i32
        %add3A_332 = arith.constant 50 : i32
        %add3A_333 = arith.addi %mul3A_331, %add3A_332 : i32
        %sub3A_334 = arith.constant 1 : i32
        %sub3A_335 = arith.subi %add3A_333, %sub3A_334 : i32
        %get3A_336 = arith.constant 1 : i32
        %get3A_337 = arith.index_cast %get3A_336 : i32 to index
        %get3A_338 = arith.index_cast %sub3A_335 : i32 to index
        %get3A_339 = arith.constant 64 : index
        %get3A_340 = tpu.vector_load %arg6[%get3A_337, %get3A_338, %get3A_339] {strides = array<i32>} : memref<4x200x128xf32, #tpu.memory_space<vmem>>, vector<1x1x16xf32>,
        %get3A_341 = vector.shape_cast %get3A_340 : vector<1x1x16xf32> to vector<16xf32>
        %add3A_342 = arith.addf %get3A_329, %get3A_341 : vector<16xf32>
        %mul3A_343 = arith.constant 50 : i32
        %mul3A_344 = arith.muli %add3A_239, %mul3A_343 : i32
        %get3A_345 = arith.constant 1 : i32
        %get3A_346 = arith.index_cast %get3A_345 : i32 to index
        %get3A_347 = arith.index_cast %mul3A_344 : i32 to index
        %get3A_348 = arith.constant 80 : index
        %get3A_349 = tpu.vector_load %arg6[%get3A_346, %get3A_347, %get3A_348] {strides = array<i32>} : memref<4x200x128xf32, #tpu.memory_space<vmem>>, vector<1x1x16xf32>,
        %get3A_350 = vector.shape_cast %get3A_349 : vector<1x1x16xf32> to vector<16xf32>
        %mul3A_351 = arith.constant 50 : i32
        %mul3A_352 = arith.muli %add3A_239, %mul3A_351 : i32
        %add3A_353 = arith.constant 50 : i32
        %add3A_354 = arith.addi %mul3A_352, %add3A_353 : i32
        %sub3A_355 = arith.constant 1 : i32
        %sub3A_356 = arith.subi %add3A_354, %sub3A_355 : i32
        %get3A_357 = arith.constant 1 : i32
        %get3A_358 = arith.index_cast %get3A_357 : i32 to index
        %get3A_359 = arith.index_cast %sub3A_356 : i32 to index
        %get3A_360 = arith.constant 80 : index
        %get3A_361 = tpu.vector_load %arg6[%get3A_358, %get3A_359, %get3A_360] {strides = array<i32>} : memref<4x200x128xf32, #tpu.memory_space<vmem>>, vector<1x1x16xf32>,
        %get3A_362 = vector.shape_cast %get3A_361 : vector<1x1x16xf32> to vector<16xf32>
        %add3A_363 = arith.addf %get3A_350, %get3A_362 : vector<16xf32>
        %mul3A_364 = arith.constant 50 : i32
        %mul3A_365 = arith.muli %add3A_239, %mul3A_364 : i32
        %get3A_366 = arith.constant 1 : i32
        %get3A_367 = arith.index_cast %get3A_366 : i32 to index
        %get3A_368 = arith.index_cast %mul3A_365 : i32 to index
        %get3A_369 = arith.constant 96 : index
        %get3A_370 = tpu.vector_load %arg6[%get3A_367, %get3A_368, %get3A_369] {strides = array<i32>} : memref<4x200x128xf32, #tpu.memory_space<vmem>>, vector<1x1x16xf32>,
        %get3A_371 = vector.shape_cast %get3A_370 : vector<1x1x16xf32> to vector<16xf32>
        %mul3A_372 = arith.constant 50 : i32
        %mul3A_373 = arith.muli %add3A_239, %mul3A_372 : i32
        %add3A_374 = arith.constant 50 : i32
        %add3A_375 = arith.addi %mul3A_373, %add3A_374 : i32
        %sub3A_376 = arith.constant 1 : i32
        %sub3A_377 = arith.subi %add3A_375, %sub3A_376 : i32
        %get3A_378 = arith.constant 1 : i32
        %get3A_379 = arith.index_cast %get3A_378 : i32 to index
        %get3A_380 = arith.index_cast %sub3A_377 : i32 to index
        %get3A_381 = arith.constant 96 : index
        %get3A_382 = tpu.vector_load %arg6[%get3A_379, %get3A_380, %get3A_381] {strides = array<i32>} : memref<4x200x128xf32, #tpu.memory_space<vmem>>, vector<1x1x16xf32>,
        %get3A_383 = vector.shape_cast %get3A_382 : vector<1x1x16xf32> to vector<16xf32>
        %add3A_384 = arith.addf %get3A_371, %get3A_383 : vector<16xf32>
        %mul3A_385 = arith.constant 50 : i32
        %mul3A_386 = arith.muli %add3A_239, %mul3A_385 : i32
        %get3A_387 = arith.constant 1 : i32
        %get3A_388 = arith.index_cast %get3A_387 : i32 to index
        %get3A_389 = arith.index_cast %mul3A_386 : i32 to index
        %get3A_390 = arith.constant 112 : index
        %get3A_391 = tpu.vector_load %arg6[%get3A_388, %get3A_389, %get3A_390] {strides = array<i32>} : memref<4x200x128xf32, #tpu.memory_space<vmem>>, vector<1x1x16xf32>,
        %get3A_392 = vector.shape_cast %get3A_391 : vector<1x1x16xf32> to vector<16xf32>
        %mul3A_393 = arith.constant 50 : i32
        %mul3A_394 = arith.muli %add3A_239, %mul3A_393 : i32
        %add3A_395 = arith.constant 50 : i32
        %add3A_396 = arith.addi %mul3A_394, %add3A_395 : i32
        %sub3A_397 = arith.constant 1 : i32
        %sub3A_398 = arith.subi %add3A_396, %sub3A_397 : i32
        %get3A_399 = arith.constant 1 : i32
        %get3A_400 = arith.index_cast %get3A_399 : i32 to index
        %get3A_401 = arith.index_cast %sub3A_398 : i32 to index
        %get3A_402 = arith.constant 112 : index
        %get3A_403 = tpu.vector_load %arg6[%get3A_400, %get3A_401, %get3A_402] {strides = array<i32>} : memref<4x200x128xf32, #tpu.memory_space<vmem>>, vector<1x1x16xf32>,
        %get3A_404 = vector.shape_cast %get3A_403 : vector<1x1x16xf32> to vector<16xf32>
        %add3A_405 = arith.addf %get3A_392, %get3A_404 : vector<16xf32>
        %scan3A_406 = arith.constant 0 : i32
        %scan3A_407 = arith.constant 12 : i32
        %scan3A_408 = arith.addi %scan3A_406, %scan3A_407 : i32
        %scan3A_409 = arith.constant 1 : i32
        %scan3A_410:8 = scf.for %scan3A_475 = %scan3A_406 to %scan3A_408 step %scan3A_409 iter_args(%scan3A_476 = %add3A_258, %scan3A_477 = %add3A_279, %scan3A_478 = %add3A_300, %scan3A_479 = %add3A_321, %scan3A_480 = %add3A_342, %scan3A_481 = %add3A_363, %scan3A_482 = %add3A_384, %scan3A_483 = %add3A_405) -> (vector<16xf32>, vector<16xf32>, vector<16xf32>, vector<16xf32>, vector<16xf32>, vector<16xf32>, vector<16xf32>, vector<16xf32>)  : i32 {
          %mul3A_484 = arith.constant 4 : i32
          %mul3A_485 = arith.muli %scan3A_475, %mul3A_484 : i32
          %add3A_486 = arith.constant 1 : i32
          %add3A_487 = arith.addi %add3A_486, %mul3A_485 : i32
          %add3A_488 = arith.constant 0 : i32
          %add3A_489 = arith.addi %add3A_487, %add3A_488 : i32
          %mul3A_490 = arith.constant 50 : i32
          %mul3A_491 = arith.muli %add3A_239, %mul3A_490 : i32
          %add3A_492 = arith.addi %mul3A_491, %add3A_489 : i32
          %get3A_493 = arith.constant 1 : i32
          %get3A_494 = arith.index_cast %get3A_493 : i32 to index
          %get3A_495 = arith.index_cast %add3A_492 : i32 to index
          %get3A_496 = arith.constant 0 : index
          %get3A_497 = tpu.vector_load %arg6[%get3A_494, %get3A_495, %get3A_496] {strides = array<i32>} : memref<4x200x128xf32, #tpu.memory_space<vmem>>, vector<1x1x16xf32>,
          %get3A_498 = vector.shape_cast %get3A_497 : vector<1x1x16xf32> to vector<16xf32>
          %add3A_499 = arith.addf %scan3A_476, %get3A_498 : vector<16xf32>
          %mul3A_500 = arith.constant 50 : i32
          %mul3A_501 = arith.muli %add3A_239, %mul3A_500 : i32
          %add3A_502 = arith.addi %mul3A_501, %add3A_489 : i32
          %get3A_503 = arith.constant 1 : i32
          %get3A_504 = arith.index_cast %get3A_503 : i32 to index
          %get3A_505 = arith.index_cast %add3A_502 : i32 to index
          %get3A_506 = arith.constant 16 : index
          %get3A_507 = tpu.vector_load %arg6[%get3A_504, %get3A_505, %get3A_506] {strides = array<i32>} : memref<4x200x128xf32, #tpu.memory_space<vmem>>, vector<1x1x16xf32>,
          %get3A_508 = vector.shape_cast %get3A_507 : vector<1x1x16xf32> to vector<16xf32>
          %add3A_509 = arith.addf %scan3A_477, %get3A_508 : vector<16xf32>
          %mul3A_510 = arith.constant 50 : i32
          %mul3A_511 = arith.muli %add3A_239, %mul3A_510 : i32
          %add3A_512 = arith.addi %mul3A_511, %add3A_489 : i32
          %get3A_513 = arith.constant 1 : i32
          %get3A_514 = arith.index_cast %get3A_513 : i32 to index
          %get3A_515 = arith.index_cast %add3A_512 : i32 to index
          %get3A_516 = arith.constant 32 : index
          %get3A_517 = tpu.vector_load %arg6[%get3A_514, %get3A_515, %get3A_516] {strides = array<i32>} : memref<4x200x128xf32, #tpu.memory_space<vmem>>, vector<1x1x16xf32>,
          %get3A_518 = vector.shape_cast %get3A_517 : vector<1x1x16xf32> to vector<16xf32>
          %add3A_519 = arith.addf %scan3A_478, %get3A_518 : vector<16xf32>
          %mul3A_520 = arith.constant 50 : i32
          %mul3A_521 = arith.muli %add3A_239, %mul3A_520 : i32
          %add3A_522 = arith.addi %mul3A_521, %add3A_489 : i32
          %get3A_523 = arith.constant 1 : i32
          %get3A_524 = arith.index_cast %get3A_523 : i32 to index
          %get3A_525 = arith.index_cast %add3A_522 : i32 to index
          %get3A_526 = arith.constant 48 : index
          %get3A_527 = tpu.vector_load %arg6[%get3A_524, %get3A_525, %get3A_526] {strides = array<i32>} : memref<4x200x128xf32, #tpu.memory_space<vmem>>, vector<1x1x16xf32>,
          %get3A_528 = vector.shape_cast %get3A_527 : vector<1x1x16xf32> to vector<16xf32>
          %add3A_529 = arith.addf %scan3A_479, %get3A_528 : vector<16xf32>
          %mul3A_530 = arith.constant 50 : i32
          %mul3A_531 = arith.muli %add3A_239, %mul3A_530 : i32
          %add3A_532 = arith.addi %mul3A_531, %add3A_489 : i32
          %get3A_533 = arith.constant 1 : i32
          %get3A_534 = arith.index_cast %get3A_533 : i32 to index
          %get3A_535 = arith.index_cast %add3A_532 : i32 to index
          %get3A_536 = arith.constant 64 : index
          %get3A_537 = tpu.vector_load %arg6[%get3A_534, %get3A_535, %get3A_536] {strides = array<i32>} : memref<4x200x128xf32, #tpu.memory_space<vmem>>, vector<1x1x16xf32>,
          %get3A_538 = vector.shape_cast %get3A_537 : vector<1x1x16xf32> to vector<16xf32>
          %add3A_539 = arith.addf %scan3A_480, %get3A_538 : vector<16xf32>
          %mul3A_540 = arith.constant 50 : i32
          %mul3A_541 = arith.muli %add3A_239, %mul3A_540 : i32
          %add3A_542 = arith.addi %mul3A_541, %add3A_489 : i32
          %get3A_543 = arith.constant 1 : i32
          %get3A_544 = arith.index_cast %get3A_543 : i32 to index
          %get3A_545 = arith.index_cast %add3A_542 : i32 to index
          %get3A_546 = arith.constant 80 : index
          %get3A_547 = tpu.vector_load %arg6[%get3A_544, %get3A_545, %get3A_546] {strides = array<i32>} : memref<4x200x128xf32, #tpu.memory_space<vmem>>, vector<1x1x16xf32>,
          %get3A_548 = vector.shape_cast %get3A_547 : vector<1x1x16xf32> to vector<16xf32>
          %add3A_549 = arith.addf %scan3A_481, %get3A_548 : vector<16xf32>
          %mul3A_550 = arith.constant 50 : i32
          %mul3A_551 = arith.muli %add3A_239, %mul3A_550 : i32
          %add3A_552 = arith.addi %mul3A_551, %add3A_489 : i32
          %get3A_553 = arith.constant 1 : i32
          %get3A_554 = arith.index_cast %get3A_553 : i32 to index
          %get3A_555 = arith.index_cast %add3A_552 : i32 to index
          %get3A_556 = arith.constant 96 : index
          %get3A_557 = tpu.vector_load %arg6[%get3A_554, %get3A_555, %get3A_556] {strides = array<i32>} : memref<4x200x128xf32, #tpu.memory_space<vmem>>, vector<1x1x16xf32>,
          %get3A_558 = vector.shape_cast %get3A_557 : vector<1x1x16xf32> to vector<16xf32>
          %add3A_559 = arith.addf %scan3A_482, %get3A_558 : vector<16xf32>
          %mul3A_560 = arith.constant 50 : i32
          %mul3A_561 = arith.muli %add3A_239, %mul3A_560 : i32
          %add3A_562 = arith.addi %mul3A_561, %add3A_489 : i32
          %get3A_563 = arith.constant 1 : i32
          %get3A_564 = arith.index_cast %get3A_563 : i32 to index
          %get3A_565 = arith.index_cast %add3A_562 : i32 to index
          %get3A_566 = arith.constant 112 : index
          %get3A_567 = tpu.vector_load %arg6[%get3A_564, %get3A_565, %get3A_566] {strides = array<i32>} : memref<4x200x128xf32, #tpu.memory_space<vmem>>, vector<1x1x16xf32>,
          %get3A_568 = vector.shape_cast %get3A_567 : vector<1x1x16xf32> to vector<16xf32>
          %add3A_569 = arith.addf %scan3A_483, %get3A_568 : vector<16xf32>
          %mul3A_570 = arith.constant 4 : i32
          %mul3A_571 = arith.muli %scan3A_475, %mul3A_570 : i32
          %add3A_572 = arith.constant 1 : i32
          %add3A_573 = arith.addi %add3A_572, %mul3A_571 : i32
          %add3A_574 = arith.constant 1 : i32
          %add3A_575 = arith.addi %add3A_573, %add3A_574 : i32
          %mul3A_576 = arith.constant 50 : i32
          %mul3A_577 = arith.muli %add3A_239, %mul3A_576 : i32
          %add3A_578 = arith.addi %mul3A_577, %add3A_575 : i32
          %get3A_579 = arith.constant 1 : i32
          %get3A_580 = arith.index_cast %get3A_579 : i32 to index
          %get3A_581 = arith.index_cast %add3A_578 : i32 to index
          %get3A_582 = arith.constant 0 : index
          %get3A_583 = tpu.vector_load %arg6[%get3A_580, %get3A_581, %get3A_582] {strides = array<i32>} : memref<4x200x128xf32, #tpu.memory_space<vmem>>, vector<1x1x16xf32>,
          %get3A_584 = vector.shape_cast %get3A_583 : vector<1x1x16xf32> to vector<16xf32>
          %add3A_585 = arith.addf %add3A_499, %get3A_584 : vector<16xf32>
          %mul3A_586 = arith.constant 50 : i32
          %mul3A_587 = arith.muli %add3A_239, %mul3A_586 : i32
          %add3A_588 = arith.addi %mul3A_587, %add3A_575 : i32
          %get3A_589 = arith.constant 1 : i32
          %get3A_590 = arith.index_cast %get3A_589 : i32 to index
          %get3A_591 = arith.index_cast %add3A_588 : i32 to index
          %get3A_592 = arith.constant 16 : index
          %get3A_593 = tpu.vector_load %arg6[%get3A_590, %get3A_591, %get3A_592] {strides = array<i32>} : memref<4x200x128xf32, #tpu.memory_space<vmem>>, vector<1x1x16xf32>,
          %get3A_594 = vector.shape_cast %get3A_593 : vector<1x1x16xf32> to vector<16xf32>
          %add3A_595 = arith.addf %add3A_509, %get3A_594 : vector<16xf32>
          %mul3A_596 = arith.constant 50 : i32
          %mul3A_597 = arith.muli %add3A_239, %mul3A_596 : i32
          %add3A_598 = arith.addi %mul3A_597, %add3A_575 : i32
          %get3A_599 = arith.constant 1 : i32
          %get3A_600 = arith.index_cast %get3A_599 : i32 to index
          %get3A_601 = arith.index_cast %add3A_598 : i32 to index
          %get3A_602 = arith.constant 32 : index
          %get3A_603 = tpu.vector_load %arg6[%get3A_600, %get3A_601, %get3A_602] {strides = array<i32>} : memref<4x200x128xf32, #tpu.memory_space<vmem>>, vector<1x1x16xf32>,
          %get3A_604 = vector.shape_cast %get3A_603 : vector<1x1x16xf32> to vector<16xf32>
          %add3A_605 = arith.addf %add3A_519, %get3A_604 : vector<16xf32>
          %mul3A_606 = arith.constant 50 : i32
          %mul3A_607 = arith.muli %add3A_239, %mul3A_606 : i32
          %add3A_608 = arith.addi %mul3A_607, %add3A_575 : i32
          %get3A_609 = arith.constant 1 : i32
          %get3A_610 = arith.index_cast %get3A_609 : i32 to index
          %get3A_611 = arith.index_cast %add3A_608 : i32 to index
          %get3A_612 = arith.constant 48 : index
          %get3A_613 = tpu.vector_load %arg6[%get3A_610, %get3A_611, %get3A_612] {strides = array<i32>} : memref<4x200x128xf32, #tpu.memory_space<vmem>>, vector<1x1x16xf32>,
          %get3A_614 = vector.shape_cast %get3A_613 : vector<1x1x16xf32> to vector<16xf32>
          %add3A_615 = arith.addf %add3A_529, %get3A_614 : vector<16xf32>
          %mul3A_616 = arith.constant 50 : i32
          %mul3A_617 = arith.muli %add3A_239, %mul3A_616 : i32
          %add3A_618 = arith.addi %mul3A_617, %add3A_575 : i32
          %get3A_619 = arith.constant 1 : i32
          %get3A_620 = arith.index_cast %get3A_619 : i32 to index
          %get3A_621 = arith.index_cast %add3A_618 : i32 to index
          %get3A_622 = arith.constant 64 : index
          %get3A_623 = tpu.vector_load %arg6[%get3A_620, %get3A_621, %get3A_622] {strides = array<i32>} : memref<4x200x128xf32, #tpu.memory_space<vmem>>, vector<1x1x16xf32>,
          %get3A_624 = vector.shape_cast %get3A_623 : vector<1x1x16xf32> to vector<16xf32>
          %add3A_625 = arith.addf %add3A_539, %get3A_624 : vector<16xf32>
          %mul3A_626 = arith.constant 50 : i32
          %mul3A_627 = arith.muli %add3A_239, %mul3A_626 : i32
          %add3A_628 = arith.addi %mul3A_627, %add3A_575 : i32
          %get3A_629 = arith.constant 1 : i32
          %get3A_630 = arith.index_cast %get3A_629 : i32 to index
          %get3A_631 = arith.index_cast %add3A_628 : i32 to index
          %get3A_632 = arith.constant 80 : index
          %get3A_633 = tpu.vector_load %arg6[%get3A_630, %get3A_631, %get3A_632] {strides = array<i32>} : memref<4x200x128xf32, #tpu.memory_space<vmem>>, vector<1x1x16xf32>,
          %get3A_634 = vector.shape_cast %get3A_633 : vector<1x1x16xf32> to vector<16xf32>
          %add3A_635 = arith.addf %add3A_549, %get3A_634 : vector<16xf32>
          %mul3A_636 = arith.constant 50 : i32
          %mul3A_637 = arith.muli %add3A_239, %mul3A_636 : i32
          %add3A_638 = arith.addi %mul3A_637, %add3A_575 : i32
          %get3A_639 = arith.constant 1 : i32
          %get3A_640 = arith.index_cast %get3A_639 : i32 to index
          %get3A_641 = arith.index_cast %add3A_638 : i32 to index
          %get3A_642 = arith.constant 96 : index
          %get3A_643 = tpu.vector_load %arg6[%get3A_640, %get3A_641, %get3A_642] {strides = array<i32>} : memref<4x200x128xf32, #tpu.memory_space<vmem>>, vector<1x1x16xf32>,
          %get3A_644 = vector.shape_cast %get3A_643 : vector<1x1x16xf32> to vector<16xf32>
          %add3A_645 = arith.addf %add3A_559, %get3A_644 : vector<16xf32>
          %mul3A_646 = arith.constant 50 : i32
          %mul3A_647 = arith.muli %add3A_239, %mul3A_646 : i32
          %add3A_648 = arith.addi %mul3A_647, %add3A_575 : i32
          %get3A_649 = arith.constant 1 : i32
          %get3A_650 = arith.index_cast %get3A_649 : i32 to index
          %get3A_651 = arith.index_cast %add3A_648 : i32 to index
          %get3A_652 = arith.constant 112 : index
          %get3A_653 = tpu.vector_load %arg6[%get3A_650, %get3A_651, %get3A_652] {strides = array<i32>} : memref<4x200x128xf32, #tpu.memory_space<vmem>>, vector<1x1x16xf32>,
          %get3A_654 = vector.shape_cast %get3A_653 : vector<1x1x16xf32> to vector<16xf32>
          %add3A_655 = arith.addf %add3A_569, %get3A_654 : vector<16xf32>
          %mul3A_656 = arith.constant 4 : i32
          %mul3A_657 = arith.muli %scan3A_475, %mul3A_656 : i32
          %add3A_658 = arith.constant 1 : i32
          %add3A_659 = arith.addi %add3A_658, %mul3A_657 : i32
          %add3A_660 = arith.constant 2 : i32
          %add3A_661 = arith.addi %add3A_659, %add3A_660 : i32
          %mul3A_662 = arith.constant 50 : i32
          %mul3A_663 = arith.muli %add3A_239, %mul3A_662 : i32
          %add3A_664 = arith.addi %mul3A_663, %add3A_661 : i32
          %get3A_665 = arith.constant 1 : i32
          %get3A_666 = arith.index_cast %get3A_665 : i32 to index
          %get3A_667 = arith.index_cast %add3A_664 : i32 to index
          %get3A_668 = arith.constant 0 : index
          %get3A_669 = tpu.vector_load %arg6[%get3A_666, %get3A_667, %get3A_668] {strides = array<i32>} : memref<4x200x128xf32, #tpu.memory_space<vmem>>, vector<1x1x16xf32>,
          %get3A_670 = vector.shape_cast %get3A_669 : vector<1x1x16xf32> to vector<16xf32>
          %add3A_671 = arith.addf %add3A_585, %get3A_670 : vector<16xf32>
          %mul3A_672 = arith.constant 50 : i32
          %mul3A_673 = arith.muli %add3A_239, %mul3A_672 : i32
          %add3A_674 = arith.addi %mul3A_673, %add3A_661 : i32
          %get3A_675 = arith.constant 1 : i32
          %get3A_676 = arith.index_cast %get3A_675 : i32 to index
          %get3A_677 = arith.index_cast %add3A_674 : i32 to index
          %get3A_678 = arith.constant 16 : index
          %get3A_679 = tpu.vector_load %arg6[%get3A_676, %get3A_677, %get3A_678] {strides = array<i32>} : memref<4x200x128xf32, #tpu.memory_space<vmem>>, vector<1x1x16xf32>,
          %get3A_680 = vector.shape_cast %get3A_679 : vector<1x1x16xf32> to vector<16xf32>
          %add3A_681 = arith.addf %add3A_595, %get3A_680 : vector<16xf32>
          %mul3A_682 = arith.constant 50 : i32
          %mul3A_683 = arith.muli %add3A_239, %mul3A_682 : i32
          %add3A_684 = arith.addi %mul3A_683, %add3A_661 : i32
          %get3A_685 = arith.constant 1 : i32
          %get3A_686 = arith.index_cast %get3A_685 : i32 to index
          %get3A_687 = arith.index_cast %add3A_684 : i32 to index
          %get3A_688 = arith.constant 32 : index
          %get3A_689 = tpu.vector_load %arg6[%get3A_686, %get3A_687, %get3A_688] {strides = array<i32>} : memref<4x200x128xf32, #tpu.memory_space<vmem>>, vector<1x1x16xf32>,
          %get3A_690 = vector.shape_cast %get3A_689 : vector<1x1x16xf32> to vector<16xf32>
          %add3A_691 = arith.addf %add3A_605, %get3A_690 : vector<16xf32>
          %mul3A_692 = arith.constant 50 : i32
          %mul3A_693 = arith.muli %add3A_239, %mul3A_692 : i32
          %add3A_694 = arith.addi %mul3A_693, %add3A_661 : i32
          %get3A_695 = arith.constant 1 : i32
          %get3A_696 = arith.index_cast %get3A_695 : i32 to index
          %get3A_697 = arith.index_cast %add3A_694 : i32 to index
          %get3A_698 = arith.constant 48 : index
          %get3A_699 = tpu.vector_load %arg6[%get3A_696, %get3A_697, %get3A_698] {strides = array<i32>} : memref<4x200x128xf32, #tpu.memory_space<vmem>>, vector<1x1x16xf32>,
          %get3A_700 = vector.shape_cast %get3A_699 : vector<1x1x16xf32> to vector<16xf32>
          %add3A_701 = arith.addf %add3A_615, %get3A_700 : vector<16xf32>
          %mul3A_702 = arith.constant 50 : i32
          %mul3A_703 = arith.muli %add3A_239, %mul3A_702 : i32
          %add3A_704 = arith.addi %mul3A_703, %add3A_661 : i32
          %get3A_705 = arith.constant 1 : i32
          %get3A_706 = arith.index_cast %get3A_705 : i32 to index
          %get3A_707 = arith.index_cast %add3A_704 : i32 to index
          %get3A_708 = arith.constant 64 : index
          %get3A_709 = tpu.vector_load %arg6[%get3A_706, %get3A_707, %get3A_708] {strides = array<i32>} : memref<4x200x128xf32, #tpu.memory_space<vmem>>, vector<1x1x16xf32>,
          %get3A_710 = vector.shape_cast %get3A_709 : vector<1x1x16xf32> to vector<16xf32>
          %add3A_711 = arith.addf %add3A_625, %get3A_710 : vector<16xf32>
          %mul3A_712 = arith.constant 50 : i32
          %mul3A_713 = arith.muli %add3A_239, %mul3A_712 : i32
          %add3A_714 = arith.addi %mul3A_713, %add3A_661 : i32
          %get3A_715 = arith.constant 1 : i32
          %get3A_716 = arith.index_cast %get3A_715 : i32 to index
          %get3A_717 = arith.index_cast %add3A_714 : i32 to index
          %get3A_718 = arith.constant 80 : index
          %get3A_719 = tpu.vector_load %arg6[%get3A_716, %get3A_717, %get3A_718] {strides = array<i32>} : memref<4x200x128xf32, #tpu.memory_space<vmem>>, vector<1x1x16xf32>,
          %get3A_720 = vector.shape_cast %get3A_719 : vector<1x1x16xf32> to vector<16xf32>
          %add3A_721 = arith.addf %add3A_635, %get3A_720 : vector<16xf32>
          %mul3A_722 = arith.constant 50 : i32
          %mul3A_723 = arith.muli %add3A_239, %mul3A_722 : i32
          %add3A_724 = arith.addi %mul3A_723, %add3A_661 : i32
          %get3A_725 = arith.constant 1 : i32
          %get3A_726 = arith.index_cast %get3A_725 : i32 to index
          %get3A_727 = arith.index_cast %add3A_724 : i32 to index
          %get3A_728 = arith.constant 96 : index
          %get3A_729 = tpu.vector_load %arg6[%get3A_726, %get3A_727, %get3A_728] {strides = array<i32>} : memref<4x200x128xf32, #tpu.memory_space<vmem>>, vector<1x1x16xf32>,
          %get3A_730 = vector.shape_cast %get3A_729 : vector<1x1x16xf32> to vector<16xf32>
          %add3A_731 = arith.addf %add3A_645, %get3A_730 : vector<16xf32>
          %mul3A_732 = arith.constant 50 : i32
          %mul3A_733 = arith.muli %add3A_239, %mul3A_732 : i32
          %add3A_734 = arith.addi %mul3A_733, %add3A_661 : i32
          %get3A_735 = arith.constant 1 : i32
          %get3A_736 = arith.index_cast %get3A_735 : i32 to index
          %get3A_737 = arith.index_cast %add3A_734 : i32 to index
          %get3A_738 = arith.constant 112 : index
          %get3A_739 = tpu.vector_load %arg6[%get3A_736, %get3A_737, %get3A_738] {strides = array<i32>} : memref<4x200x128xf32, #tpu.memory_space<vmem>>, vector<1x1x16xf32>,
          %get3A_740 = vector.shape_cast %get3A_739 : vector<1x1x16xf32> to vector<16xf32>
          %add3A_741 = arith.addf %add3A_655, %get3A_740 : vector<16xf32>
          %mul3A_742 = arith.constant 4 : i32
          %mul3A_743 = arith.muli %scan3A_475, %mul3A_742 : i32
          %add3A_744 = arith.constant 1 : i32
          %add3A_745 = arith.addi %add3A_744, %mul3A_743 : i32
          %add3A_746 = arith.constant 3 : i32
          %add3A_747 = arith.addi %add3A_745, %add3A_746 : i32
          %mul3A_748 = arith.constant 50 : i32
          %mul3A_749 = arith.muli %add3A_239, %mul3A_748 : i32
          %add3A_750 = arith.addi %mul3A_749, %add3A_747 : i32
          %get3A_751 = arith.constant 1 : i32
          %get3A_752 = arith.index_cast %get3A_751 : i32 to index
          %get3A_753 = arith.index_cast %add3A_750 : i32 to index
          %get3A_754 = arith.constant 0 : index
          %get3A_755 = tpu.vector_load %arg6[%get3A_752, %get3A_753, %get3A_754] {strides = array<i32>} : memref<4x200x128xf32, #tpu.memory_space<vmem>>, vector<1x1x16xf32>,
          %get3A_756 = vector.shape_cast %get3A_755 : vector<1x1x16xf32> to vector<16xf32>
          %add3A_757 = arith.addf %add3A_671, %get3A_756 : vector<16xf32>
          %mul3A_758 = arith.constant 50 : i32
          %mul3A_759 = arith.muli %add3A_239, %mul3A_758 : i32
          %add3A_760 = arith.addi %mul3A_759, %add3A_747 : i32
          %get3A_761 = arith.constant 1 : i32
          %get3A_762 = arith.index_cast %get3A_761 : i32 to index
          %get3A_763 = arith.index_cast %add3A_760 : i32 to index
          %get3A_764 = arith.constant 16 : index
          %get3A_765 = tpu.vector_load %arg6[%get3A_762, %get3A_763, %get3A_764] {strides = array<i32>} : memref<4x200x128xf32, #tpu.memory_space<vmem>>, vector<1x1x16xf32>,
          %get3A_766 = vector.shape_cast %get3A_765 : vector<1x1x16xf32> to vector<16xf32>
          %add3A_767 = arith.addf %add3A_681, %get3A_766 : vector<16xf32>
          %mul3A_768 = arith.constant 50 : i32
          %mul3A_769 = arith.muli %add3A_239, %mul3A_768 : i32
          %add3A_770 = arith.addi %mul3A_769, %add3A_747 : i32
          %get3A_771 = arith.constant 1 : i32
          %get3A_772 = arith.index_cast %get3A_771 : i32 to index
          %get3A_773 = arith.index_cast %add3A_770 : i32 to index
          %get3A_774 = arith.constant 32 : index
          %get3A_775 = tpu.vector_load %arg6[%get3A_772, %get3A_773, %get3A_774] {strides = array<i32>} : memref<4x200x128xf32, #tpu.memory_space<vmem>>, vector<1x1x16xf32>,
          %get3A_776 = vector.shape_cast %get3A_775 : vector<1x1x16xf32> to vector<16xf32>
          %add3A_777 = arith.addf %add3A_691, %get3A_776 : vector<16xf32>
          %mul3A_778 = arith.constant 50 : i32
          %mul3A_779 = arith.muli %add3A_239, %mul3A_778 : i32
          %add3A_780 = arith.addi %mul3A_779, %add3A_747 : i32
          %get3A_781 = arith.constant 1 : i32
          %get3A_782 = arith.index_cast %get3A_781 : i32 to index
          %get3A_783 = arith.index_cast %add3A_780 : i32 to index
          %get3A_784 = arith.constant 48 : index
          %get3A_785 = tpu.vector_load %arg6[%get3A_782, %get3A_783, %get3A_784] {strides = array<i32>} : memref<4x200x128xf32, #tpu.memory_space<vmem>>, vector<1x1x16xf32>,
          %get3A_786 = vector.shape_cast %get3A_785 : vector<1x1x16xf32> to vector<16xf32>
          %add3A_787 = arith.addf %add3A_701, %get3A_786 : vector<16xf32>
          %mul3A_788 = arith.constant 50 : i32
          %mul3A_789 = arith.muli %add3A_239, %mul3A_788 : i32
          %add3A_790 = arith.addi %mul3A_789, %add3A_747 : i32
          %get3A_791 = arith.constant 1 : i32
          %get3A_792 = arith.index_cast %get3A_791 : i32 to index
          %get3A_793 = arith.index_cast %add3A_790 : i32 to index
          %get3A_794 = arith.constant 64 : index
          %get3A_795 = tpu.vector_load %arg6[%get3A_792, %get3A_793, %get3A_794] {strides = array<i32>} : memref<4x200x128xf32, #tpu.memory_space<vmem>>, vector<1x1x16xf32>,
          %get3A_796 = vector.shape_cast %get3A_795 : vector<1x1x16xf32> to vector<16xf32>
          %add3A_797 = arith.addf %add3A_711, %get3A_796 : vector<16xf32>
          %mul3A_798 = arith.constant 50 : i32
          %mul3A_799 = arith.muli %add3A_239, %mul3A_798 : i32
          %add3A_800 = arith.addi %mul3A_799, %add3A_747 : i32
          %get3A_801 = arith.constant 1 : i32
          %get3A_802 = arith.index_cast %get3A_801 : i32 to index
          %get3A_803 = arith.index_cast %add3A_800 : i32 to index
          %get3A_804 = arith.constant 80 : index
          %get3A_805 = tpu.vector_load %arg6[%get3A_802, %get3A_803, %get3A_804] {strides = array<i32>} : memref<4x200x128xf32, #tpu.memory_space<vmem>>, vector<1x1x16xf32>,
          %get3A_806 = vector.shape_cast %get3A_805 : vector<1x1x16xf32> to vector<16xf32>
          %add3A_807 = arith.addf %add3A_721, %get3A_806 : vector<16xf32>
          %mul3A_808 = arith.constant 50 : i32
          %mul3A_809 = arith.muli %add3A_239, %mul3A_808 : i32
          %add3A_810 = arith.addi %mul3A_809, %add3A_747 : i32
          %get3A_811 = arith.constant 1 : i32
          %get3A_812 = arith.index_cast %get3A_811 : i32 to index
          %get3A_813 = arith.index_cast %add3A_810 : i32 to index
          %get3A_814 = arith.constant 96 : index
          %get3A_815 = tpu.vector_load %arg6[%get3A_812, %get3A_813, %get3A_814] {strides = array<i32>} : memref<4x200x128xf32, #tpu.memory_space<vmem>>, vector<1x1x16xf32>,
          %get3A_816 = vector.shape_cast %get3A_815 : vector<1x1x16xf32> to vector<16xf32>
          %add3A_817 = arith.addf %add3A_731, %get3A_816 : vector<16xf32>
          %mul3A_818 = arith.constant 50 : i32
          %mul3A_819 = arith.muli %add3A_239, %mul3A_818 : i32
          %add3A_820 = arith.addi %mul3A_819, %add3A_747 : i32
          %get3A_821 = arith.constant 1 : i32
          %get3A_822 = arith.index_cast %get3A_821 : i32 to index
          %get3A_823 = arith.index_cast %add3A_820 : i32 to index
          %get3A_824 = arith.constant 112 : index
          %get3A_825 = tpu.vector_load %arg6[%get3A_822, %get3A_823, %get3A_824] {strides = array<i32>} : memref<4x200x128xf32, #tpu.memory_space<vmem>>, vector<1x1x16xf32>,
          %get3A_826 = vector.shape_cast %get3A_825 : vector<1x1x16xf32> to vector<16xf32>
          %add3A_827 = arith.addf %add3A_741, %get3A_826 : vector<16xf32>
          scf.yield %add3A_757, %add3A_767, %add3A_777, %add3A_787, %add3A_797, %add3A_807, %add3A_817, %add3A_827 : vector<16xf32>, vector<16xf32>, vector<16xf32>, vector<16xf32>, vector<16xf32>, vector<16xf32>, vector<16xf32>, vector<16xf32>
        }
        %scan3A_411 = arith.constant 12 : i32
        %mul3A_412 = arith.constant 4 : i32
        %mul3A_413 = arith.muli %add3A_130, %mul3A_412 : i32
        %add3A_414 = arith.addi %mul3A_413, %add3A_239 : i32
        %swap3A = arith.index_cast %add3A_414 : i32 to index
        %swap3A_415 = arith.constant 0 : index
        %swap3A_416 = tpu.vector_load %arg7[%swap3A, %swap3A_415] {strides = array<i32>} : memref<128x128xf32, #tpu.memory_space<vmem>>, vector<1x16xf32>,
        %swap3A_417 = vector.shape_cast %swap3A_416 : vector<1x16xf32> to vector<16xf32>
        %swap3A_418 = vector.shape_cast %scan3A_410#0 : vector<16xf32> to vector<1x16xf32>
        tpu.vector_store %arg7[%swap3A, %swap3A_415], %swap3A_418 {strides = array<i32>} : memref<128x128xf32, #tpu.memory_space<vmem>>, vector<1x16xf32>,
        %mul3A_419 = arith.constant 4 : i32
        %mul3A_420 = arith.muli %add3A_130, %mul3A_419 : i32
        %add3A_421 = arith.addi %mul3A_420, %add3A_239 : i32
        %swap3A_422 = arith.index_cast %add3A_421 : i32 to index
        %swap3A_423 = arith.constant 16 : index
        %swap3A_424 = tpu.vector_load %arg7[%swap3A_422, %swap3A_423] {strides = array<i32>} : memref<128x128xf32, #tpu.memory_space<vmem>>, vector<1x16xf32>,
        %swap3A_425 = vector.shape_cast %swap3A_424 : vector<1x16xf32> to vector<16xf32>
        %swap3A_426 = vector.shape_cast %scan3A_410#1 : vector<16xf32> to vector<1x16xf32>
        tpu.vector_store %arg7[%swap3A_422, %swap3A_423], %swap3A_426 {strides = array<i32>} : memref<128x128xf32, #tpu.memory_space<vmem>>, vector<1x16xf32>,
        %mul3A_427 = arith.constant 4 : i32
        %mul3A_428 = arith.muli %add3A_130, %mul3A_427 : i32
        %add3A_429 = arith.addi %mul3A_428, %add3A_239 : i32
        %swap3A_430 = arith.index_cast %add3A_429 : i32 to index
        %swap3A_431 = arith.constant 32 : index
        %swap3A_432 = tpu.vector_load %arg7[%swap3A_430, %swap3A_431] {strides = array<i32>} : memref<128x128xf32, #tpu.memory_space<vmem>>, vector<1x16xf32>,
        %swap3A_433 = vector.shape_cast %swap3A_432 : vector<1x16xf32> to vector<16xf32>
        %swap3A_434 = vector.shape_cast %scan3A_410#2 : vector<16xf32> to vector<1x16xf32>
        tpu.vector_store %arg7[%swap3A_430, %swap3A_431], %swap3A_434 {strides = array<i32>} : memref<128x128xf32, #tpu.memory_space<vmem>>, vector<1x16xf32>,
        %mul3A_435 = arith.constant 4 : i32
        %mul3A_436 = arith.muli %add3A_130, %mul3A_435 : i32
        %add3A_437 = arith.addi %mul3A_436, %add3A_239 : i32
        %swap3A_438 = arith.index_cast %add3A_437 : i32 to index
        %swap3A_439 = arith.constant 48 : index
        %swap3A_440 = tpu.vector_load %arg7[%swap3A_438, %swap3A_439] {strides = array<i32>} : memref<128x128xf32, #tpu.memory_space<vmem>>, vector<1x16xf32>,
        %swap3A_441 = vector.shape_cast %swap3A_440 : vector<1x16xf32> to vector<16xf32>
        %swap3A_442 = vector.shape_cast %scan3A_410#3 : vector<16xf32> to vector<1x16xf32>
        tpu.vector_store %arg7[%swap3A_438, %swap3A_439], %swap3A_442 {strides = array<i32>} : memref<128x128xf32, #tpu.memory_space<vmem>>, vector<1x16xf32>,
        %mul3A_443 = arith.constant 4 : i32
        %mul3A_444 = arith.muli %add3A_130, %mul3A_443 : i32
        %add3A_445 = arith.addi %mul3A_444, %add3A_239 : i32
        %swap3A_446 = arith.index_cast %add3A_445 : i32 to index
        %swap3A_447 = arith.constant 64 : index
        %swap3A_448 = tpu.vector_load %arg7[%swap3A_446, %swap3A_447] {strides = array<i32>} : memref<128x128xf32, #tpu.memory_space<vmem>>, vector<1x16xf32>,
        %swap3A_449 = vector.shape_cast %swap3A_448 : vector<1x16xf32> to vector<16xf32>
        %swap3A_450 = vector.shape_cast %scan3A_410#4 : vector<16xf32> to vector<1x16xf32>
        tpu.vector_store %arg7[%swap3A_446, %swap3A_447], %swap3A_450 {strides = array<i32>} : memref<128x128xf32, #tpu.memory_space<vmem>>, vector<1x16xf32>,
        %mul3A_451 = arith.constant 4 : i32
        %mul3A_452 = arith.muli %add3A_130, %mul3A_451 : i32
        %add3A_453 = arith.addi %mul3A_452, %add3A_239 : i32
        %swap3A_454 = arith.index_cast %add3A_453 : i32 to index
        %swap3A_455 = arith.constant 80 : index
        %swap3A_456 = tpu.vector_load %arg7[%swap3A_454, %swap3A_455] {strides = array<i32>} : memref<128x128xf32, #tpu.memory_space<vmem>>, vector<1x16xf32>,
        %swap3A_457 = vector.shape_cast %swap3A_456 : vector<1x16xf32> to vector<16xf32>
        %swap3A_458 = vector.shape_cast %scan3A_410#5 : vector<16xf32> to vector<1x16xf32>
        tpu.vector_store %arg7[%swap3A_454, %swap3A_455], %swap3A_458 {strides = array<i32>} : memref<128x128xf32, #tpu.memory_space<vmem>>, vector<1x16xf32>,
        %mul3A_459 = arith.constant 4 : i32
        %mul3A_460 = arith.muli %add3A_130, %mul3A_459 : i32
        %add3A_461 = arith.addi %mul3A_460, %add3A_239 : i32
        %swap3A_462 = arith.index_cast %add3A_461 : i32 to index
        %swap3A_463 = arith.constant 96 : index
        %swap3A_464 = tpu.vector_load %arg7[%swap3A_462, %swap3A_463] {strides = array<i32>} : memref<128x128xf32, #tpu.memory_space<vmem>>, vector<1x16xf32>,
        %swap3A_465 = vector.shape_cast %swap3A_464 : vector<1x16xf32> to vector<16xf32>
        %swap3A_466 = vector.shape_cast %scan3A_410#6 : vector<16xf32> to vector<1x16xf32>
        tpu.vector_store %arg7[%swap3A_462, %swap3A_463], %swap3A_466 {strides = array<i32>} : memref<128x128xf32, #tpu.memory_space<vmem>>, vector<1x16xf32>,
        %mul3A_467 = arith.constant 4 : i32
        %mul3A_468 = arith.muli %add3A_130, %mul3A_467 : i32
        %add3A_469 = arith.addi %mul3A_468, %add3A_239 : i32
        %swap3A_470 = arith.index_cast %add3A_469 : i32 to index
        %swap3A_471 = arith.constant 112 : index
        %swap3A_472 = tpu.vector_load %arg7[%swap3A_470, %swap3A_471] {strides = array<i32>} : memref<128x128xf32, #tpu.memory_space<vmem>>, vector<1x16xf32>,
        %swap3A_473 = vector.shape_cast %swap3A_472 : vector<1x16xf32> to vector<16xf32>
        %swap3A_474 = vector.shape_cast %scan3A_410#7 : vector<16xf32> to vector<1x16xf32>
        tpu.vector_store %arg7[%swap3A_470, %swap3A_471], %swap3A_474 {strides = array<i32>} : memref<128x128xf32, #tpu.memory_space<vmem>>, vector<1x16xf32>,
      }
      %scan3A_155 = arith.constant 4 : i32
      %add3A_156 = arith.constant 4 : i32
      %add3A_157 = arith.addi %add3A_130, %add3A_156 : i32
      %lt3A_158 = arith.constant 32 : i32
      %lt3A_159 = arith.cmpi slt, %add3A_157, %lt3A_158 : i32
      %convert_element_type3A_160 = arith.extui %lt3A_159 : i1 to i32
      %cond3A_161 = arith.constant 0 : i32
      %cond3A_162 = arith.cmpi ne, %convert_element_type3A_160, %cond3A_161 : i32
      scf.if %cond3A_162 {
        %add3A_235 = arith.constant 4 : i32
        %add3A_236 = arith.addi %add3A_130, %add3A_235 : i32
        %mul3A_237 = arith.constant 4 : i32
        %mul3A_238 = arith.muli %add3A_236, %mul3A_237 : i32
        %mul3A_239 = arith.constant 50 : i32
        %mul3A_240 = arith.muli %mul3A_238, %mul3A_239 : i32
        %add3A_241 = arith.constant 0 : i32
        %add3A_242 = arith.addi %mul3A_240, %add3A_241 : i32
        %dma_start3A_243 = arith.constant 1 : i32
        %dma_start3A_244 = arith.constant 0 : i32
        %dma_start3A_245 = arith.constant 0 : i32
        %dma_start3A_246 = tpu.memref_slice %arg6[%dma_start3A_243, %dma_start3A_244, %dma_start3A_245] : memref<4x200x128xf32, #tpu.memory_space<vmem>> -> memref<1x104x128xf32, #tpu.memory_space<vmem>>
        %dma_start3A_247 = tpu.memref_squeeze %dma_start3A_246 : memref<1x104x128xf32, #tpu.memory_space<vmem>> -> memref<104x128xf32, #tpu.memory_space<vmem>>
        %dma_start3A_248 = tpu.memref_slice %arg5[%add3A_242] : memref<6400xi32, #tpu.memory_space<vmem>> -> memref<104xi32, #tpu.memory_space<vmem>>
        %dma_start3A_249 = arith.constant 0 : i32
        %dma_start3A_250 = arith.constant 0 : i32
        %dma_start3A_251 = tpu.memref_slice %arg2[%dma_start3A_249, %dma_start3A_250] : memref<100000x128xf32, #tpu.memory_space<hbm>> -> memref<100000x128xf32, #tpu.memory_space<hbm>>
        tpu.enqueue_indirect_dma source(%dma_start3A_251 : memref<100000x128xf32, #tpu.memory_space<hbm>>) target(%dma_start3A_247 : memref<104x128xf32, #tpu.memory_space<vmem>>) offsets(%dma_start3A_248 : memref<104xi32, #tpu.memory_space<vmem>>) semaphore(%arg9 : memref<!tpu.dma_semaphore, #tpu.memory_space<semaphore_mem>>)
        %mul3A_252 = arith.constant 4 : i32
        %mul3A_253 = arith.muli %add3A_236, %mul3A_252 : i32
        %mul3A_254 = arith.constant 50 : i32
        %mul3A_255 = arith.muli %mul3A_253, %mul3A_254 : i32
        %add3A_256 = arith.constant 104 : i32
        %add3A_257 = arith.addi %mul3A_255, %add3A_256 : i32
        %dma_start3A_258 = arith.constant 1 : i32
        %dma_start3A_259 = arith.constant 104 : i32
        %dma_start3A_260 = arith.constant 0 : i32
        %dma_start3A_261 = tpu.memref_slice %arg6[%dma_start3A_258, %dma_start3A_259, %dma_start3A_260] : memref<4x200x128xf32, #tpu.memory_space<vmem>> -> memref<1x96x128xf32, #tpu.memory_space<vmem>>
        %dma_start3A_262 = tpu.memref_squeeze %dma_start3A_261 : memref<1x96x128xf32, #tpu.memory_space<vmem>> -> memref<96x128xf32, #tpu.memory_space<vmem>>
        %dma_start3A_263 = tpu.memref_slice %arg5[%add3A_257] : memref<6400xi32, #tpu.memory_space<vmem>> -> memref<96xi32, #tpu.memory_space<vmem>>
        %dma_start3A_264 = arith.constant 0 : i32
        %dma_start3A_265 = arith.constant 0 : i32
        %dma_start3A_266 = tpu.memref_slice %arg2[%dma_start3A_264, %dma_start3A_265] : memref<100000x128xf32, #tpu.memory_space<hbm>> -> memref<100000x128xf32, #tpu.memory_space<hbm>>
        tpu.enqueue_indirect_dma source(%dma_start3A_266 : memref<100000x128xf32, #tpu.memory_space<hbm>>) target(%dma_start3A_262 : memref<96x128xf32, #tpu.memory_space<vmem>>) offsets(%dma_start3A_263 : memref<96xi32, #tpu.memory_space<vmem>>) semaphore(%arg9 : memref<!tpu.dma_semaphore, #tpu.memory_space<semaphore_mem>>)
      } else {
      }
      %mul3A_163 = arith.constant 4 : i32
      %mul3A_164 = arith.muli %add3A_94, %mul3A_163 : i32
      %add3A_165 = arith.constant 2 : i32
      %add3A_166 = arith.addi %mul3A_164, %add3A_165 : i32
      %dma_wait3A_167 = arith.constant 2 : i32
      %dma_wait3A_168 = arith.constant 0 : i32
      %dma_wait3A_169 = arith.constant 0 : i32
      %dma_wait3A_170 = tpu.memref_slice %arg6[%dma_wait3A_167, %dma_wait3A_168, %dma_wait3A_169] : memref<4x200x128xf32, #tpu.memory_space<vmem>> -> memref<1x104x128xf32, #tpu.memory_space<vmem>>
      %dma_wait3A_171 = tpu.memref_squeeze %dma_wait3A_170 : memref<1x104x128xf32, #tpu.memory_space<vmem>> -> memref<104x128xf32, #tpu.memory_space<vmem>>
      %dma_wait3A_172 = arith.constant 0 : i32
      %dma_wait3A_173 = tpu.memref_slice %arg5[%dma_wait3A_172] : memref<6400xi32, #tpu.memory_space<vmem>> -> memref<104xi32, #tpu.memory_space<vmem>>
      %dma_wait3A_174 = arith.constant 0 : i32
      %dma_wait3A_175 = arith.constant 0 : i32
      %dma_wait3A_176 = tpu.memref_slice %arg2[%dma_wait3A_174, %dma_wait3A_175] : memref<100000x128xf32, #tpu.memory_space<hbm>> -> memref<100000x128xf32, #tpu.memory_space<hbm>>
      tpu.wait_indirect_dma semaphore(%arg10 : memref<!tpu.dma_semaphore, #tpu.memory_space<semaphore_mem>>) src(%dma_wait3A_176 : memref<100000x128xf32, #tpu.memory_space<hbm>>) dst(%dma_wait3A_171 : memref<104x128xf32, #tpu.memory_space<vmem>>)
      %dma_wait3A_177 = arith.constant 2 : i32
      %dma_wait3A_178 = arith.constant 104 : i32
      %dma_wait3A_179 = arith.constant 0 : i32
      %dma_wait3A_180 = tpu.memref_slice %arg6[%dma_wait3A_177, %dma_wait3A_178, %dma_wait3A_179] : memref<4x200x128xf32, #tpu.memory_space<vmem>> -> memref<1x96x128xf32, #tpu.memory_space<vmem>>
      %dma_wait3A_181 = tpu.memref_squeeze %dma_wait3A_180 : memref<1x96x128xf32, #tpu.memory_space<vmem>> -> memref<96x128xf32, #tpu.memory_space<vmem>>
      %dma_wait3A_182 = arith.constant 104 : i32
      %dma_wait3A_183 = tpu.memref_slice %arg5[%dma_wait3A_182] : memref<6400xi32, #tpu.memory_space<vmem>> -> memref<96xi32, #tpu.memory_space<vmem>>
      %dma_wait3A_184 = arith.constant 0 : i32
      %dma_wait3A_185 = arith.constant 0 : i32
      %dma_wait3A_186 = tpu.memref_slice %arg2[%dma_wait3A_184, %dma_wait3A_185] : memref<100000x128xf32, #tpu.memory_space<hbm>> -> memref<100000x128xf32, #tpu.memory_space<hbm>>
      tpu.wait_indirect_dma semaphore(%arg10 : memref<!tpu.dma_semaphore, #tpu.memory_space<semaphore_mem>>) src(%dma_wait3A_186 : memref<100000x128xf32, #tpu.memory_space<hbm>>) dst(%dma_wait3A_181 : memref<96x128xf32, #tpu.memory_space<vmem>>)
      %scan3A_187 = arith.constant 0 : i32
      %scan3A_188 = arith.constant 4 : i32
      %scan3A_189 = arith.addi %scan3A_187, %scan3A_188 : i32
      %scan3A_190 = arith.constant 1 : i32
      scf.for %scan3A_235 = %scan3A_187 to %scan3A_189 step %scan3A_190  : i32 {
        %mul3A_236 = arith.constant 1 : i32
        %mul3A_237 = arith.muli %scan3A_235, %mul3A_236 : i32
        %add3A_238 = arith.constant 0 : i32
        %add3A_239 = arith.addi %add3A_238, %mul3A_237 : i32
        %mul3A_240 = arith.constant 50 : i32
        %mul3A_241 = arith.muli %add3A_239, %mul3A_240 : i32
        %get3A = arith.constant 2 : i32
        %get3A_242 = arith.index_cast %get3A : i32 to index
        %get3A_243 = arith.index_cast %mul3A_241 : i32 to index
        %get3A_244 = arith.constant 0 : index
        %get3A_245 = tpu.vector_load %arg6[%get3A_242, %get3A_243, %get3A_244] {strides = array<i32>} : memref<4x200x128xf32, #tpu.memory_space<vmem>>, vector<1x1x16xf32>,
        %get3A_246 = vector.shape_cast %get3A_245 : vector<1x1x16xf32> to vector<16xf32>
        %mul3A_247 = arith.constant 50 : i32
        %mul3A_248 = arith.muli %add3A_239, %mul3A_247 : i32
        %add3A_249 = arith.constant 50 : i32
        %add3A_250 = arith.addi %mul3A_248, %add3A_249 : i32
        %sub3A = arith.constant 1 : i32
        %sub3A_251 = arith.subi %add3A_250, %sub3A : i32
        %get3A_252 = arith.constant 2 : i32
        %get3A_253 = arith.index_cast %get3A_252 : i32 to index
        %get3A_254 = arith.index_cast %sub3A_251 : i32 to index
        %get3A_255 = arith.constant 0 : index
        %get3A_256 = tpu.vector_load %arg6[%get3A_253, %get3A_254, %get3A_255] {strides = array<i32>} : memref<4x200x128xf32, #tpu.memory_space<vmem>>, vector<1x1x16xf32>,
        %get3A_257 = vector.shape_cast %get3A_256 : vector<1x1x16xf32> to vector<16xf32>
        %add3A_258 = arith.addf %get3A_246, %get3A_257 : vector<16xf32>
        %mul3A_259 = arith.constant 50 : i32
        %mul3A_260 = arith.muli %add3A_239, %mul3A_259 : i32
        %get3A_261 = arith.constant 2 : i32
        %get3A_262 = arith.index_cast %get3A_261 : i32 to index
        %get3A_263 = arith.index_cast %mul3A_260 : i32 to index
        %get3A_264 = arith.constant 16 : index
        %get3A_265 = tpu.vector_load %arg6[%get3A_262, %get3A_263, %get3A_264] {strides = array<i32>} : memref<4x200x128xf32, #tpu.memory_space<vmem>>, vector<1x1x16xf32>,
        %get3A_266 = vector.shape_cast %get3A_265 : vector<1x1x16xf32> to vector<16xf32>
        %mul3A_267 = arith.constant 50 : i32
        %mul3A_268 = arith.muli %add3A_239, %mul3A_267 : i32
        %add3A_269 = arith.constant 50 : i32
        %add3A_270 = arith.addi %mul3A_268, %add3A_269 : i32
        %sub3A_271 = arith.constant 1 : i32
        %sub3A_272 = arith.subi %add3A_270, %sub3A_271 : i32
        %get3A_273 = arith.constant 2 : i32
        %get3A_274 = arith.index_cast %get3A_273 : i32 to index
        %get3A_275 = arith.index_cast %sub3A_272 : i32 to index
        %get3A_276 = arith.constant 16 : index
        %get3A_277 = tpu.vector_load %arg6[%get3A_274, %get3A_275, %get3A_276] {strides = array<i32>} : memref<4x200x128xf32, #tpu.memory_space<vmem>>, vector<1x1x16xf32>,
        %get3A_278 = vector.shape_cast %get3A_277 : vector<1x1x16xf32> to vector<16xf32>
        %add3A_279 = arith.addf %get3A_266, %get3A_278 : vector<16xf32>
        %mul3A_280 = arith.constant 50 : i32
        %mul3A_281 = arith.muli %add3A_239, %mul3A_280 : i32
        %get3A_282 = arith.constant 2 : i32
        %get3A_283 = arith.index_cast %get3A_282 : i32 to index
        %get3A_284 = arith.index_cast %mul3A_281 : i32 to index
        %get3A_285 = arith.constant 32 : index
        %get3A_286 = tpu.vector_load %arg6[%get3A_283, %get3A_284, %get3A_285] {strides = array<i32>} : memref<4x200x128xf32, #tpu.memory_space<vmem>>, vector<1x1x16xf32>,
        %get3A_287 = vector.shape_cast %get3A_286 : vector<1x1x16xf32> to vector<16xf32>
        %mul3A_288 = arith.constant 50 : i32
        %mul3A_289 = arith.muli %add3A_239, %mul3A_288 : i32
        %add3A_290 = arith.constant 50 : i32
        %add3A_291 = arith.addi %mul3A_289, %add3A_290 : i32
        %sub3A_292 = arith.constant 1 : i32
        %sub3A_293 = arith.subi %add3A_291, %sub3A_292 : i32
        %get3A_294 = arith.constant 2 : i32
        %get3A_295 = arith.index_cast %get3A_294 : i32 to index
        %get3A_296 = arith.index_cast %sub3A_293 : i32 to index
        %get3A_297 = arith.constant 32 : index
        %get3A_298 = tpu.vector_load %arg6[%get3A_295, %get3A_296, %get3A_297] {strides = array<i32>} : memref<4x200x128xf32, #tpu.memory_space<vmem>>, vector<1x1x16xf32>,
        %get3A_299 = vector.shape_cast %get3A_298 : vector<1x1x16xf32> to vector<16xf32>
        %add3A_300 = arith.addf %get3A_287, %get3A_299 : vector<16xf32>
        %mul3A_301 = arith.constant 50 : i32
        %mul3A_302 = arith.muli %add3A_239, %mul3A_301 : i32
        %get3A_303 = arith.constant 2 : i32
        %get3A_304 = arith.index_cast %get3A_303 : i32 to index
        %get3A_305 = arith.index_cast %mul3A_302 : i32 to index
        %get3A_306 = arith.constant 48 : index
        %get3A_307 = tpu.vector_load %arg6[%get3A_304, %get3A_305, %get3A_306] {strides = array<i32>} : memref<4x200x128xf32, #tpu.memory_space<vmem>>, vector<1x1x16xf32>,
        %get3A_308 = vector.shape_cast %get3A_307 : vector<1x1x16xf32> to vector<16xf32>
        %mul3A_309 = arith.constant 50 : i32
        %mul3A_310 = arith.muli %add3A_239, %mul3A_309 : i32
        %add3A_311 = arith.constant 50 : i32
        %add3A_312 = arith.addi %mul3A_310, %add3A_311 : i32
        %sub3A_313 = arith.constant 1 : i32
        %sub3A_314 = arith.subi %add3A_312, %sub3A_313 : i32
        %get3A_315 = arith.constant 2 : i32
        %get3A_316 = arith.index_cast %get3A_315 : i32 to index
        %get3A_317 = arith.index_cast %sub3A_314 : i32 to index
        %get3A_318 = arith.constant 48 : index
        %get3A_319 = tpu.vector_load %arg6[%get3A_316, %get3A_317, %get3A_318] {strides = array<i32>} : memref<4x200x128xf32, #tpu.memory_space<vmem>>, vector<1x1x16xf32>,
        %get3A_320 = vector.shape_cast %get3A_319 : vector<1x1x16xf32> to vector<16xf32>
        %add3A_321 = arith.addf %get3A_308, %get3A_320 : vector<16xf32>
        %mul3A_322 = arith.constant 50 : i32
        %mul3A_323 = arith.muli %add3A_239, %mul3A_322 : i32
        %get3A_324 = arith.constant 2 : i32
        %get3A_325 = arith.index_cast %get3A_324 : i32 to index
        %get3A_326 = arith.index_cast %mul3A_323 : i32 to index
        %get3A_327 = arith.constant 64 : index
        %get3A_328 = tpu.vector_load %arg6[%get3A_325, %get3A_326, %get3A_327] {strides = array<i32>} : memref<4x200x128xf32, #tpu.memory_space<vmem>>, vector<1x1x16xf32>,
        %get3A_329 = vector.shape_cast %get3A_328 : vector<1x1x16xf32> to vector<16xf32>
        %mul3A_330 = arith.constant 50 : i32
        %mul3A_331 = arith.muli %add3A_239, %mul3A_330 : i32
        %add3A_332 = arith.constant 50 : i32
        %add3A_333 = arith.addi %mul3A_331, %add3A_332 : i32
        %sub3A_334 = arith.constant 1 : i32
        %sub3A_335 = arith.subi %add3A_333, %sub3A_334 : i32
        %get3A_336 = arith.constant 2 : i32
        %get3A_337 = arith.index_cast %get3A_336 : i32 to index
        %get3A_338 = arith.index_cast %sub3A_335 : i32 to index
        %get3A_339 = arith.constant 64 : index
        %get3A_340 = tpu.vector_load %arg6[%get3A_337, %get3A_338, %get3A_339] {strides = array<i32>} : memref<4x200x128xf32, #tpu.memory_space<vmem>>, vector<1x1x16xf32>,
        %get3A_341 = vector.shape_cast %get3A_340 : vector<1x1x16xf32> to vector<16xf32>
        %add3A_342 = arith.addf %get3A_329, %get3A_341 : vector<16xf32>
        %mul3A_343 = arith.constant 50 : i32
        %mul3A_344 = arith.muli %add3A_239, %mul3A_343 : i32
        %get3A_345 = arith.constant 2 : i32
        %get3A_346 = arith.index_cast %get3A_345 : i32 to index
        %get3A_347 = arith.index_cast %mul3A_344 : i32 to index
        %get3A_348 = arith.constant 80 : index
        %get3A_349 = tpu.vector_load %arg6[%get3A_346, %get3A_347, %get3A_348] {strides = array<i32>} : memref<4x200x128xf32, #tpu.memory_space<vmem>>, vector<1x1x16xf32>,
        %get3A_350 = vector.shape_cast %get3A_349 : vector<1x1x16xf32> to vector<16xf32>
        %mul3A_351 = arith.constant 50 : i32
        %mul3A_352 = arith.muli %add3A_239, %mul3A_351 : i32
        %add3A_353 = arith.constant 50 : i32
        %add3A_354 = arith.addi %mul3A_352, %add3A_353 : i32
        %sub3A_355 = arith.constant 1 : i32
        %sub3A_356 = arith.subi %add3A_354, %sub3A_355 : i32
        %get3A_357 = arith.constant 2 : i32
        %get3A_358 = arith.index_cast %get3A_357 : i32 to index
        %get3A_359 = arith.index_cast %sub3A_356 : i32 to index
        %get3A_360 = arith.constant 80 : index
        %get3A_361 = tpu.vector_load %arg6[%get3A_358, %get3A_359, %get3A_360] {strides = array<i32>} : memref<4x200x128xf32, #tpu.memory_space<vmem>>, vector<1x1x16xf32>,
        %get3A_362 = vector.shape_cast %get3A_361 : vector<1x1x16xf32> to vector<16xf32>
        %add3A_363 = arith.addf %get3A_350, %get3A_362 : vector<16xf32>
        %mul3A_364 = arith.constant 50 : i32
        %mul3A_365 = arith.muli %add3A_239, %mul3A_364 : i32
        %get3A_366 = arith.constant 2 : i32
        %get3A_367 = arith.index_cast %get3A_366 : i32 to index
        %get3A_368 = arith.index_cast %mul3A_365 : i32 to index
        %get3A_369 = arith.constant 96 : index
        %get3A_370 = tpu.vector_load %arg6[%get3A_367, %get3A_368, %get3A_369] {strides = array<i32>} : memref<4x200x128xf32, #tpu.memory_space<vmem>>, vector<1x1x16xf32>,
        %get3A_371 = vector.shape_cast %get3A_370 : vector<1x1x16xf32> to vector<16xf32>
        %mul3A_372 = arith.constant 50 : i32
        %mul3A_373 = arith.muli %add3A_239, %mul3A_372 : i32
        %add3A_374 = arith.constant 50 : i32
        %add3A_375 = arith.addi %mul3A_373, %add3A_374 : i32
        %sub3A_376 = arith.constant 1 : i32
        %sub3A_377 = arith.subi %add3A_375, %sub3A_376 : i32
        %get3A_378 = arith.constant 2 : i32
        %get3A_379 = arith.index_cast %get3A_378 : i32 to index
        %get3A_380 = arith.index_cast %sub3A_377 : i32 to index
        %get3A_381 = arith.constant 96 : index
        %get3A_382 = tpu.vector_load %arg6[%get3A_379, %get3A_380, %get3A_381] {strides = array<i32>} : memref<4x200x128xf32, #tpu.memory_space<vmem>>, vector<1x1x16xf32>,
        %get3A_383 = vector.shape_cast %get3A_382 : vector<1x1x16xf32> to vector<16xf32>
        %add3A_384 = arith.addf %get3A_371, %get3A_383 : vector<16xf32>
        %mul3A_385 = arith.constant 50 : i32
        %mul3A_386 = arith.muli %add3A_239, %mul3A_385 : i32
        %get3A_387 = arith.constant 2 : i32
        %get3A_388 = arith.index_cast %get3A_387 : i32 to index
        %get3A_389 = arith.index_cast %mul3A_386 : i32 to index
        %get3A_390 = arith.constant 112 : index
        %get3A_391 = tpu.vector_load %arg6[%get3A_388, %get3A_389, %get3A_390] {strides = array<i32>} : memref<4x200x128xf32, #tpu.memory_space<vmem>>, vector<1x1x16xf32>,
        %get3A_392 = vector.shape_cast %get3A_391 : vector<1x1x16xf32> to vector<16xf32>
        %mul3A_393 = arith.constant 50 : i32
        %mul3A_394 = arith.muli %add3A_239, %mul3A_393 : i32
        %add3A_395 = arith.constant 50 : i32
        %add3A_396 = arith.addi %mul3A_394, %add3A_395 : i32
        %sub3A_397 = arith.constant 1 : i32
        %sub3A_398 = arith.subi %add3A_396, %sub3A_397 : i32
        %get3A_399 = arith.constant 2 : i32
        %get3A_400 = arith.index_cast %get3A_399 : i32 to index
        %get3A_401 = arith.index_cast %sub3A_398 : i32 to index
        %get3A_402 = arith.constant 112 : index
        %get3A_403 = tpu.vector_load %arg6[%get3A_400, %get3A_401, %get3A_402] {strides = array<i32>} : memref<4x200x128xf32, #tpu.memory_space<vmem>>, vector<1x1x16xf32>,
        %get3A_404 = vector.shape_cast %get3A_403 : vector<1x1x16xf32> to vector<16xf32>
        %add3A_405 = arith.addf %get3A_392, %get3A_404 : vector<16xf32>
        %scan3A_406 = arith.constant 0 : i32
        %scan3A_407 = arith.constant 12 : i32
        %scan3A_408 = arith.addi %scan3A_406, %scan3A_407 : i32
        %scan3A_409 = arith.constant 1 : i32
        %scan3A_410:8 = scf.for %scan3A_475 = %scan3A_406 to %scan3A_408 step %scan3A_409 iter_args(%scan3A_476 = %add3A_258, %scan3A_477 = %add3A_279, %scan3A_478 = %add3A_300, %scan3A_479 = %add3A_321, %scan3A_480 = %add3A_342, %scan3A_481 = %add3A_363, %scan3A_482 = %add3A_384, %scan3A_483 = %add3A_405) -> (vector<16xf32>, vector<16xf32>, vector<16xf32>, vector<16xf32>, vector<16xf32>, vector<16xf32>, vector<16xf32>, vector<16xf32>)  : i32 {
          %mul3A_484 = arith.constant 4 : i32
          %mul3A_485 = arith.muli %scan3A_475, %mul3A_484 : i32
          %add3A_486 = arith.constant 1 : i32
          %add3A_487 = arith.addi %add3A_486, %mul3A_485 : i32
          %add3A_488 = arith.constant 0 : i32
          %add3A_489 = arith.addi %add3A_487, %add3A_488 : i32
          %mul3A_490 = arith.constant 50 : i32
          %mul3A_491 = arith.muli %add3A_239, %mul3A_490 : i32
          %add3A_492 = arith.addi %mul3A_491, %add3A_489 : i32
          %get3A_493 = arith.constant 2 : i32
          %get3A_494 = arith.index_cast %get3A_493 : i32 to index
          %get3A_495 = arith.index_cast %add3A_492 : i32 to index
          %get3A_496 = arith.constant 0 : index
          %get3A_497 = tpu.vector_load %arg6[%get3A_494, %get3A_495, %get3A_496] {strides = array<i32>} : memref<4x200x128xf32, #tpu.memory_space<vmem>>, vector<1x1x16xf32>,
          %get3A_498 = vector.shape_cast %get3A_497 : vector<1x1x16xf32> to vector<16xf32>
          %add3A_499 = arith.addf %scan3A_476, %get3A_498 : vector<16xf32>
          %mul3A_500 = arith.constant 50 : i32
          %mul3A_501 = arith.muli %add3A_239, %mul3A_500 : i32
          %add3A_502 = arith.addi %mul3A_501, %add3A_489 : i32
          %get3A_503 = arith.constant 2 : i32
          %get3A_504 = arith.index_cast %get3A_503 : i32 to index
          %get3A_505 = arith.index_cast %add3A_502 : i32 to index
          %get3A_506 = arith.constant 16 : index
          %get3A_507 = tpu.vector_load %arg6[%get3A_504, %get3A_505, %get3A_506] {strides = array<i32>} : memref<4x200x128xf32, #tpu.memory_space<vmem>>, vector<1x1x16xf32>,
          %get3A_508 = vector.shape_cast %get3A_507 : vector<1x1x16xf32> to vector<16xf32>
          %add3A_509 = arith.addf %scan3A_477, %get3A_508 : vector<16xf32>
          %mul3A_510 = arith.constant 50 : i32
          %mul3A_511 = arith.muli %add3A_239, %mul3A_510 : i32
          %add3A_512 = arith.addi %mul3A_511, %add3A_489 : i32
          %get3A_513 = arith.constant 2 : i32
          %get3A_514 = arith.index_cast %get3A_513 : i32 to index
          %get3A_515 = arith.index_cast %add3A_512 : i32 to index
          %get3A_516 = arith.constant 32 : index
          %get3A_517 = tpu.vector_load %arg6[%get3A_514, %get3A_515, %get3A_516] {strides = array<i32>} : memref<4x200x128xf32, #tpu.memory_space<vmem>>, vector<1x1x16xf32>,
          %get3A_518 = vector.shape_cast %get3A_517 : vector<1x1x16xf32> to vector<16xf32>
          %add3A_519 = arith.addf %scan3A_478, %get3A_518 : vector<16xf32>
          %mul3A_520 = arith.constant 50 : i32
          %mul3A_521 = arith.muli %add3A_239, %mul3A_520 : i32
          %add3A_522 = arith.addi %mul3A_521, %add3A_489 : i32
          %get3A_523 = arith.constant 2 : i32
          %get3A_524 = arith.index_cast %get3A_523 : i32 to index
          %get3A_525 = arith.index_cast %add3A_522 : i32 to index
          %get3A_526 = arith.constant 48 : index
          %get3A_527 = tpu.vector_load %arg6[%get3A_524, %get3A_525, %get3A_526] {strides = array<i32>} : memref<4x200x128xf32, #tpu.memory_space<vmem>>, vector<1x1x16xf32>,
          %get3A_528 = vector.shape_cast %get3A_527 : vector<1x1x16xf32> to vector<16xf32>
          %add3A_529 = arith.addf %scan3A_479, %get3A_528 : vector<16xf32>
          %mul3A_530 = arith.constant 50 : i32
          %mul3A_531 = arith.muli %add3A_239, %mul3A_530 : i32
          %add3A_532 = arith.addi %mul3A_531, %add3A_489 : i32
          %get3A_533 = arith.constant 2 : i32
          %get3A_534 = arith.index_cast %get3A_533 : i32 to index
          %get3A_535 = arith.index_cast %add3A_532 : i32 to index
          %get3A_536 = arith.constant 64 : index
          %get3A_537 = tpu.vector_load %arg6[%get3A_534, %get3A_535, %get3A_536] {strides = array<i32>} : memref<4x200x128xf32, #tpu.memory_space<vmem>>, vector<1x1x16xf32>,
          %get3A_538 = vector.shape_cast %get3A_537 : vector<1x1x16xf32> to vector<16xf32>
          %add3A_539 = arith.addf %scan3A_480, %get3A_538 : vector<16xf32>
          %mul3A_540 = arith.constant 50 : i32
          %mul3A_541 = arith.muli %add3A_239, %mul3A_540 : i32
          %add3A_542 = arith.addi %mul3A_541, %add3A_489 : i32
          %get3A_543 = arith.constant 2 : i32
          %get3A_544 = arith.index_cast %get3A_543 : i32 to index
          %get3A_545 = arith.index_cast %add3A_542 : i32 to index
          %get3A_546 = arith.constant 80 : index
          %get3A_547 = tpu.vector_load %arg6[%get3A_544, %get3A_545, %get3A_546] {strides = array<i32>} : memref<4x200x128xf32, #tpu.memory_space<vmem>>, vector<1x1x16xf32>,
          %get3A_548 = vector.shape_cast %get3A_547 : vector<1x1x16xf32> to vector<16xf32>
          %add3A_549 = arith.addf %scan3A_481, %get3A_548 : vector<16xf32>
          %mul3A_550 = arith.constant 50 : i32
          %mul3A_551 = arith.muli %add3A_239, %mul3A_550 : i32
          %add3A_552 = arith.addi %mul3A_551, %add3A_489 : i32
          %get3A_553 = arith.constant 2 : i32
          %get3A_554 = arith.index_cast %get3A_553 : i32 to index
          %get3A_555 = arith.index_cast %add3A_552 : i32 to index
          %get3A_556 = arith.constant 96 : index
          %get3A_557 = tpu.vector_load %arg6[%get3A_554, %get3A_555, %get3A_556] {strides = array<i32>} : memref<4x200x128xf32, #tpu.memory_space<vmem>>, vector<1x1x16xf32>,
          %get3A_558 = vector.shape_cast %get3A_557 : vector<1x1x16xf32> to vector<16xf32>
          %add3A_559 = arith.addf %scan3A_482, %get3A_558 : vector<16xf32>
          %mul3A_560 = arith.constant 50 : i32
          %mul3A_561 = arith.muli %add3A_239, %mul3A_560 : i32
          %add3A_562 = arith.addi %mul3A_561, %add3A_489 : i32
          %get3A_563 = arith.constant 2 : i32
          %get3A_564 = arith.index_cast %get3A_563 : i32 to index
          %get3A_565 = arith.index_cast %add3A_562 : i32 to index
          %get3A_566 = arith.constant 112 : index
          %get3A_567 = tpu.vector_load %arg6[%get3A_564, %get3A_565, %get3A_566] {strides = array<i32>} : memref<4x200x128xf32, #tpu.memory_space<vmem>>, vector<1x1x16xf32>,
          %get3A_568 = vector.shape_cast %get3A_567 : vector<1x1x16xf32> to vector<16xf32>
          %add3A_569 = arith.addf %scan3A_483, %get3A_568 : vector<16xf32>
          %mul3A_570 = arith.constant 4 : i32
          %mul3A_571 = arith.muli %scan3A_475, %mul3A_570 : i32
          %add3A_572 = arith.constant 1 : i32
          %add3A_573 = arith.addi %add3A_572, %mul3A_571 : i32
          %add3A_574 = arith.constant 1 : i32
          %add3A_575 = arith.addi %add3A_573, %add3A_574 : i32
          %mul3A_576 = arith.constant 50 : i32
          %mul3A_577 = arith.muli %add3A_239, %mul3A_576 : i32
          %add3A_578 = arith.addi %mul3A_577, %add3A_575 : i32
          %get3A_579 = arith.constant 2 : i32
          %get3A_580 = arith.index_cast %get3A_579 : i32 to index
          %get3A_581 = arith.index_cast %add3A_578 : i32 to index
          %get3A_582 = arith.constant 0 : index
          %get3A_583 = tpu.vector_load %arg6[%get3A_580, %get3A_581, %get3A_582] {strides = array<i32>} : memref<4x200x128xf32, #tpu.memory_space<vmem>>, vector<1x1x16xf32>,
          %get3A_584 = vector.shape_cast %get3A_583 : vector<1x1x16xf32> to vector<16xf32>
          %add3A_585 = arith.addf %add3A_499, %get3A_584 : vector<16xf32>
          %mul3A_586 = arith.constant 50 : i32
          %mul3A_587 = arith.muli %add3A_239, %mul3A_586 : i32
          %add3A_588 = arith.addi %mul3A_587, %add3A_575 : i32
          %get3A_589 = arith.constant 2 : i32
          %get3A_590 = arith.index_cast %get3A_589 : i32 to index
          %get3A_591 = arith.index_cast %add3A_588 : i32 to index
          %get3A_592 = arith.constant 16 : index
          %get3A_593 = tpu.vector_load %arg6[%get3A_590, %get3A_591, %get3A_592] {strides = array<i32>} : memref<4x200x128xf32, #tpu.memory_space<vmem>>, vector<1x1x16xf32>,
          %get3A_594 = vector.shape_cast %get3A_593 : vector<1x1x16xf32> to vector<16xf32>
          %add3A_595 = arith.addf %add3A_509, %get3A_594 : vector<16xf32>
          %mul3A_596 = arith.constant 50 : i32
          %mul3A_597 = arith.muli %add3A_239, %mul3A_596 : i32
          %add3A_598 = arith.addi %mul3A_597, %add3A_575 : i32
          %get3A_599 = arith.constant 2 : i32
          %get3A_600 = arith.index_cast %get3A_599 : i32 to index
          %get3A_601 = arith.index_cast %add3A_598 : i32 to index
          %get3A_602 = arith.constant 32 : index
          %get3A_603 = tpu.vector_load %arg6[%get3A_600, %get3A_601, %get3A_602] {strides = array<i32>} : memref<4x200x128xf32, #tpu.memory_space<vmem>>, vector<1x1x16xf32>,
          %get3A_604 = vector.shape_cast %get3A_603 : vector<1x1x16xf32> to vector<16xf32>
          %add3A_605 = arith.addf %add3A_519, %get3A_604 : vector<16xf32>
          %mul3A_606 = arith.constant 50 : i32
          %mul3A_607 = arith.muli %add3A_239, %mul3A_606 : i32
          %add3A_608 = arith.addi %mul3A_607, %add3A_575 : i32
          %get3A_609 = arith.constant 2 : i32
          %get3A_610 = arith.index_cast %get3A_609 : i32 to index
          %get3A_611 = arith.index_cast %add3A_608 : i32 to index
          %get3A_612 = arith.constant 48 : index
          %get3A_613 = tpu.vector_load %arg6[%get3A_610, %get3A_611, %get3A_612] {strides = array<i32>} : memref<4x200x128xf32, #tpu.memory_space<vmem>>, vector<1x1x16xf32>,
          %get3A_614 = vector.shape_cast %get3A_613 : vector<1x1x16xf32> to vector<16xf32>
          %add3A_615 = arith.addf %add3A_529, %get3A_614 : vector<16xf32>
          %mul3A_616 = arith.constant 50 : i32
          %mul3A_617 = arith.muli %add3A_239, %mul3A_616 : i32
          %add3A_618 = arith.addi %mul3A_617, %add3A_575 : i32
          %get3A_619 = arith.constant 2 : i32
          %get3A_620 = arith.index_cast %get3A_619 : i32 to index
          %get3A_621 = arith.index_cast %add3A_618 : i32 to index
          %get3A_622 = arith.constant 64 : index
          %get3A_623 = tpu.vector_load %arg6[%get3A_620, %get3A_621, %get3A_622] {strides = array<i32>} : memref<4x200x128xf32, #tpu.memory_space<vmem>>, vector<1x1x16xf32>,
          %get3A_624 = vector.shape_cast %get3A_623 : vector<1x1x16xf32> to vector<16xf32>
          %add3A_625 = arith.addf %add3A_539, %get3A_624 : vector<16xf32>
          %mul3A_626 = arith.constant 50 : i32
          %mul3A_627 = arith.muli %add3A_239, %mul3A_626 : i32
          %add3A_628 = arith.addi %mul3A_627, %add3A_575 : i32
          %get3A_629 = arith.constant 2 : i32
          %get3A_630 = arith.index_cast %get3A_629 : i32 to index
          %get3A_631 = arith.index_cast %add3A_628 : i32 to index
          %get3A_632 = arith.constant 80 : index
          %get3A_633 = tpu.vector_load %arg6[%get3A_630, %get3A_631, %get3A_632] {strides = array<i32>} : memref<4x200x128xf32, #tpu.memory_space<vmem>>, vector<1x1x16xf32>,
          %get3A_634 = vector.shape_cast %get3A_633 : vector<1x1x16xf32> to vector<16xf32>
          %add3A_635 = arith.addf %add3A_549, %get3A_634 : vector<16xf32>
          %mul3A_636 = arith.constant 50 : i32
          %mul3A_637 = arith.muli %add3A_239, %mul3A_636 : i32
          %add3A_638 = arith.addi %mul3A_637, %add3A_575 : i32
          %get3A_639 = arith.constant 2 : i32
          %get3A_640 = arith.index_cast %get3A_639 : i32 to index
          %get3A_641 = arith.index_cast %add3A_638 : i32 to index
          %get3A_642 = arith.constant 96 : index
          %get3A_643 = tpu.vector_load %arg6[%get3A_640, %get3A_641, %get3A_642] {strides = array<i32>} : memref<4x200x128xf32, #tpu.memory_space<vmem>>, vector<1x1x16xf32>,
          %get3A_644 = vector.shape_cast %get3A_643 : vector<1x1x16xf32> to vector<16xf32>
          %add3A_645 = arith.addf %add3A_559, %get3A_644 : vector<16xf32>
          %mul3A_646 = arith.constant 50 : i32
          %mul3A_647 = arith.muli %add3A_239, %mul3A_646 : i32
          %add3A_648 = arith.addi %mul3A_647, %add3A_575 : i32
          %get3A_649 = arith.constant 2 : i32
          %get3A_650 = arith.index_cast %get3A_649 : i32 to index
          %get3A_651 = arith.index_cast %add3A_648 : i32 to index
          %get3A_652 = arith.constant 112 : index
          %get3A_653 = tpu.vector_load %arg6[%get3A_650, %get3A_651, %get3A_652] {strides = array<i32>} : memref<4x200x128xf32, #tpu.memory_space<vmem>>, vector<1x1x16xf32>,
          %get3A_654 = vector.shape_cast %get3A_653 : vector<1x1x16xf32> to vector<16xf32>
          %add3A_655 = arith.addf %add3A_569, %get3A_654 : vector<16xf32>
          %mul3A_656 = arith.constant 4 : i32
          %mul3A_657 = arith.muli %scan3A_475, %mul3A_656 : i32
          %add3A_658 = arith.constant 1 : i32
          %add3A_659 = arith.addi %add3A_658, %mul3A_657 : i32
          %add3A_660 = arith.constant 2 : i32
          %add3A_661 = arith.addi %add3A_659, %add3A_660 : i32
          %mul3A_662 = arith.constant 50 : i32
          %mul3A_663 = arith.muli %add3A_239, %mul3A_662 : i32
          %add3A_664 = arith.addi %mul3A_663, %add3A_661 : i32
          %get3A_665 = arith.constant 2 : i32
          %get3A_666 = arith.index_cast %get3A_665 : i32 to index
          %get3A_667 = arith.index_cast %add3A_664 : i32 to index
          %get3A_668 = arith.constant 0 : index
          %get3A_669 = tpu.vector_load %arg6[%get3A_666, %get3A_667, %get3A_668] {strides = array<i32>} : memref<4x200x128xf32, #tpu.memory_space<vmem>>, vector<1x1x16xf32>,
          %get3A_670 = vector.shape_cast %get3A_669 : vector<1x1x16xf32> to vector<16xf32>
          %add3A_671 = arith.addf %add3A_585, %get3A_670 : vector<16xf32>
          %mul3A_672 = arith.constant 50 : i32
          %mul3A_673 = arith.muli %add3A_239, %mul3A_672 : i32
          %add3A_674 = arith.addi %mul3A_673, %add3A_661 : i32
          %get3A_675 = arith.constant 2 : i32
          %get3A_676 = arith.index_cast %get3A_675 : i32 to index
          %get3A_677 = arith.index_cast %add3A_674 : i32 to index
          %get3A_678 = arith.constant 16 : index
          %get3A_679 = tpu.vector_load %arg6[%get3A_676, %get3A_677, %get3A_678] {strides = array<i32>} : memref<4x200x128xf32, #tpu.memory_space<vmem>>, vector<1x1x16xf32>,
          %get3A_680 = vector.shape_cast %get3A_679 : vector<1x1x16xf32> to vector<16xf32>
          %add3A_681 = arith.addf %add3A_595, %get3A_680 : vector<16xf32>
          %mul3A_682 = arith.constant 50 : i32
          %mul3A_683 = arith.muli %add3A_239, %mul3A_682 : i32
          %add3A_684 = arith.addi %mul3A_683, %add3A_661 : i32
          %get3A_685 = arith.constant 2 : i32
          %get3A_686 = arith.index_cast %get3A_685 : i32 to index
          %get3A_687 = arith.index_cast %add3A_684 : i32 to index
          %get3A_688 = arith.constant 32 : index
          %get3A_689 = tpu.vector_load %arg6[%get3A_686, %get3A_687, %get3A_688] {strides = array<i32>} : memref<4x200x128xf32, #tpu.memory_space<vmem>>, vector<1x1x16xf32>,
          %get3A_690 = vector.shape_cast %get3A_689 : vector<1x1x16xf32> to vector<16xf32>
          %add3A_691 = arith.addf %add3A_605, %get3A_690 : vector<16xf32>
          %mul3A_692 = arith.constant 50 : i32
          %mul3A_693 = arith.muli %add3A_239, %mul3A_692 : i32
          %add3A_694 = arith.addi %mul3A_693, %add3A_661 : i32
          %get3A_695 = arith.constant 2 : i32
          %get3A_696 = arith.index_cast %get3A_695 : i32 to index
          %get3A_697 = arith.index_cast %add3A_694 : i32 to index
          %get3A_698 = arith.constant 48 : index
          %get3A_699 = tpu.vector_load %arg6[%get3A_696, %get3A_697, %get3A_698] {strides = array<i32>} : memref<4x200x128xf32, #tpu.memory_space<vmem>>, vector<1x1x16xf32>,
          %get3A_700 = vector.shape_cast %get3A_699 : vector<1x1x16xf32> to vector<16xf32>
          %add3A_701 = arith.addf %add3A_615, %get3A_700 : vector<16xf32>
          %mul3A_702 = arith.constant 50 : i32
          %mul3A_703 = arith.muli %add3A_239, %mul3A_702 : i32
          %add3A_704 = arith.addi %mul3A_703, %add3A_661 : i32
          %get3A_705 = arith.constant 2 : i32
          %get3A_706 = arith.index_cast %get3A_705 : i32 to index
          %get3A_707 = arith.index_cast %add3A_704 : i32 to index
          %get3A_708 = arith.constant 64 : index
          %get3A_709 = tpu.vector_load %arg6[%get3A_706, %get3A_707, %get3A_708] {strides = array<i32>} : memref<4x200x128xf32, #tpu.memory_space<vmem>>, vector<1x1x16xf32>,
          %get3A_710 = vector.shape_cast %get3A_709 : vector<1x1x16xf32> to vector<16xf32>
          %add3A_711 = arith.addf %add3A_625, %get3A_710 : vector<16xf32>
          %mul3A_712 = arith.constant 50 : i32
          %mul3A_713 = arith.muli %add3A_239, %mul3A_712 : i32
          %add3A_714 = arith.addi %mul3A_713, %add3A_661 : i32
          %get3A_715 = arith.constant 2 : i32
          %get3A_716 = arith.index_cast %get3A_715 : i32 to index
          %get3A_717 = arith.index_cast %add3A_714 : i32 to index
          %get3A_718 = arith.constant 80 : index
          %get3A_719 = tpu.vector_load %arg6[%get3A_716, %get3A_717, %get3A_718] {strides = array<i32>} : memref<4x200x128xf32, #tpu.memory_space<vmem>>, vector<1x1x16xf32>,
          %get3A_720 = vector.shape_cast %get3A_719 : vector<1x1x16xf32> to vector<16xf32>
          %add3A_721 = arith.addf %add3A_635, %get3A_720 : vector<16xf32>
          %mul3A_722 = arith.constant 50 : i32
          %mul3A_723 = arith.muli %add3A_239, %mul3A_722 : i32
          %add3A_724 = arith.addi %mul3A_723, %add3A_661 : i32
          %get3A_725 = arith.constant 2 : i32
          %get3A_726 = arith.index_cast %get3A_725 : i32 to index
          %get3A_727 = arith.index_cast %add3A_724 : i32 to index
          %get3A_728 = arith.constant 96 : index
          %get3A_729 = tpu.vector_load %arg6[%get3A_726, %get3A_727, %get3A_728] {strides = array<i32>} : memref<4x200x128xf32, #tpu.memory_space<vmem>>, vector<1x1x16xf32>,
          %get3A_730 = vector.shape_cast %get3A_729 : vector<1x1x16xf32> to vector<16xf32>
          %add3A_731 = arith.addf %add3A_645, %get3A_730 : vector<16xf32>
          %mul3A_732 = arith.constant 50 : i32
          %mul3A_733 = arith.muli %add3A_239, %mul3A_732 : i32
          %add3A_734 = arith.addi %mul3A_733, %add3A_661 : i32
          %get3A_735 = arith.constant 2 : i32
          %get3A_736 = arith.index_cast %get3A_735 : i32 to index
          %get3A_737 = arith.index_cast %add3A_734 : i32 to index
          %get3A_738 = arith.constant 112 : index
          %get3A_739 = tpu.vector_load %arg6[%get3A_736, %get3A_737, %get3A_738] {strides = array<i32>} : memref<4x200x128xf32, #tpu.memory_space<vmem>>, vector<1x1x16xf32>,
          %get3A_740 = vector.shape_cast %get3A_739 : vector<1x1x16xf32> to vector<16xf32>
          %add3A_741 = arith.addf %add3A_655, %get3A_740 : vector<16xf32>
          %mul3A_742 = arith.constant 4 : i32
          %mul3A_743 = arith.muli %scan3A_475, %mul3A_742 : i32
          %add3A_744 = arith.constant 1 : i32
          %add3A_745 = arith.addi %add3A_744, %mul3A_743 : i32
          %add3A_746 = arith.constant 3 : i32
          %add3A_747 = arith.addi %add3A_745, %add3A_746 : i32
          %mul3A_748 = arith.constant 50 : i32
          %mul3A_749 = arith.muli %add3A_239, %mul3A_748 : i32
          %add3A_750 = arith.addi %mul3A_749, %add3A_747 : i32
          %get3A_751 = arith.constant 2 : i32
          %get3A_752 = arith.index_cast %get3A_751 : i32 to index
          %get3A_753 = arith.index_cast %add3A_750 : i32 to index
          %get3A_754 = arith.constant 0 : index
          %get3A_755 = tpu.vector_load %arg6[%get3A_752, %get3A_753, %get3A_754] {strides = array<i32>} : memref<4x200x128xf32, #tpu.memory_space<vmem>>, vector<1x1x16xf32>,
          %get3A_756 = vector.shape_cast %get3A_755 : vector<1x1x16xf32> to vector<16xf32>
          %add3A_757 = arith.addf %add3A_671, %get3A_756 : vector<16xf32>
          %mul3A_758 = arith.constant 50 : i32
          %mul3A_759 = arith.muli %add3A_239, %mul3A_758 : i32
          %add3A_760 = arith.addi %mul3A_759, %add3A_747 : i32
          %get3A_761 = arith.constant 2 : i32
          %get3A_762 = arith.index_cast %get3A_761 : i32 to index
          %get3A_763 = arith.index_cast %add3A_760 : i32 to index
          %get3A_764 = arith.constant 16 : index
          %get3A_765 = tpu.vector_load %arg6[%get3A_762, %get3A_763, %get3A_764] {strides = array<i32>} : memref<4x200x128xf32, #tpu.memory_space<vmem>>, vector<1x1x16xf32>,
          %get3A_766 = vector.shape_cast %get3A_765 : vector<1x1x16xf32> to vector<16xf32>
          %add3A_767 = arith.addf %add3A_681, %get3A_766 : vector<16xf32>
          %mul3A_768 = arith.constant 50 : i32
          %mul3A_769 = arith.muli %add3A_239, %mul3A_768 : i32
          %add3A_770 = arith.addi %mul3A_769, %add3A_747 : i32
          %get3A_771 = arith.constant 2 : i32
          %get3A_772 = arith.index_cast %get3A_771 : i32 to index
          %get3A_773 = arith.index_cast %add3A_770 : i32 to index
          %get3A_774 = arith.constant 32 : index
          %get3A_775 = tpu.vector_load %arg6[%get3A_772, %get3A_773, %get3A_774] {strides = array<i32>} : memref<4x200x128xf32, #tpu.memory_space<vmem>>, vector<1x1x16xf32>,
          %get3A_776 = vector.shape_cast %get3A_775 : vector<1x1x16xf32> to vector<16xf32>
          %add3A_777 = arith.addf %add3A_691, %get3A_776 : vector<16xf32>
          %mul3A_778 = arith.constant 50 : i32
          %mul3A_779 = arith.muli %add3A_239, %mul3A_778 : i32
          %add3A_780 = arith.addi %mul3A_779, %add3A_747 : i32
          %get3A_781 = arith.constant 2 : i32
          %get3A_782 = arith.index_cast %get3A_781 : i32 to index
          %get3A_783 = arith.index_cast %add3A_780 : i32 to index
          %get3A_784 = arith.constant 48 : index
          %get3A_785 = tpu.vector_load %arg6[%get3A_782, %get3A_783, %get3A_784] {strides = array<i32>} : memref<4x200x128xf32, #tpu.memory_space<vmem>>, vector<1x1x16xf32>,
          %get3A_786 = vector.shape_cast %get3A_785 : vector<1x1x16xf32> to vector<16xf32>
          %add3A_787 = arith.addf %add3A_701, %get3A_786 : vector<16xf32>
          %mul3A_788 = arith.constant 50 : i32
          %mul3A_789 = arith.muli %add3A_239, %mul3A_788 : i32
          %add3A_790 = arith.addi %mul3A_789, %add3A_747 : i32
          %get3A_791 = arith.constant 2 : i32
          %get3A_792 = arith.index_cast %get3A_791 : i32 to index
          %get3A_793 = arith.index_cast %add3A_790 : i32 to index
          %get3A_794 = arith.constant 64 : index
          %get3A_795 = tpu.vector_load %arg6[%get3A_792, %get3A_793, %get3A_794] {strides = array<i32>} : memref<4x200x128xf32, #tpu.memory_space<vmem>>, vector<1x1x16xf32>,
          %get3A_796 = vector.shape_cast %get3A_795 : vector<1x1x16xf32> to vector<16xf32>
          %add3A_797 = arith.addf %add3A_711, %get3A_796 : vector<16xf32>
          %mul3A_798 = arith.constant 50 : i32
          %mul3A_799 = arith.muli %add3A_239, %mul3A_798 : i32
          %add3A_800 = arith.addi %mul3A_799, %add3A_747 : i32
          %get3A_801 = arith.constant 2 : i32
          %get3A_802 = arith.index_cast %get3A_801 : i32 to index
          %get3A_803 = arith.index_cast %add3A_800 : i32 to index
          %get3A_804 = arith.constant 80 : index
          %get3A_805 = tpu.vector_load %arg6[%get3A_802, %get3A_803, %get3A_804] {strides = array<i32>} : memref<4x200x128xf32, #tpu.memory_space<vmem>>, vector<1x1x16xf32>,
          %get3A_806 = vector.shape_cast %get3A_805 : vector<1x1x16xf32> to vector<16xf32>
          %add3A_807 = arith.addf %add3A_721, %get3A_806 : vector<16xf32>
          %mul3A_808 = arith.constant 50 : i32
          %mul3A_809 = arith.muli %add3A_239, %mul3A_808 : i32
          %add3A_810 = arith.addi %mul3A_809, %add3A_747 : i32
          %get3A_811 = arith.constant 2 : i32
          %get3A_812 = arith.index_cast %get3A_811 : i32 to index
          %get3A_813 = arith.index_cast %add3A_810 : i32 to index
          %get3A_814 = arith.constant 96 : index
          %get3A_815 = tpu.vector_load %arg6[%get3A_812, %get3A_813, %get3A_814] {strides = array<i32>} : memref<4x200x128xf32, #tpu.memory_space<vmem>>, vector<1x1x16xf32>,
          %get3A_816 = vector.shape_cast %get3A_815 : vector<1x1x16xf32> to vector<16xf32>
          %add3A_817 = arith.addf %add3A_731, %get3A_816 : vector<16xf32>
          %mul3A_818 = arith.constant 50 : i32
          %mul3A_819 = arith.muli %add3A_239, %mul3A_818 : i32
          %add3A_820 = arith.addi %mul3A_819, %add3A_747 : i32
          %get3A_821 = arith.constant 2 : i32
          %get3A_822 = arith.index_cast %get3A_821 : i32 to index
          %get3A_823 = arith.index_cast %add3A_820 : i32 to index
          %get3A_824 = arith.constant 112 : index
          %get3A_825 = tpu.vector_load %arg6[%get3A_822, %get3A_823, %get3A_824] {strides = array<i32>} : memref<4x200x128xf32, #tpu.memory_space<vmem>>, vector<1x1x16xf32>,
          %get3A_826 = vector.shape_cast %get3A_825 : vector<1x1x16xf32> to vector<16xf32>
          %add3A_827 = arith.addf %add3A_741, %get3A_826 : vector<16xf32>
          scf.yield %add3A_757, %add3A_767, %add3A_777, %add3A_787, %add3A_797, %add3A_807, %add3A_817, %add3A_827 : vector<16xf32>, vector<16xf32>, vector<16xf32>, vector<16xf32>, vector<16xf32>, vector<16xf32>, vector<16xf32>, vector<16xf32>
        }
        %scan3A_411 = arith.constant 12 : i32
        %mul3A_412 = arith.constant 4 : i32
        %mul3A_413 = arith.muli %add3A_166, %mul3A_412 : i32
        %add3A_414 = arith.addi %mul3A_413, %add3A_239 : i32
        %swap3A = arith.index_cast %add3A_414 : i32 to index
        %swap3A_415 = arith.constant 0 : index
        %swap3A_416 = tpu.vector_load %arg7[%swap3A, %swap3A_415] {strides = array<i32>} : memref<128x128xf32, #tpu.memory_space<vmem>>, vector<1x16xf32>,
        %swap3A_417 = vector.shape_cast %swap3A_416 : vector<1x16xf32> to vector<16xf32>
        %swap3A_418 = vector.shape_cast %scan3A_410#0 : vector<16xf32> to vector<1x16xf32>
        tpu.vector_store %arg7[%swap3A, %swap3A_415], %swap3A_418 {strides = array<i32>} : memref<128x128xf32, #tpu.memory_space<vmem>>, vector<1x16xf32>,
        %mul3A_419 = arith.constant 4 : i32
        %mul3A_420 = arith.muli %add3A_166, %mul3A_419 : i32
        %add3A_421 = arith.addi %mul3A_420, %add3A_239 : i32
        %swap3A_422 = arith.index_cast %add3A_421 : i32 to index
        %swap3A_423 = arith.constant 16 : index
        %swap3A_424 = tpu.vector_load %arg7[%swap3A_422, %swap3A_423] {strides = array<i32>} : memref<128x128xf32, #tpu.memory_space<vmem>>, vector<1x16xf32>,
        %swap3A_425 = vector.shape_cast %swap3A_424 : vector<1x16xf32> to vector<16xf32>
        %swap3A_426 = vector.shape_cast %scan3A_410#1 : vector<16xf32> to vector<1x16xf32>
        tpu.vector_store %arg7[%swap3A_422, %swap3A_423], %swap3A_426 {strides = array<i32>} : memref<128x128xf32, #tpu.memory_space<vmem>>, vector<1x16xf32>,
        %mul3A_427 = arith.constant 4 : i32
        %mul3A_428 = arith.muli %add3A_166, %mul3A_427 : i32
        %add3A_429 = arith.addi %mul3A_428, %add3A_239 : i32
        %swap3A_430 = arith.index_cast %add3A_429 : i32 to index
        %swap3A_431 = arith.constant 32 : index
        %swap3A_432 = tpu.vector_load %arg7[%swap3A_430, %swap3A_431] {strides = array<i32>} : memref<128x128xf32, #tpu.memory_space<vmem>>, vector<1x16xf32>,
        %swap3A_433 = vector.shape_cast %swap3A_432 : vector<1x16xf32> to vector<16xf32>
        %swap3A_434 = vector.shape_cast %scan3A_410#2 : vector<16xf32> to vector<1x16xf32>
        tpu.vector_store %arg7[%swap3A_430, %swap3A_431], %swap3A_434 {strides = array<i32>} : memref<128x128xf32, #tpu.memory_space<vmem>>, vector<1x16xf32>,
        %mul3A_435 = arith.constant 4 : i32
        %mul3A_436 = arith.muli %add3A_166, %mul3A_435 : i32
        %add3A_437 = arith.addi %mul3A_436, %add3A_239 : i32
        %swap3A_438 = arith.index_cast %add3A_437 : i32 to index
        %swap3A_439 = arith.constant 48 : index
        %swap3A_440 = tpu.vector_load %arg7[%swap3A_438, %swap3A_439] {strides = array<i32>} : memref<128x128xf32, #tpu.memory_space<vmem>>, vector<1x16xf32>,
        %swap3A_441 = vector.shape_cast %swap3A_440 : vector<1x16xf32> to vector<16xf32>
        %swap3A_442 = vector.shape_cast %scan3A_410#3 : vector<16xf32> to vector<1x16xf32>
        tpu.vector_store %arg7[%swap3A_438, %swap3A_439], %swap3A_442 {strides = array<i32>} : memref<128x128xf32, #tpu.memory_space<vmem>>, vector<1x16xf32>,
        %mul3A_443 = arith.constant 4 : i32
        %mul3A_444 = arith.muli %add3A_166, %mul3A_443 : i32
        %add3A_445 = arith.addi %mul3A_444, %add3A_239 : i32
        %swap3A_446 = arith.index_cast %add3A_445 : i32 to index
        %swap3A_447 = arith.constant 64 : index
        %swap3A_448 = tpu.vector_load %arg7[%swap3A_446, %swap3A_447] {strides = array<i32>} : memref<128x128xf32, #tpu.memory_space<vmem>>, vector<1x16xf32>,
        %swap3A_449 = vector.shape_cast %swap3A_448 : vector<1x16xf32> to vector<16xf32>
        %swap3A_450 = vector.shape_cast %scan3A_410#4 : vector<16xf32> to vector<1x16xf32>
        tpu.vector_store %arg7[%swap3A_446, %swap3A_447], %swap3A_450 {strides = array<i32>} : memref<128x128xf32, #tpu.memory_space<vmem>>, vector<1x16xf32>,
        %mul3A_451 = arith.constant 4 : i32
        %mul3A_452 = arith.muli %add3A_166, %mul3A_451 : i32
        %add3A_453 = arith.addi %mul3A_452, %add3A_239 : i32
        %swap3A_454 = arith.index_cast %add3A_453 : i32 to index
        %swap3A_455 = arith.constant 80 : index
        %swap3A_456 = tpu.vector_load %arg7[%swap3A_454, %swap3A_455] {strides = array<i32>} : memref<128x128xf32, #tpu.memory_space<vmem>>, vector<1x16xf32>,
        %swap3A_457 = vector.shape_cast %swap3A_456 : vector<1x16xf32> to vector<16xf32>
        %swap3A_458 = vector.shape_cast %scan3A_410#5 : vector<16xf32> to vector<1x16xf32>
        tpu.vector_store %arg7[%swap3A_454, %swap3A_455], %swap3A_458 {strides = array<i32>} : memref<128x128xf32, #tpu.memory_space<vmem>>, vector<1x16xf32>,
        %mul3A_459 = arith.constant 4 : i32
        %mul3A_460 = arith.muli %add3A_166, %mul3A_459 : i32
        %add3A_461 = arith.addi %mul3A_460, %add3A_239 : i32
        %swap3A_462 = arith.index_cast %add3A_461 : i32 to index
        %swap3A_463 = arith.constant 96 : index
        %swap3A_464 = tpu.vector_load %arg7[%swap3A_462, %swap3A_463] {strides = array<i32>} : memref<128x128xf32, #tpu.memory_space<vmem>>, vector<1x16xf32>,
        %swap3A_465 = vector.shape_cast %swap3A_464 : vector<1x16xf32> to vector<16xf32>
        %swap3A_466 = vector.shape_cast %scan3A_410#6 : vector<16xf32> to vector<1x16xf32>
        tpu.vector_store %arg7[%swap3A_462, %swap3A_463], %swap3A_466 {strides = array<i32>} : memref<128x128xf32, #tpu.memory_space<vmem>>, vector<1x16xf32>,
        %mul3A_467 = arith.constant 4 : i32
        %mul3A_468 = arith.muli %add3A_166, %mul3A_467 : i32
        %add3A_469 = arith.addi %mul3A_468, %add3A_239 : i32
        %swap3A_470 = arith.index_cast %add3A_469 : i32 to index
        %swap3A_471 = arith.constant 112 : index
        %swap3A_472 = tpu.vector_load %arg7[%swap3A_470, %swap3A_471] {strides = array<i32>} : memref<128x128xf32, #tpu.memory_space<vmem>>, vector<1x16xf32>,
        %swap3A_473 = vector.shape_cast %swap3A_472 : vector<1x16xf32> to vector<16xf32>
        %swap3A_474 = vector.shape_cast %scan3A_410#7 : vector<16xf32> to vector<1x16xf32>
        tpu.vector_store %arg7[%swap3A_470, %swap3A_471], %swap3A_474 {strides = array<i32>} : memref<128x128xf32, #tpu.memory_space<vmem>>, vector<1x16xf32>,
      }
      %scan3A_191 = arith.constant 4 : i32
      %add3A_192 = arith.constant 4 : i32
      %add3A_193 = arith.addi %add3A_166, %add3A_192 : i32
      %lt3A_194 = arith.constant 32 : i32
      %lt3A_195 = arith.cmpi slt, %add3A_193, %lt3A_194 : i32
      %convert_element_type3A_196 = arith.extui %lt3A_195 : i1 to i32
      %cond3A_197 = arith.constant 0 : i32
      %cond3A_198 = arith.cmpi ne, %convert_element_type3A_196, %cond3A_197 : i32
      scf.if %cond3A_198 {
        %add3A_235 = arith.constant 4 : i32
        %add3A_236 = arith.addi %add3A_166, %add3A_235 : i32
        %mul3A_237 = arith.constant 4 : i32
        %mul3A_238 = arith.muli %add3A_236, %mul3A_237 : i32
        %mul3A_239 = arith.constant 50 : i32
        %mul3A_240 = arith.muli %mul3A_238, %mul3A_239 : i32
        %add3A_241 = arith.constant 0 : i32
        %add3A_242 = arith.addi %mul3A_240, %add3A_241 : i32
        %dma_start3A_243 = arith.constant 2 : i32
        %dma_start3A_244 = arith.constant 0 : i32
        %dma_start3A_245 = arith.constant 0 : i32
        %dma_start3A_246 = tpu.memref_slice %arg6[%dma_start3A_243, %dma_start3A_244, %dma_start3A_245] : memref<4x200x128xf32, #tpu.memory_space<vmem>> -> memref<1x104x128xf32, #tpu.memory_space<vmem>>
        %dma_start3A_247 = tpu.memref_squeeze %dma_start3A_246 : memref<1x104x128xf32, #tpu.memory_space<vmem>> -> memref<104x128xf32, #tpu.memory_space<vmem>>
        %dma_start3A_248 = tpu.memref_slice %arg5[%add3A_242] : memref<6400xi32, #tpu.memory_space<vmem>> -> memref<104xi32, #tpu.memory_space<vmem>>
        %dma_start3A_249 = arith.constant 0 : i32
        %dma_start3A_250 = arith.constant 0 : i32
        %dma_start3A_251 = tpu.memref_slice %arg2[%dma_start3A_249, %dma_start3A_250] : memref<100000x128xf32, #tpu.memory_space<hbm>> -> memref<100000x128xf32, #tpu.memory_space<hbm>>
        tpu.enqueue_indirect_dma source(%dma_start3A_251 : memref<100000x128xf32, #tpu.memory_space<hbm>>) target(%dma_start3A_247 : memref<104x128xf32, #tpu.memory_space<vmem>>) offsets(%dma_start3A_248 : memref<104xi32, #tpu.memory_space<vmem>>) semaphore(%arg10 : memref<!tpu.dma_semaphore, #tpu.memory_space<semaphore_mem>>)
        %mul3A_252 = arith.constant 4 : i32
        %mul3A_253 = arith.muli %add3A_236, %mul3A_252 : i32
        %mul3A_254 = arith.constant 50 : i32
        %mul3A_255 = arith.muli %mul3A_253, %mul3A_254 : i32
        %add3A_256 = arith.constant 104 : i32
        %add3A_257 = arith.addi %mul3A_255, %add3A_256 : i32
        %dma_start3A_258 = arith.constant 2 : i32
        %dma_start3A_259 = arith.constant 104 : i32
        %dma_start3A_260 = arith.constant 0 : i32
        %dma_start3A_261 = tpu.memref_slice %arg6[%dma_start3A_258, %dma_start3A_259, %dma_start3A_260] : memref<4x200x128xf32, #tpu.memory_space<vmem>> -> memref<1x96x128xf32, #tpu.memory_space<vmem>>
        %dma_start3A_262 = tpu.memref_squeeze %dma_start3A_261 : memref<1x96x128xf32, #tpu.memory_space<vmem>> -> memref<96x128xf32, #tpu.memory_space<vmem>>
        %dma_start3A_263 = tpu.memref_slice %arg5[%add3A_257] : memref<6400xi32, #tpu.memory_space<vmem>> -> memref<96xi32, #tpu.memory_space<vmem>>
        %dma_start3A_264 = arith.constant 0 : i32
        %dma_start3A_265 = arith.constant 0 : i32
        %dma_start3A_266 = tpu.memref_slice %arg2[%dma_start3A_264, %dma_start3A_265] : memref<100000x128xf32, #tpu.memory_space<hbm>> -> memref<100000x128xf32, #tpu.memory_space<hbm>>
        tpu.enqueue_indirect_dma source(%dma_start3A_266 : memref<100000x128xf32, #tpu.memory_space<hbm>>) target(%dma_start3A_262 : memref<96x128xf32, #tpu.memory_space<vmem>>) offsets(%dma_start3A_263 : memref<96xi32, #tpu.memory_space<vmem>>) semaphore(%arg10 : memref<!tpu.dma_semaphore, #tpu.memory_space<semaphore_mem>>)
      } else {
      }
      %mul3A_199 = arith.constant 4 : i32
      %mul3A_200 = arith.muli %add3A_94, %mul3A_199 : i32
      %add3A_201 = arith.constant 3 : i32
      %add3A_202 = arith.addi %mul3A_200, %add3A_201 : i32
      %dma_wait3A_203 = arith.constant 3 : i32
      %dma_wait3A_204 = arith.constant 0 : i32
      %dma_wait3A_205 = arith.constant 0 : i32
      %dma_wait3A_206 = tpu.memref_slice %arg6[%dma_wait3A_203, %dma_wait3A_204, %dma_wait3A_205] : memref<4x200x128xf32, #tpu.memory_space<vmem>> -> memref<1x104x128xf32, #tpu.memory_space<vmem>>
      %dma_wait3A_207 = tpu.memref_squeeze %dma_wait3A_206 : memref<1x104x128xf32, #tpu.memory_space<vmem>> -> memref<104x128xf32, #tpu.memory_space<vmem>>
      %dma_wait3A_208 = arith.constant 0 : i32
      %dma_wait3A_209 = tpu.memref_slice %arg5[%dma_wait3A_208] : memref<6400xi32, #tpu.memory_space<vmem>> -> memref<104xi32, #tpu.memory_space<vmem>>
      %dma_wait3A_210 = arith.constant 0 : i32
      %dma_wait3A_211 = arith.constant 0 : i32
      %dma_wait3A_212 = tpu.memref_slice %arg2[%dma_wait3A_210, %dma_wait3A_211] : memref<100000x128xf32, #tpu.memory_space<hbm>> -> memref<100000x128xf32, #tpu.memory_space<hbm>>
      tpu.wait_indirect_dma semaphore(%arg11 : memref<!tpu.dma_semaphore, #tpu.memory_space<semaphore_mem>>) src(%dma_wait3A_212 : memref<100000x128xf32, #tpu.memory_space<hbm>>) dst(%dma_wait3A_207 : memref<104x128xf32, #tpu.memory_space<vmem>>)
      %dma_wait3A_213 = arith.constant 3 : i32
      %dma_wait3A_214 = arith.constant 104 : i32
      %dma_wait3A_215 = arith.constant 0 : i32
      %dma_wait3A_216 = tpu.memref_slice %arg6[%dma_wait3A_213, %dma_wait3A_214, %dma_wait3A_215] : memref<4x200x128xf32, #tpu.memory_space<vmem>> -> memref<1x96x128xf32, #tpu.memory_space<vmem>>
      %dma_wait3A_217 = tpu.memref_squeeze %dma_wait3A_216 : memref<1x96x128xf32, #tpu.memory_space<vmem>> -> memref<96x128xf32, #tpu.memory_space<vmem>>
      %dma_wait3A_218 = arith.constant 104 : i32
      %dma_wait3A_219 = tpu.memref_slice %arg5[%dma_wait3A_218] : memref<6400xi32, #tpu.memory_space<vmem>> -> memref<96xi32, #tpu.memory_space<vmem>>
      %dma_wait3A_220 = arith.constant 0 : i32
      %dma_wait3A_221 = arith.constant 0 : i32
      %dma_wait3A_222 = tpu.memref_slice %arg2[%dma_wait3A_220, %dma_wait3A_221] : memref<100000x128xf32, #tpu.memory_space<hbm>> -> memref<100000x128xf32, #tpu.memory_space<hbm>>
      tpu.wait_indirect_dma semaphore(%arg11 : memref<!tpu.dma_semaphore, #tpu.memory_space<semaphore_mem>>) src(%dma_wait3A_222 : memref<100000x128xf32, #tpu.memory_space<hbm>>) dst(%dma_wait3A_217 : memref<96x128xf32, #tpu.memory_space<vmem>>)
      %scan3A_223 = arith.constant 0 : i32
      %scan3A_224 = arith.constant 4 : i32
      %scan3A_225 = arith.addi %scan3A_223, %scan3A_224 : i32
      %scan3A_226 = arith.constant 1 : i32
      scf.for %scan3A_235 = %scan3A_223 to %scan3A_225 step %scan3A_226  : i32 {
        %mul3A_236 = arith.constant 1 : i32
        %mul3A_237 = arith.muli %scan3A_235, %mul3A_236 : i32
        %add3A_238 = arith.constant 0 : i32
        %add3A_239 = arith.addi %add3A_238, %mul3A_237 : i32
        %mul3A_240 = arith.constant 50 : i32
        %mul3A_241 = arith.muli %add3A_239, %mul3A_240 : i32
        %get3A = arith.constant 3 : i32
        %get3A_242 = arith.index_cast %get3A : i32 to index
        %get3A_243 = arith.index_cast %mul3A_241 : i32 to index
        %get3A_244 = arith.constant 0 : index
        %get3A_245 = tpu.vector_load %arg6[%get3A_242, %get3A_243, %get3A_244] {strides = array<i32>} : memref<4x200x128xf32, #tpu.memory_space<vmem>>, vector<1x1x16xf32>,
        %get3A_246 = vector.shape_cast %get3A_245 : vector<1x1x16xf32> to vector<16xf32>
        %mul3A_247 = arith.constant 50 : i32
        %mul3A_248 = arith.muli %add3A_239, %mul3A_247 : i32
        %add3A_249 = arith.constant 50 : i32
        %add3A_250 = arith.addi %mul3A_248, %add3A_249 : i32
        %sub3A = arith.constant 1 : i32
        %sub3A_251 = arith.subi %add3A_250, %sub3A : i32
        %get3A_252 = arith.constant 3 : i32
        %get3A_253 = arith.index_cast %get3A_252 : i32 to index
        %get3A_254 = arith.index_cast %sub3A_251 : i32 to index
        %get3A_255 = arith.constant 0 : index
        %get3A_256 = tpu.vector_load %arg6[%get3A_253, %get3A_254, %get3A_255] {strides = array<i32>} : memref<4x200x128xf32, #tpu.memory_space<vmem>>, vector<1x1x16xf32>,
        %get3A_257 = vector.shape_cast %get3A_256 : vector<1x1x16xf32> to vector<16xf32>
        %add3A_258 = arith.addf %get3A_246, %get3A_257 : vector<16xf32>
        %mul3A_259 = arith.constant 50 : i32
        %mul3A_260 = arith.muli %add3A_239, %mul3A_259 : i32
        %get3A_261 = arith.constant 3 : i32
        %get3A_262 = arith.index_cast %get3A_261 : i32 to index
        %get3A_263 = arith.index_cast %mul3A_260 : i32 to index
        %get3A_264 = arith.constant 16 : index
        %get3A_265 = tpu.vector_load %arg6[%get3A_262, %get3A_263, %get3A_264] {strides = array<i32>} : memref<4x200x128xf32, #tpu.memory_space<vmem>>, vector<1x1x16xf32>,
        %get3A_266 = vector.shape_cast %get3A_265 : vector<1x1x16xf32> to vector<16xf32>
        %mul3A_267 = arith.constant 50 : i32
        %mul3A_268 = arith.muli %add3A_239, %mul3A_267 : i32
        %add3A_269 = arith.constant 50 : i32
        %add3A_270 = arith.addi %mul3A_268, %add3A_269 : i32
        %sub3A_271 = arith.constant 1 : i32
        %sub3A_272 = arith.subi %add3A_270, %sub3A_271 : i32
        %get3A_273 = arith.constant 3 : i32
        %get3A_274 = arith.index_cast %get3A_273 : i32 to index
        %get3A_275 = arith.index_cast %sub3A_272 : i32 to index
        %get3A_276 = arith.constant 16 : index
        %get3A_277 = tpu.vector_load %arg6[%get3A_274, %get3A_275, %get3A_276] {strides = array<i32>} : memref<4x200x128xf32, #tpu.memory_space<vmem>>, vector<1x1x16xf32>,
        %get3A_278 = vector.shape_cast %get3A_277 : vector<1x1x16xf32> to vector<16xf32>
        %add3A_279 = arith.addf %get3A_266, %get3A_278 : vector<16xf32>
        %mul3A_280 = arith.constant 50 : i32
        %mul3A_281 = arith.muli %add3A_239, %mul3A_280 : i32
        %get3A_282 = arith.constant 3 : i32
        %get3A_283 = arith.index_cast %get3A_282 : i32 to index
        %get3A_284 = arith.index_cast %mul3A_281 : i32 to index
        %get3A_285 = arith.constant 32 : index
        %get3A_286 = tpu.vector_load %arg6[%get3A_283, %get3A_284, %get3A_285] {strides = array<i32>} : memref<4x200x128xf32, #tpu.memory_space<vmem>>, vector<1x1x16xf32>,
        %get3A_287 = vector.shape_cast %get3A_286 : vector<1x1x16xf32> to vector<16xf32>
        %mul3A_288 = arith.constant 50 : i32
        %mul3A_289 = arith.muli %add3A_239, %mul3A_288 : i32
        %add3A_290 = arith.constant 50 : i32
        %add3A_291 = arith.addi %mul3A_289, %add3A_290 : i32
        %sub3A_292 = arith.constant 1 : i32
        %sub3A_293 = arith.subi %add3A_291, %sub3A_292 : i32
        %get3A_294 = arith.constant 3 : i32
        %get3A_295 = arith.index_cast %get3A_294 : i32 to index
        %get3A_296 = arith.index_cast %sub3A_293 : i32 to index
        %get3A_297 = arith.constant 32 : index
        %get3A_298 = tpu.vector_load %arg6[%get3A_295, %get3A_296, %get3A_297] {strides = array<i32>} : memref<4x200x128xf32, #tpu.memory_space<vmem>>, vector<1x1x16xf32>,
        %get3A_299 = vector.shape_cast %get3A_298 : vector<1x1x16xf32> to vector<16xf32>
        %add3A_300 = arith.addf %get3A_287, %get3A_299 : vector<16xf32>
        %mul3A_301 = arith.constant 50 : i32
        %mul3A_302 = arith.muli %add3A_239, %mul3A_301 : i32
        %get3A_303 = arith.constant 3 : i32
        %get3A_304 = arith.index_cast %get3A_303 : i32 to index
        %get3A_305 = arith.index_cast %mul3A_302 : i32 to index
        %get3A_306 = arith.constant 48 : index
        %get3A_307 = tpu.vector_load %arg6[%get3A_304, %get3A_305, %get3A_306] {strides = array<i32>} : memref<4x200x128xf32, #tpu.memory_space<vmem>>, vector<1x1x16xf32>,
        %get3A_308 = vector.shape_cast %get3A_307 : vector<1x1x16xf32> to vector<16xf32>
        %mul3A_309 = arith.constant 50 : i32
        %mul3A_310 = arith.muli %add3A_239, %mul3A_309 : i32
        %add3A_311 = arith.constant 50 : i32
        %add3A_312 = arith.addi %mul3A_310, %add3A_311 : i32
        %sub3A_313 = arith.constant 1 : i32
        %sub3A_314 = arith.subi %add3A_312, %sub3A_313 : i32
        %get3A_315 = arith.constant 3 : i32
        %get3A_316 = arith.index_cast %get3A_315 : i32 to index
        %get3A_317 = arith.index_cast %sub3A_314 : i32 to index
        %get3A_318 = arith.constant 48 : index
        %get3A_319 = tpu.vector_load %arg6[%get3A_316, %get3A_317, %get3A_318] {strides = array<i32>} : memref<4x200x128xf32, #tpu.memory_space<vmem>>, vector<1x1x16xf32>,
        %get3A_320 = vector.shape_cast %get3A_319 : vector<1x1x16xf32> to vector<16xf32>
        %add3A_321 = arith.addf %get3A_308, %get3A_320 : vector<16xf32>
        %mul3A_322 = arith.constant 50 : i32
        %mul3A_323 = arith.muli %add3A_239, %mul3A_322 : i32
        %get3A_324 = arith.constant 3 : i32
        %get3A_325 = arith.index_cast %get3A_324 : i32 to index
        %get3A_326 = arith.index_cast %mul3A_323 : i32 to index
        %get3A_327 = arith.constant 64 : index
        %get3A_328 = tpu.vector_load %arg6[%get3A_325, %get3A_326, %get3A_327] {strides = array<i32>} : memref<4x200x128xf32, #tpu.memory_space<vmem>>, vector<1x1x16xf32>,
        %get3A_329 = vector.shape_cast %get3A_328 : vector<1x1x16xf32> to vector<16xf32>
        %mul3A_330 = arith.constant 50 : i32
        %mul3A_331 = arith.muli %add3A_239, %mul3A_330 : i32
        %add3A_332 = arith.constant 50 : i32
        %add3A_333 = arith.addi %mul3A_331, %add3A_332 : i32
        %sub3A_334 = arith.constant 1 : i32
        %sub3A_335 = arith.subi %add3A_333, %sub3A_334 : i32
        %get3A_336 = arith.constant 3 : i32
        %get3A_337 = arith.index_cast %get3A_336 : i32 to index
        %get3A_338 = arith.index_cast %sub3A_335 : i32 to index
        %get3A_339 = arith.constant 64 : index
        %get3A_340 = tpu.vector_load %arg6[%get3A_337, %get3A_338, %get3A_339] {strides = array<i32>} : memref<4x200x128xf32, #tpu.memory_space<vmem>>, vector<1x1x16xf32>,
        %get3A_341 = vector.shape_cast %get3A_340 : vector<1x1x16xf32> to vector<16xf32>
        %add3A_342 = arith.addf %get3A_329, %get3A_341 : vector<16xf32>
        %mul3A_343 = arith.constant 50 : i32
        %mul3A_344 = arith.muli %add3A_239, %mul3A_343 : i32
        %get3A_345 = arith.constant 3 : i32
        %get3A_346 = arith.index_cast %get3A_345 : i32 to index
        %get3A_347 = arith.index_cast %mul3A_344 : i32 to index
        %get3A_348 = arith.constant 80 : index
        %get3A_349 = tpu.vector_load %arg6[%get3A_346, %get3A_347, %get3A_348] {strides = array<i32>} : memref<4x200x128xf32, #tpu.memory_space<vmem>>, vector<1x1x16xf32>,
        %get3A_350 = vector.shape_cast %get3A_349 : vector<1x1x16xf32> to vector<16xf32>
        %mul3A_351 = arith.constant 50 : i32
        %mul3A_352 = arith.muli %add3A_239, %mul3A_351 : i32
        %add3A_353 = arith.constant 50 : i32
        %add3A_354 = arith.addi %mul3A_352, %add3A_353 : i32
        %sub3A_355 = arith.constant 1 : i32
        %sub3A_356 = arith.subi %add3A_354, %sub3A_355 : i32
        %get3A_357 = arith.constant 3 : i32
        %get3A_358 = arith.index_cast %get3A_357 : i32 to index
        %get3A_359 = arith.index_cast %sub3A_356 : i32 to index
        %get3A_360 = arith.constant 80 : index
        %get3A_361 = tpu.vector_load %arg6[%get3A_358, %get3A_359, %get3A_360] {strides = array<i32>} : memref<4x200x128xf32, #tpu.memory_space<vmem>>, vector<1x1x16xf32>,
        %get3A_362 = vector.shape_cast %get3A_361 : vector<1x1x16xf32> to vector<16xf32>
        %add3A_363 = arith.addf %get3A_350, %get3A_362 : vector<16xf32>
        %mul3A_364 = arith.constant 50 : i32
        %mul3A_365 = arith.muli %add3A_239, %mul3A_364 : i32
        %get3A_366 = arith.constant 3 : i32
        %get3A_367 = arith.index_cast %get3A_366 : i32 to index
        %get3A_368 = arith.index_cast %mul3A_365 : i32 to index
        %get3A_369 = arith.constant 96 : index
        %get3A_370 = tpu.vector_load %arg6[%get3A_367, %get3A_368, %get3A_369] {strides = array<i32>} : memref<4x200x128xf32, #tpu.memory_space<vmem>>, vector<1x1x16xf32>,
        %get3A_371 = vector.shape_cast %get3A_370 : vector<1x1x16xf32> to vector<16xf32>
        %mul3A_372 = arith.constant 50 : i32
        %mul3A_373 = arith.muli %add3A_239, %mul3A_372 : i32
        %add3A_374 = arith.constant 50 : i32
        %add3A_375 = arith.addi %mul3A_373, %add3A_374 : i32
        %sub3A_376 = arith.constant 1 : i32
        %sub3A_377 = arith.subi %add3A_375, %sub3A_376 : i32
        %get3A_378 = arith.constant 3 : i32
        %get3A_379 = arith.index_cast %get3A_378 : i32 to index
        %get3A_380 = arith.index_cast %sub3A_377 : i32 to index
        %get3A_381 = arith.constant 96 : index
        %get3A_382 = tpu.vector_load %arg6[%get3A_379, %get3A_380, %get3A_381] {strides = array<i32>} : memref<4x200x128xf32, #tpu.memory_space<vmem>>, vector<1x1x16xf32>,
        %get3A_383 = vector.shape_cast %get3A_382 : vector<1x1x16xf32> to vector<16xf32>
        %add3A_384 = arith.addf %get3A_371, %get3A_383 : vector<16xf32>
        %mul3A_385 = arith.constant 50 : i32
        %mul3A_386 = arith.muli %add3A_239, %mul3A_385 : i32
        %get3A_387 = arith.constant 3 : i32
        %get3A_388 = arith.index_cast %get3A_387 : i32 to index
        %get3A_389 = arith.index_cast %mul3A_386 : i32 to index
        %get3A_390 = arith.constant 112 : index
        %get3A_391 = tpu.vector_load %arg6[%get3A_388, %get3A_389, %get3A_390] {strides = array<i32>} : memref<4x200x128xf32, #tpu.memory_space<vmem>>, vector<1x1x16xf32>,
        %get3A_392 = vector.shape_cast %get3A_391 : vector<1x1x16xf32> to vector<16xf32>
        %mul3A_393 = arith.constant 50 : i32
        %mul3A_394 = arith.muli %add3A_239, %mul3A_393 : i32
        %add3A_395 = arith.constant 50 : i32
        %add3A_396 = arith.addi %mul3A_394, %add3A_395 : i32
        %sub3A_397 = arith.constant 1 : i32
        %sub3A_398 = arith.subi %add3A_396, %sub3A_397 : i32
        %get3A_399 = arith.constant 3 : i32
        %get3A_400 = arith.index_cast %get3A_399 : i32 to index
        %get3A_401 = arith.index_cast %sub3A_398 : i32 to index
        %get3A_402 = arith.constant 112 : index
        %get3A_403 = tpu.vector_load %arg6[%get3A_400, %get3A_401, %get3A_402] {strides = array<i32>} : memref<4x200x128xf32, #tpu.memory_space<vmem>>, vector<1x1x16xf32>,
        %get3A_404 = vector.shape_cast %get3A_403 : vector<1x1x16xf32> to vector<16xf32>
        %add3A_405 = arith.addf %get3A_392, %get3A_404 : vector<16xf32>
        %scan3A_406 = arith.constant 0 : i32
        %scan3A_407 = arith.constant 12 : i32
        %scan3A_408 = arith.addi %scan3A_406, %scan3A_407 : i32
        %scan3A_409 = arith.constant 1 : i32
        %scan3A_410:8 = scf.for %scan3A_475 = %scan3A_406 to %scan3A_408 step %scan3A_409 iter_args(%scan3A_476 = %add3A_258, %scan3A_477 = %add3A_279, %scan3A_478 = %add3A_300, %scan3A_479 = %add3A_321, %scan3A_480 = %add3A_342, %scan3A_481 = %add3A_363, %scan3A_482 = %add3A_384, %scan3A_483 = %add3A_405) -> (vector<16xf32>, vector<16xf32>, vector<16xf32>, vector<16xf32>, vector<16xf32>, vector<16xf32>, vector<16xf32>, vector<16xf32>)  : i32 {
          %mul3A_484 = arith.constant 4 : i32
          %mul3A_485 = arith.muli %scan3A_475, %mul3A_484 : i32
          %add3A_486 = arith.constant 1 : i32
          %add3A_487 = arith.addi %add3A_486, %mul3A_485 : i32
          %add3A_488 = arith.constant 0 : i32
          %add3A_489 = arith.addi %add3A_487, %add3A_488 : i32
          %mul3A_490 = arith.constant 50 : i32
          %mul3A_491 = arith.muli %add3A_239, %mul3A_490 : i32
          %add3A_492 = arith.addi %mul3A_491, %add3A_489 : i32
          %get3A_493 = arith.constant 3 : i32
          %get3A_494 = arith.index_cast %get3A_493 : i32 to index
          %get3A_495 = arith.index_cast %add3A_492 : i32 to index
          %get3A_496 = arith.constant 0 : index
          %get3A_497 = tpu.vector_load %arg6[%get3A_494, %get3A_495, %get3A_496] {strides = array<i32>} : memref<4x200x128xf32, #tpu.memory_space<vmem>>, vector<1x1x16xf32>,
          %get3A_498 = vector.shape_cast %get3A_497 : vector<1x1x16xf32> to vector<16xf32>
          %add3A_499 = arith.addf %scan3A_476, %get3A_498 : vector<16xf32>
          %mul3A_500 = arith.constant 50 : i32
          %mul3A_501 = arith.muli %add3A_239, %mul3A_500 : i32
          %add3A_502 = arith.addi %mul3A_501, %add3A_489 : i32
          %get3A_503 = arith.constant 3 : i32
          %get3A_504 = arith.index_cast %get3A_503 : i32 to index
          %get3A_505 = arith.index_cast %add3A_502 : i32 to index
          %get3A_506 = arith.constant 16 : index
          %get3A_507 = tpu.vector_load %arg6[%get3A_504, %get3A_505, %get3A_506] {strides = array<i32>} : memref<4x200x128xf32, #tpu.memory_space<vmem>>, vector<1x1x16xf32>,
          %get3A_508 = vector.shape_cast %get3A_507 : vector<1x1x16xf32> to vector<16xf32>
          %add3A_509 = arith.addf %scan3A_477, %get3A_508 : vector<16xf32>
          %mul3A_510 = arith.constant 50 : i32
          %mul3A_511 = arith.muli %add3A_239, %mul3A_510 : i32
          %add3A_512 = arith.addi %mul3A_511, %add3A_489 : i32
          %get3A_513 = arith.constant 3 : i32
          %get3A_514 = arith.index_cast %get3A_513 : i32 to index
          %get3A_515 = arith.index_cast %add3A_512 : i32 to index
          %get3A_516 = arith.constant 32 : index
          %get3A_517 = tpu.vector_load %arg6[%get3A_514, %get3A_515, %get3A_516] {strides = array<i32>} : memref<4x200x128xf32, #tpu.memory_space<vmem>>, vector<1x1x16xf32>,
          %get3A_518 = vector.shape_cast %get3A_517 : vector<1x1x16xf32> to vector<16xf32>
          %add3A_519 = arith.addf %scan3A_478, %get3A_518 : vector<16xf32>
          %mul3A_520 = arith.constant 50 : i32
          %mul3A_521 = arith.muli %add3A_239, %mul3A_520 : i32
          %add3A_522 = arith.addi %mul3A_521, %add3A_489 : i32
          %get3A_523 = arith.constant 3 : i32
          %get3A_524 = arith.index_cast %get3A_523 : i32 to index
          %get3A_525 = arith.index_cast %add3A_522 : i32 to index
          %get3A_526 = arith.constant 48 : index
          %get3A_527 = tpu.vector_load %arg6[%get3A_524, %get3A_525, %get3A_526] {strides = array<i32>} : memref<4x200x128xf32, #tpu.memory_space<vmem>>, vector<1x1x16xf32>,
          %get3A_528 = vector.shape_cast %get3A_527 : vector<1x1x16xf32> to vector<16xf32>
          %add3A_529 = arith.addf %scan3A_479, %get3A_528 : vector<16xf32>
          %mul3A_530 = arith.constant 50 : i32
          %mul3A_531 = arith.muli %add3A_239, %mul3A_530 : i32
          %add3A_532 = arith.addi %mul3A_531, %add3A_489 : i32
          %get3A_533 = arith.constant 3 : i32
          %get3A_534 = arith.index_cast %get3A_533 : i32 to index
          %get3A_535 = arith.index_cast %add3A_532 : i32 to index
          %get3A_536 = arith.constant 64 : index
          %get3A_537 = tpu.vector_load %arg6[%get3A_534, %get3A_535, %get3A_536] {strides = array<i32>} : memref<4x200x128xf32, #tpu.memory_space<vmem>>, vector<1x1x16xf32>,
          %get3A_538 = vector.shape_cast %get3A_537 : vector<1x1x16xf32> to vector<16xf32>
          %add3A_539 = arith.addf %scan3A_480, %get3A_538 : vector<16xf32>
          %mul3A_540 = arith.constant 50 : i32
          %mul3A_541 = arith.muli %add3A_239, %mul3A_540 : i32
          %add3A_542 = arith.addi %mul3A_541, %add3A_489 : i32
          %get3A_543 = arith.constant 3 : i32
          %get3A_544 = arith.index_cast %get3A_543 : i32 to index
          %get3A_545 = arith.index_cast %add3A_542 : i32 to index
          %get3A_546 = arith.constant 80 : index
          %get3A_547 = tpu.vector_load %arg6[%get3A_544, %get3A_545, %get3A_546] {strides = array<i32>} : memref<4x200x128xf32, #tpu.memory_space<vmem>>, vector<1x1x16xf32>,
          %get3A_548 = vector.shape_cast %get3A_547 : vector<1x1x16xf32> to vector<16xf32>
          %add3A_549 = arith.addf %scan3A_481, %get3A_548 : vector<16xf32>
          %mul3A_550 = arith.constant 50 : i32
          %mul3A_551 = arith.muli %add3A_239, %mul3A_550 : i32
          %add3A_552 = arith.addi %mul3A_551, %add3A_489 : i32
          %get3A_553 = arith.constant 3 : i32
          %get3A_554 = arith.index_cast %get3A_553 : i32 to index
          %get3A_555 = arith.index_cast %add3A_552 : i32 to index
          %get3A_556 = arith.constant 96 : index
          %get3A_557 = tpu.vector_load %arg6[%get3A_554, %get3A_555, %get3A_556] {strides = array<i32>} : memref<4x200x128xf32, #tpu.memory_space<vmem>>, vector<1x1x16xf32>,
          %get3A_558 = vector.shape_cast %get3A_557 : vector<1x1x16xf32> to vector<16xf32>
          %add3A_559 = arith.addf %scan3A_482, %get3A_558 : vector<16xf32>
          %mul3A_560 = arith.constant 50 : i32
          %mul3A_561 = arith.muli %add3A_239, %mul3A_560 : i32
          %add3A_562 = arith.addi %mul3A_561, %add3A_489 : i32
          %get3A_563 = arith.constant 3 : i32
          %get3A_564 = arith.index_cast %get3A_563 : i32 to index
          %get3A_565 = arith.index_cast %add3A_562 : i32 to index
          %get3A_566 = arith.constant 112 : index
          %get3A_567 = tpu.vector_load %arg6[%get3A_564, %get3A_565, %get3A_566] {strides = array<i32>} : memref<4x200x128xf32, #tpu.memory_space<vmem>>, vector<1x1x16xf32>,
          %get3A_568 = vector.shape_cast %get3A_567 : vector<1x1x16xf32> to vector<16xf32>
          %add3A_569 = arith.addf %scan3A_483, %get3A_568 : vector<16xf32>
          %mul3A_570 = arith.constant 4 : i32
          %mul3A_571 = arith.muli %scan3A_475, %mul3A_570 : i32
          %add3A_572 = arith.constant 1 : i32
          %add3A_573 = arith.addi %add3A_572, %mul3A_571 : i32
          %add3A_574 = arith.constant 1 : i32
          %add3A_575 = arith.addi %add3A_573, %add3A_574 : i32
          %mul3A_576 = arith.constant 50 : i32
          %mul3A_577 = arith.muli %add3A_239, %mul3A_576 : i32
          %add3A_578 = arith.addi %mul3A_577, %add3A_575 : i32
          %get3A_579 = arith.constant 3 : i32
          %get3A_580 = arith.index_cast %get3A_579 : i32 to index
          %get3A_581 = arith.index_cast %add3A_578 : i32 to index
          %get3A_582 = arith.constant 0 : index
          %get3A_583 = tpu.vector_load %arg6[%get3A_580, %get3A_581, %get3A_582] {strides = array<i32>} : memref<4x200x128xf32, #tpu.memory_space<vmem>>, vector<1x1x16xf32>,
          %get3A_584 = vector.shape_cast %get3A_583 : vector<1x1x16xf32> to vector<16xf32>
          %add3A_585 = arith.addf %add3A_499, %get3A_584 : vector<16xf32>
          %mul3A_586 = arith.constant 50 : i32
          %mul3A_587 = arith.muli %add3A_239, %mul3A_586 : i32
          %add3A_588 = arith.addi %mul3A_587, %add3A_575 : i32
          %get3A_589 = arith.constant 3 : i32
          %get3A_590 = arith.index_cast %get3A_589 : i32 to index
          %get3A_591 = arith.index_cast %add3A_588 : i32 to index
          %get3A_592 = arith.constant 16 : index
          %get3A_593 = tpu.vector_load %arg6[%get3A_590, %get3A_591, %get3A_592] {strides = array<i32>} : memref<4x200x128xf32, #tpu.memory_space<vmem>>, vector<1x1x16xf32>,
          %get3A_594 = vector.shape_cast %get3A_593 : vector<1x1x16xf32> to vector<16xf32>
          %add3A_595 = arith.addf %add3A_509, %get3A_594 : vector<16xf32>
          %mul3A_596 = arith.constant 50 : i32
          %mul3A_597 = arith.muli %add3A_239, %mul3A_596 : i32
          %add3A_598 = arith.addi %mul3A_597, %add3A_575 : i32
          %get3A_599 = arith.constant 3 : i32
          %get3A_600 = arith.index_cast %get3A_599 : i32 to index
          %get3A_601 = arith.index_cast %add3A_598 : i32 to index
          %get3A_602 = arith.constant 32 : index
          %get3A_603 = tpu.vector_load %arg6[%get3A_600, %get3A_601, %get3A_602] {strides = array<i32>} : memref<4x200x128xf32, #tpu.memory_space<vmem>>, vector<1x1x16xf32>,
          %get3A_604 = vector.shape_cast %get3A_603 : vector<1x1x16xf32> to vector<16xf32>
          %add3A_605 = arith.addf %add3A_519, %get3A_604 : vector<16xf32>
          %mul3A_606 = arith.constant 50 : i32
          %mul3A_607 = arith.muli %add3A_239, %mul3A_606 : i32
          %add3A_608 = arith.addi %mul3A_607, %add3A_575 : i32
          %get3A_609 = arith.constant 3 : i32
          %get3A_610 = arith.index_cast %get3A_609 : i32 to index
          %get3A_611 = arith.index_cast %add3A_608 : i32 to index
          %get3A_612 = arith.constant 48 : index
          %get3A_613 = tpu.vector_load %arg6[%get3A_610, %get3A_611, %get3A_612] {strides = array<i32>} : memref<4x200x128xf32, #tpu.memory_space<vmem>>, vector<1x1x16xf32>,
          %get3A_614 = vector.shape_cast %get3A_613 : vector<1x1x16xf32> to vector<16xf32>
          %add3A_615 = arith.addf %add3A_529, %get3A_614 : vector<16xf32>
          %mul3A_616 = arith.constant 50 : i32
          %mul3A_617 = arith.muli %add3A_239, %mul3A_616 : i32
          %add3A_618 = arith.addi %mul3A_617, %add3A_575 : i32
          %get3A_619 = arith.constant 3 : i32
          %get3A_620 = arith.index_cast %get3A_619 : i32 to index
          %get3A_621 = arith.index_cast %add3A_618 : i32 to index
          %get3A_622 = arith.constant 64 : index
          %get3A_623 = tpu.vector_load %arg6[%get3A_620, %get3A_621, %get3A_622] {strides = array<i32>} : memref<4x200x128xf32, #tpu.memory_space<vmem>>, vector<1x1x16xf32>,
          %get3A_624 = vector.shape_cast %get3A_623 : vector<1x1x16xf32> to vector<16xf32>
          %add3A_625 = arith.addf %add3A_539, %get3A_624 : vector<16xf32>
          %mul3A_626 = arith.constant 50 : i32
          %mul3A_627 = arith.muli %add3A_239, %mul3A_626 : i32
          %add3A_628 = arith.addi %mul3A_627, %add3A_575 : i32
          %get3A_629 = arith.constant 3 : i32
          %get3A_630 = arith.index_cast %get3A_629 : i32 to index
          %get3A_631 = arith.index_cast %add3A_628 : i32 to index
          %get3A_632 = arith.constant 80 : index
          %get3A_633 = tpu.vector_load %arg6[%get3A_630, %get3A_631, %get3A_632] {strides = array<i32>} : memref<4x200x128xf32, #tpu.memory_space<vmem>>, vector<1x1x16xf32>,
          %get3A_634 = vector.shape_cast %get3A_633 : vector<1x1x16xf32> to vector<16xf32>
          %add3A_635 = arith.addf %add3A_549, %get3A_634 : vector<16xf32>
          %mul3A_636 = arith.constant 50 : i32
          %mul3A_637 = arith.muli %add3A_239, %mul3A_636 : i32
          %add3A_638 = arith.addi %mul3A_637, %add3A_575 : i32
          %get3A_639 = arith.constant 3 : i32
          %get3A_640 = arith.index_cast %get3A_639 : i32 to index
          %get3A_641 = arith.index_cast %add3A_638 : i32 to index
          %get3A_642 = arith.constant 96 : index
          %get3A_643 = tpu.vector_load %arg6[%get3A_640, %get3A_641, %get3A_642] {strides = array<i32>} : memref<4x200x128xf32, #tpu.memory_space<vmem>>, vector<1x1x16xf32>,
          %get3A_644 = vector.shape_cast %get3A_643 : vector<1x1x16xf32> to vector<16xf32>
          %add3A_645 = arith.addf %add3A_559, %get3A_644 : vector<16xf32>
          %mul3A_646 = arith.constant 50 : i32
          %mul3A_647 = arith.muli %add3A_239, %mul3A_646 : i32
          %add3A_648 = arith.addi %mul3A_647, %add3A_575 : i32
          %get3A_649 = arith.constant 3 : i32
          %get3A_650 = arith.index_cast %get3A_649 : i32 to index
          %get3A_651 = arith.index_cast %add3A_648 : i32 to index
          %get3A_652 = arith.constant 112 : index
          %get3A_653 = tpu.vector_load %arg6[%get3A_650, %get3A_651, %get3A_652] {strides = array<i32>} : memref<4x200x128xf32, #tpu.memory_space<vmem>>, vector<1x1x16xf32>,
          %get3A_654 = vector.shape_cast %get3A_653 : vector<1x1x16xf32> to vector<16xf32>
          %add3A_655 = arith.addf %add3A_569, %get3A_654 : vector<16xf32>
          %mul3A_656 = arith.constant 4 : i32
          %mul3A_657 = arith.muli %scan3A_475, %mul3A_656 : i32
          %add3A_658 = arith.constant 1 : i32
          %add3A_659 = arith.addi %add3A_658, %mul3A_657 : i32
          %add3A_660 = arith.constant 2 : i32
          %add3A_661 = arith.addi %add3A_659, %add3A_660 : i32
          %mul3A_662 = arith.constant 50 : i32
          %mul3A_663 = arith.muli %add3A_239, %mul3A_662 : i32
          %add3A_664 = arith.addi %mul3A_663, %add3A_661 : i32
          %get3A_665 = arith.constant 3 : i32
          %get3A_666 = arith.index_cast %get3A_665 : i32 to index
          %get3A_667 = arith.index_cast %add3A_664 : i32 to index
          %get3A_668 = arith.constant 0 : index
          %get3A_669 = tpu.vector_load %arg6[%get3A_666, %get3A_667, %get3A_668] {strides = array<i32>} : memref<4x200x128xf32, #tpu.memory_space<vmem>>, vector<1x1x16xf32>,
          %get3A_670 = vector.shape_cast %get3A_669 : vector<1x1x16xf32> to vector<16xf32>
          %add3A_671 = arith.addf %add3A_585, %get3A_670 : vector<16xf32>
          %mul3A_672 = arith.constant 50 : i32
          %mul3A_673 = arith.muli %add3A_239, %mul3A_672 : i32
          %add3A_674 = arith.addi %mul3A_673, %add3A_661 : i32
          %get3A_675 = arith.constant 3 : i32
          %get3A_676 = arith.index_cast %get3A_675 : i32 to index
          %get3A_677 = arith.index_cast %add3A_674 : i32 to index
          %get3A_678 = arith.constant 16 : index
          %get3A_679 = tpu.vector_load %arg6[%get3A_676, %get3A_677, %get3A_678] {strides = array<i32>} : memref<4x200x128xf32, #tpu.memory_space<vmem>>, vector<1x1x16xf32>,
          %get3A_680 = vector.shape_cast %get3A_679 : vector<1x1x16xf32> to vector<16xf32>
          %add3A_681 = arith.addf %add3A_595, %get3A_680 : vector<16xf32>
          %mul3A_682 = arith.constant 50 : i32
          %mul3A_683 = arith.muli %add3A_239, %mul3A_682 : i32
          %add3A_684 = arith.addi %mul3A_683, %add3A_661 : i32
          %get3A_685 = arith.constant 3 : i32
          %get3A_686 = arith.index_cast %get3A_685 : i32 to index
          %get3A_687 = arith.index_cast %add3A_684 : i32 to index
          %get3A_688 = arith.constant 32 : index
          %get3A_689 = tpu.vector_load %arg6[%get3A_686, %get3A_687, %get3A_688] {strides = array<i32>} : memref<4x200x128xf32, #tpu.memory_space<vmem>>, vector<1x1x16xf32>,
          %get3A_690 = vector.shape_cast %get3A_689 : vector<1x1x16xf32> to vector<16xf32>
          %add3A_691 = arith.addf %add3A_605, %get3A_690 : vector<16xf32>
          %mul3A_692 = arith.constant 50 : i32
          %mul3A_693 = arith.muli %add3A_239, %mul3A_692 : i32
          %add3A_694 = arith.addi %mul3A_693, %add3A_661 : i32
          %get3A_695 = arith.constant 3 : i32
          %get3A_696 = arith.index_cast %get3A_695 : i32 to index
          %get3A_697 = arith.index_cast %add3A_694 : i32 to index
          %get3A_698 = arith.constant 48 : index
          %get3A_699 = tpu.vector_load %arg6[%get3A_696, %get3A_697, %get3A_698] {strides = array<i32>} : memref<4x200x128xf32, #tpu.memory_space<vmem>>, vector<1x1x16xf32>,
          %get3A_700 = vector.shape_cast %get3A_699 : vector<1x1x16xf32> to vector<16xf32>
          %add3A_701 = arith.addf %add3A_615, %get3A_700 : vector<16xf32>
          %mul3A_702 = arith.constant 50 : i32
          %mul3A_703 = arith.muli %add3A_239, %mul3A_702 : i32
          %add3A_704 = arith.addi %mul3A_703, %add3A_661 : i32
          %get3A_705 = arith.constant 3 : i32
          %get3A_706 = arith.index_cast %get3A_705 : i32 to index
          %get3A_707 = arith.index_cast %add3A_704 : i32 to index
          %get3A_708 = arith.constant 64 : index
          %get3A_709 = tpu.vector_load %arg6[%get3A_706, %get3A_707, %get3A_708] {strides = array<i32>} : memref<4x200x128xf32, #tpu.memory_space<vmem>>, vector<1x1x16xf32>,
          %get3A_710 = vector.shape_cast %get3A_709 : vector<1x1x16xf32> to vector<16xf32>
          %add3A_711 = arith.addf %add3A_625, %get3A_710 : vector<16xf32>
          %mul3A_712 = arith.constant 50 : i32
          %mul3A_713 = arith.muli %add3A_239, %mul3A_712 : i32
          %add3A_714 = arith.addi %mul3A_713, %add3A_661 : i32
          %get3A_715 = arith.constant 3 : i32
          %get3A_716 = arith.index_cast %get3A_715 : i32 to index
          %get3A_717 = arith.index_cast %add3A_714 : i32 to index
          %get3A_718 = arith.constant 80 : index
          %get3A_719 = tpu.vector_load %arg6[%get3A_716, %get3A_717, %get3A_718] {strides = array<i32>} : memref<4x200x128xf32, #tpu.memory_space<vmem>>, vector<1x1x16xf32>,
          %get3A_720 = vector.shape_cast %get3A_719 : vector<1x1x16xf32> to vector<16xf32>
          %add3A_721 = arith.addf %add3A_635, %get3A_720 : vector<16xf32>
          %mul3A_722 = arith.constant 50 : i32
          %mul3A_723 = arith.muli %add3A_239, %mul3A_722 : i32
          %add3A_724 = arith.addi %mul3A_723, %add3A_661 : i32
          %get3A_725 = arith.constant 3 : i32
          %get3A_726 = arith.index_cast %get3A_725 : i32 to index
          %get3A_727 = arith.index_cast %add3A_724 : i32 to index
          %get3A_728 = arith.constant 96 : index
          %get3A_729 = tpu.vector_load %arg6[%get3A_726, %get3A_727, %get3A_728] {strides = array<i32>} : memref<4x200x128xf32, #tpu.memory_space<vmem>>, vector<1x1x16xf32>,
          %get3A_730 = vector.shape_cast %get3A_729 : vector<1x1x16xf32> to vector<16xf32>
          %add3A_731 = arith.addf %add3A_645, %get3A_730 : vector<16xf32>
          %mul3A_732 = arith.constant 50 : i32
          %mul3A_733 = arith.muli %add3A_239, %mul3A_732 : i32
          %add3A_734 = arith.addi %mul3A_733, %add3A_661 : i32
          %get3A_735 = arith.constant 3 : i32
          %get3A_736 = arith.index_cast %get3A_735 : i32 to index
          %get3A_737 = arith.index_cast %add3A_734 : i32 to index
          %get3A_738 = arith.constant 112 : index
          %get3A_739 = tpu.vector_load %arg6[%get3A_736, %get3A_737, %get3A_738] {strides = array<i32>} : memref<4x200x128xf32, #tpu.memory_space<vmem>>, vector<1x1x16xf32>,
          %get3A_740 = vector.shape_cast %get3A_739 : vector<1x1x16xf32> to vector<16xf32>
          %add3A_741 = arith.addf %add3A_655, %get3A_740 : vector<16xf32>
          %mul3A_742 = arith.constant 4 : i32
          %mul3A_743 = arith.muli %scan3A_475, %mul3A_742 : i32
          %add3A_744 = arith.constant 1 : i32
          %add3A_745 = arith.addi %add3A_744, %mul3A_743 : i32
          %add3A_746 = arith.constant 3 : i32
          %add3A_747 = arith.addi %add3A_745, %add3A_746 : i32
          %mul3A_748 = arith.constant 50 : i32
          %mul3A_749 = arith.muli %add3A_239, %mul3A_748 : i32
          %add3A_750 = arith.addi %mul3A_749, %add3A_747 : i32
          %get3A_751 = arith.constant 3 : i32
          %get3A_752 = arith.index_cast %get3A_751 : i32 to index
          %get3A_753 = arith.index_cast %add3A_750 : i32 to index
          %get3A_754 = arith.constant 0 : index
          %get3A_755 = tpu.vector_load %arg6[%get3A_752, %get3A_753, %get3A_754] {strides = array<i32>} : memref<4x200x128xf32, #tpu.memory_space<vmem>>, vector<1x1x16xf32>,
          %get3A_756 = vector.shape_cast %get3A_755 : vector<1x1x16xf32> to vector<16xf32>
          %add3A_757 = arith.addf %add3A_671, %get3A_756 : vector<16xf32>
          %mul3A_758 = arith.constant 50 : i32
          %mul3A_759 = arith.muli %add3A_239, %mul3A_758 : i32
          %add3A_760 = arith.addi %mul3A_759, %add3A_747 : i32
          %get3A_761 = arith.constant 3 : i32
          %get3A_762 = arith.index_cast %get3A_761 : i32 to index
          %get3A_763 = arith.index_cast %add3A_760 : i32 to index
          %get3A_764 = arith.constant 16 : index
          %get3A_765 = tpu.vector_load %arg6[%get3A_762, %get3A_763, %get3A_764] {strides = array<i32>} : memref<4x200x128xf32, #tpu.memory_space<vmem>>, vector<1x1x16xf32>,
          %get3A_766 = vector.shape_cast %get3A_765 : vector<1x1x16xf32> to vector<16xf32>
          %add3A_767 = arith.addf %add3A_681, %get3A_766 : vector<16xf32>
          %mul3A_768 = arith.constant 50 : i32
          %mul3A_769 = arith.muli %add3A_239, %mul3A_768 : i32
          %add3A_770 = arith.addi %mul3A_769, %add3A_747 : i32
          %get3A_771 = arith.constant 3 : i32
          %get3A_772 = arith.index_cast %get3A_771 : i32 to index
          %get3A_773 = arith.index_cast %add3A_770 : i32 to index
          %get3A_774 = arith.constant 32 : index
          %get3A_775 = tpu.vector_load %arg6[%get3A_772, %get3A_773, %get3A_774] {strides = array<i32>} : memref<4x200x128xf32, #tpu.memory_space<vmem>>, vector<1x1x16xf32>,
          %get3A_776 = vector.shape_cast %get3A_775 : vector<1x1x16xf32> to vector<16xf32>
          %add3A_777 = arith.addf %add3A_691, %get3A_776 : vector<16xf32>
          %mul3A_778 = arith.constant 50 : i32
          %mul3A_779 = arith.muli %add3A_239, %mul3A_778 : i32
          %add3A_780 = arith.addi %mul3A_779, %add3A_747 : i32
          %get3A_781 = arith.constant 3 : i32
          %get3A_782 = arith.index_cast %get3A_781 : i32 to index
          %get3A_783 = arith.index_cast %add3A_780 : i32 to index
          %get3A_784 = arith.constant 48 : index
          %get3A_785 = tpu.vector_load %arg6[%get3A_782, %get3A_783, %get3A_784] {strides = array<i32>} : memref<4x200x128xf32, #tpu.memory_space<vmem>>, vector<1x1x16xf32>,
          %get3A_786 = vector.shape_cast %get3A_785 : vector<1x1x16xf32> to vector<16xf32>
          %add3A_787 = arith.addf %add3A_701, %get3A_786 : vector<16xf32>
          %mul3A_788 = arith.constant 50 : i32
          %mul3A_789 = arith.muli %add3A_239, %mul3A_788 : i32
          %add3A_790 = arith.addi %mul3A_789, %add3A_747 : i32
          %get3A_791 = arith.constant 3 : i32
          %get3A_792 = arith.index_cast %get3A_791 : i32 to index
          %get3A_793 = arith.index_cast %add3A_790 : i32 to index
          %get3A_794 = arith.constant 64 : index
          %get3A_795 = tpu.vector_load %arg6[%get3A_792, %get3A_793, %get3A_794] {strides = array<i32>} : memref<4x200x128xf32, #tpu.memory_space<vmem>>, vector<1x1x16xf32>,
          %get3A_796 = vector.shape_cast %get3A_795 : vector<1x1x16xf32> to vector<16xf32>
          %add3A_797 = arith.addf %add3A_711, %get3A_796 : vector<16xf32>
          %mul3A_798 = arith.constant 50 : i32
          %mul3A_799 = arith.muli %add3A_239, %mul3A_798 : i32
          %add3A_800 = arith.addi %mul3A_799, %add3A_747 : i32
          %get3A_801 = arith.constant 3 : i32
          %get3A_802 = arith.index_cast %get3A_801 : i32 to index
          %get3A_803 = arith.index_cast %add3A_800 : i32 to index
          %get3A_804 = arith.constant 80 : index
          %get3A_805 = tpu.vector_load %arg6[%get3A_802, %get3A_803, %get3A_804] {strides = array<i32>} : memref<4x200x128xf32, #tpu.memory_space<vmem>>, vector<1x1x16xf32>,
          %get3A_806 = vector.shape_cast %get3A_805 : vector<1x1x16xf32> to vector<16xf32>
          %add3A_807 = arith.addf %add3A_721, %get3A_806 : vector<16xf32>
          %mul3A_808 = arith.constant 50 : i32
          %mul3A_809 = arith.muli %add3A_239, %mul3A_808 : i32
          %add3A_810 = arith.addi %mul3A_809, %add3A_747 : i32
          %get3A_811 = arith.constant 3 : i32
          %get3A_812 = arith.index_cast %get3A_811 : i32 to index
          %get3A_813 = arith.index_cast %add3A_810 : i32 to index
          %get3A_814 = arith.constant 96 : index
          %get3A_815 = tpu.vector_load %arg6[%get3A_812, %get3A_813, %get3A_814] {strides = array<i32>} : memref<4x200x128xf32, #tpu.memory_space<vmem>>, vector<1x1x16xf32>,
          %get3A_816 = vector.shape_cast %get3A_815 : vector<1x1x16xf32> to vector<16xf32>
          %add3A_817 = arith.addf %add3A_731, %get3A_816 : vector<16xf32>
          %mul3A_818 = arith.constant 50 : i32
          %mul3A_819 = arith.muli %add3A_239, %mul3A_818 : i32
          %add3A_820 = arith.addi %mul3A_819, %add3A_747 : i32
          %get3A_821 = arith.constant 3 : i32
          %get3A_822 = arith.index_cast %get3A_821 : i32 to index
          %get3A_823 = arith.index_cast %add3A_820 : i32 to index
          %get3A_824 = arith.constant 112 : index
          %get3A_825 = tpu.vector_load %arg6[%get3A_822, %get3A_823, %get3A_824] {strides = array<i32>} : memref<4x200x128xf32, #tpu.memory_space<vmem>>, vector<1x1x16xf32>,
          %get3A_826 = vector.shape_cast %get3A_825 : vector<1x1x16xf32> to vector<16xf32>
          %add3A_827 = arith.addf %add3A_741, %get3A_826 : vector<16xf32>
          scf.yield %add3A_757, %add3A_767, %add3A_777, %add3A_787, %add3A_797, %add3A_807, %add3A_817, %add3A_827 : vector<16xf32>, vector<16xf32>, vector<16xf32>, vector<16xf32>, vector<16xf32>, vector<16xf32>, vector<16xf32>, vector<16xf32>
        }
        %scan3A_411 = arith.constant 12 : i32
        %mul3A_412 = arith.constant 4 : i32
        %mul3A_413 = arith.muli %add3A_202, %mul3A_412 : i32
        %add3A_414 = arith.addi %mul3A_413, %add3A_239 : i32
        %swap3A = arith.index_cast %add3A_414 : i32 to index
        %swap3A_415 = arith.constant 0 : index
        %swap3A_416 = tpu.vector_load %arg7[%swap3A, %swap3A_415] {strides = array<i32>} : memref<128x128xf32, #tpu.memory_space<vmem>>, vector<1x16xf32>,
        %swap3A_417 = vector.shape_cast %swap3A_416 : vector<1x16xf32> to vector<16xf32>
        %swap3A_418 = vector.shape_cast %scan3A_410#0 : vector<16xf32> to vector<1x16xf32>
        tpu.vector_store %arg7[%swap3A, %swap3A_415], %swap3A_418 {strides = array<i32>} : memref<128x128xf32, #tpu.memory_space<vmem>>, vector<1x16xf32>,
        %mul3A_419 = arith.constant 4 : i32
        %mul3A_420 = arith.muli %add3A_202, %mul3A_419 : i32
        %add3A_421 = arith.addi %mul3A_420, %add3A_239 : i32
        %swap3A_422 = arith.index_cast %add3A_421 : i32 to index
        %swap3A_423 = arith.constant 16 : index
        %swap3A_424 = tpu.vector_load %arg7[%swap3A_422, %swap3A_423] {strides = array<i32>} : memref<128x128xf32, #tpu.memory_space<vmem>>, vector<1x16xf32>,
        %swap3A_425 = vector.shape_cast %swap3A_424 : vector<1x16xf32> to vector<16xf32>
        %swap3A_426 = vector.shape_cast %scan3A_410#1 : vector<16xf32> to vector<1x16xf32>
        tpu.vector_store %arg7[%swap3A_422, %swap3A_423], %swap3A_426 {strides = array<i32>} : memref<128x128xf32, #tpu.memory_space<vmem>>, vector<1x16xf32>,
        %mul3A_427 = arith.constant 4 : i32
        %mul3A_428 = arith.muli %add3A_202, %mul3A_427 : i32
        %add3A_429 = arith.addi %mul3A_428, %add3A_239 : i32
        %swap3A_430 = arith.index_cast %add3A_429 : i32 to index
        %swap3A_431 = arith.constant 32 : index
        %swap3A_432 = tpu.vector_load %arg7[%swap3A_430, %swap3A_431] {strides = array<i32>} : memref<128x128xf32, #tpu.memory_space<vmem>>, vector<1x16xf32>,
        %swap3A_433 = vector.shape_cast %swap3A_432 : vector<1x16xf32> to vector<16xf32>
        %swap3A_434 = vector.shape_cast %scan3A_410#2 : vector<16xf32> to vector<1x16xf32>
        tpu.vector_store %arg7[%swap3A_430, %swap3A_431], %swap3A_434 {strides = array<i32>} : memref<128x128xf32, #tpu.memory_space<vmem>>, vector<1x16xf32>,
        %mul3A_435 = arith.constant 4 : i32
        %mul3A_436 = arith.muli %add3A_202, %mul3A_435 : i32
        %add3A_437 = arith.addi %mul3A_436, %add3A_239 : i32
        %swap3A_438 = arith.index_cast %add3A_437 : i32 to index
        %swap3A_439 = arith.constant 48 : index
        %swap3A_440 = tpu.vector_load %arg7[%swap3A_438, %swap3A_439] {strides = array<i32>} : memref<128x128xf32, #tpu.memory_space<vmem>>, vector<1x16xf32>,
        %swap3A_441 = vector.shape_cast %swap3A_440 : vector<1x16xf32> to vector<16xf32>
        %swap3A_442 = vector.shape_cast %scan3A_410#3 : vector<16xf32> to vector<1x16xf32>
        tpu.vector_store %arg7[%swap3A_438, %swap3A_439], %swap3A_442 {strides = array<i32>} : memref<128x128xf32, #tpu.memory_space<vmem>>, vector<1x16xf32>,
        %mul3A_443 = arith.constant 4 : i32
        %mul3A_444 = arith.muli %add3A_202, %mul3A_443 : i32
        %add3A_445 = arith.addi %mul3A_444, %add3A_239 : i32
        %swap3A_446 = arith.index_cast %add3A_445 : i32 to index
        %swap3A_447 = arith.constant 64 : index
        %swap3A_448 = tpu.vector_load %arg7[%swap3A_446, %swap3A_447] {strides = array<i32>} : memref<128x128xf32, #tpu.memory_space<vmem>>, vector<1x16xf32>,
        %swap3A_449 = vector.shape_cast %swap3A_448 : vector<1x16xf32> to vector<16xf32>
        %swap3A_450 = vector.shape_cast %scan3A_410#4 : vector<16xf32> to vector<1x16xf32>
        tpu.vector_store %arg7[%swap3A_446, %swap3A_447], %swap3A_450 {strides = array<i32>} : memref<128x128xf32, #tpu.memory_space<vmem>>, vector<1x16xf32>,
        %mul3A_451 = arith.constant 4 : i32
        %mul3A_452 = arith.muli %add3A_202, %mul3A_451 : i32
        %add3A_453 = arith.addi %mul3A_452, %add3A_239 : i32
        %swap3A_454 = arith.index_cast %add3A_453 : i32 to index
        %swap3A_455 = arith.constant 80 : index
        %swap3A_456 = tpu.vector_load %arg7[%swap3A_454, %swap3A_455] {strides = array<i32>} : memref<128x128xf32, #tpu.memory_space<vmem>>, vector<1x16xf32>,
        %swap3A_457 = vector.shape_cast %swap3A_456 : vector<1x16xf32> to vector<16xf32>
        %swap3A_458 = vector.shape_cast %scan3A_410#5 : vector<16xf32> to vector<1x16xf32>
        tpu.vector_store %arg7[%swap3A_454, %swap3A_455], %swap3A_458 {strides = array<i32>} : memref<128x128xf32, #tpu.memory_space<vmem>>, vector<1x16xf32>,
        %mul3A_459 = arith.constant 4 : i32
        %mul3A_460 = arith.muli %add3A_202, %mul3A_459 : i32
        %add3A_461 = arith.addi %mul3A_460, %add3A_239 : i32
        %swap3A_462 = arith.index_cast %add3A_461 : i32 to index
        %swap3A_463 = arith.constant 96 : index
        %swap3A_464 = tpu.vector_load %arg7[%swap3A_462, %swap3A_463] {strides = array<i32>} : memref<128x128xf32, #tpu.memory_space<vmem>>, vector<1x16xf32>,
        %swap3A_465 = vector.shape_cast %swap3A_464 : vector<1x16xf32> to vector<16xf32>
        %swap3A_466 = vector.shape_cast %scan3A_410#6 : vector<16xf32> to vector<1x16xf32>
        tpu.vector_store %arg7[%swap3A_462, %swap3A_463], %swap3A_466 {strides = array<i32>} : memref<128x128xf32, #tpu.memory_space<vmem>>, vector<1x16xf32>,
        %mul3A_467 = arith.constant 4 : i32
        %mul3A_468 = arith.muli %add3A_202, %mul3A_467 : i32
        %add3A_469 = arith.addi %mul3A_468, %add3A_239 : i32
        %swap3A_470 = arith.index_cast %add3A_469 : i32 to index
        %swap3A_471 = arith.constant 112 : index
        %swap3A_472 = tpu.vector_load %arg7[%swap3A_470, %swap3A_471] {strides = array<i32>} : memref<128x128xf32, #tpu.memory_space<vmem>>, vector<1x16xf32>,
        %swap3A_473 = vector.shape_cast %swap3A_472 : vector<1x16xf32> to vector<16xf32>
        %swap3A_474 = vector.shape_cast %scan3A_410#7 : vector<16xf32> to vector<1x16xf32>
        tpu.vector_store %arg7[%swap3A_470, %swap3A_471], %swap3A_474 {strides = array<i32>} : memref<128x128xf32, #tpu.memory_space<vmem>>, vector<1x16xf32>,
      }
      %scan3A_227 = arith.constant 4 : i32
      %add3A_228 = arith.constant 4 : i32
      %add3A_229 = arith.addi %add3A_202, %add3A_228 : i32
      %lt3A_230 = arith.constant 32 : i32
      %lt3A_231 = arith.cmpi slt, %add3A_229, %lt3A_230 : i32
      %convert_element_type3A_232 = arith.extui %lt3A_231 : i1 to i32
      %cond3A_233 = arith.constant 0 : i32
      %cond3A_234 = arith.cmpi ne, %convert_element_type3A_232, %cond3A_233 : i32
      scf.if %cond3A_234 {
        %add3A_235 = arith.constant 4 : i32
        %add3A_236 = arith.addi %add3A_202, %add3A_235 : i32
        %mul3A_237 = arith.constant 4 : i32
        %mul3A_238 = arith.muli %add3A_236, %mul3A_237 : i32
        %mul3A_239 = arith.constant 50 : i32
        %mul3A_240 = arith.muli %mul3A_238, %mul3A_239 : i32
        %add3A_241 = arith.constant 0 : i32
        %add3A_242 = arith.addi %mul3A_240, %add3A_241 : i32
        %dma_start3A_243 = arith.constant 3 : i32
        %dma_start3A_244 = arith.constant 0 : i32
        %dma_start3A_245 = arith.constant 0 : i32
        %dma_start3A_246 = tpu.memref_slice %arg6[%dma_start3A_243, %dma_start3A_244, %dma_start3A_245] : memref<4x200x128xf32, #tpu.memory_space<vmem>> -> memref<1x104x128xf32, #tpu.memory_space<vmem>>
        %dma_start3A_247 = tpu.memref_squeeze %dma_start3A_246 : memref<1x104x128xf32, #tpu.memory_space<vmem>> -> memref<104x128xf32, #tpu.memory_space<vmem>>
        %dma_start3A_248 = tpu.memref_slice %arg5[%add3A_242] : memref<6400xi32, #tpu.memory_space<vmem>> -> memref<104xi32, #tpu.memory_space<vmem>>
        %dma_start3A_249 = arith.constant 0 : i32
        %dma_start3A_250 = arith.constant 0 : i32
        %dma_start3A_251 = tpu.memref_slice %arg2[%dma_start3A_249, %dma_start3A_250] : memref<100000x128xf32, #tpu.memory_space<hbm>> -> memref<100000x128xf32, #tpu.memory_space<hbm>>
        tpu.enqueue_indirect_dma source(%dma_start3A_251 : memref<100000x128xf32, #tpu.memory_space<hbm>>) target(%dma_start3A_247 : memref<104x128xf32, #tpu.memory_space<vmem>>) offsets(%dma_start3A_248 : memref<104xi32, #tpu.memory_space<vmem>>) semaphore(%arg11 : memref<!tpu.dma_semaphore, #tpu.memory_space<semaphore_mem>>)
        %mul3A_252 = arith.constant 4 : i32
        %mul3A_253 = arith.muli %add3A_236, %mul3A_252 : i32
        %mul3A_254 = arith.constant 50 : i32
        %mul3A_255 = arith.muli %mul3A_253, %mul3A_254 : i32
        %add3A_256 = arith.constant 104 : i32
        %add3A_257 = arith.addi %mul3A_255, %add3A_256 : i32
        %dma_start3A_258 = arith.constant 3 : i32
        %dma_start3A_259 = arith.constant 104 : i32
        %dma_start3A_260 = arith.constant 0 : i32
        %dma_start3A_261 = tpu.memref_slice %arg6[%dma_start3A_258, %dma_start3A_259, %dma_start3A_260] : memref<4x200x128xf32, #tpu.memory_space<vmem>> -> memref<1x96x128xf32, #tpu.memory_space<vmem>>
        %dma_start3A_262 = tpu.memref_squeeze %dma_start3A_261 : memref<1x96x128xf32, #tpu.memory_space<vmem>> -> memref<96x128xf32, #tpu.memory_space<vmem>>
        %dma_start3A_263 = tpu.memref_slice %arg5[%add3A_257] : memref<6400xi32, #tpu.memory_space<vmem>> -> memref<96xi32, #tpu.memory_space<vmem>>
        %dma_start3A_264 = arith.constant 0 : i32
        %dma_start3A_265 = arith.constant 0 : i32
        %dma_start3A_266 = tpu.memref_slice %arg2[%dma_start3A_264, %dma_start3A_265] : memref<100000x128xf32, #tpu.memory_space<hbm>> -> memref<100000x128xf32, #tpu.memory_space<hbm>>
        tpu.enqueue_indirect_dma source(%dma_start3A_266 : memref<100000x128xf32, #tpu.memory_space<hbm>>) target(%dma_start3A_262 : memref<96x128xf32, #tpu.memory_space<vmem>>) offsets(%dma_start3A_263 : memref<96xi32, #tpu.memory_space<vmem>>) semaphore(%arg11 : memref<!tpu.dma_semaphore, #tpu.memory_space<semaphore_mem>>)
      } else {
      }
    }
    %scan3A_87 = arith.constant 8 : i32
    %mul3A_88 = arith.constant 128 : i32
    %mul3A_89 = arith.muli %add3A, %mul3A_88 : i32
    "tpu.region"() ({
      %run_scoped3A = tpu.sem_alloc : memref<!tpu.dma_semaphore, #tpu.memory_space<semaphore_mem>>
      %dma_start3A_90 = arith.constant 0 : i32
      %dma_start3A_91 = tpu.memref_slice %arg4[%mul3A_89, %dma_start3A_90] : memref<4096x128xf32, #tpu.memory_space<hbm>> -> memref<128x128xf32, #tpu.memory_space<hbm>>
      %dma_start3A_92 = arith.constant 0 : i32
      %dma_start3A_93 = tpu.memref_slice %arg4[%mul3A_89, %dma_start3A_92] : memref<4096x128xf32, #tpu.memory_space<hbm>> -> memref<128x128xf32, #tpu.memory_space<hbm>>
      tpu.enqueue_dma source(%arg7 : memref<128x128xf32, #tpu.memory_space<vmem>>) target(%dma_start3A_93 : memref<128x128xf32, #tpu.memory_space<hbm>>) target_semaphore(%run_scoped3A : memref<!tpu.dma_semaphore, #tpu.memory_space<semaphore_mem>>)
      %dma_wait3A = arith.constant 0 : i32
      %dma_wait3A_94 = tpu.memref_slice %arg4[%mul3A_89, %dma_wait3A] : memref<4096x128xf32, #tpu.memory_space<hbm>> -> memref<128x128xf32, #tpu.memory_space<hbm>>
      %dma_wait3A_95 = arith.constant 0 : i32
      %dma_wait3A_96 = tpu.memref_slice %arg4[%mul3A_89, %dma_wait3A_95] : memref<4096x128xf32, #tpu.memory_space<hbm>> -> memref<128x128xf32, #tpu.memory_space<hbm>>
      tpu.wait_dma2 semaphore(%run_scoped3A : memref<!tpu.dma_semaphore, #tpu.memory_space<semaphore_mem>>) src(%arg7 : memref<128x128xf32, #tpu.memory_space<vmem>>) dst(%dma_wait3A_96 : memref<128x128xf32, #tpu.memory_space<hbm>>)
      tpu.yield
    }) : () -> ()
    return
  }
}

</mosaic_0001>

<sc_bundles>
// kernel: _sc_pool.3.cloned.1.call-start
scs
__scs_entry_jumppad:
0x0: {  	(pc) =	sbr.rel $0x88, $3  }
0x1: {  	(tag) =	ssettag $0x0;
	lr =	simm.s32 $0x1  }
0x2: {  	[smem:$0x3F9F] =	sst lr;
	_ =	strace $0xD0000000  }
0x3: {  	_ = 	snop  }
0x4: {  	_ = 	snop  }
0x5: {  	_ = 	snop  }
0x6: {  	_ = 	snop  }
0x7: {  	_ = 	snop  }
__scs_overlays_trampoline_lowered:
0x8: {  	[smem:$0x3FAE] =	sst s0  }
0x9: {  	[smem:$0x3FAF] =	sst s1  }
0xa: {  	[smem:$0x3FB0] =	sst s2  }
0xb: {  	[smem:$0x3FB1] =	sst s3  }
0xc: {  	[smem:$0x3FB2] =	sst s4  }
0xd: {  	[smem:$0x3FB3] =	sst s5  }
0xe: {  	[smem:$0x3FB4] =	sst s6  }
0xf: {  	[smem:$0x3FB5] =	sst s7  }
0x10: {  	[smem:$0x3FB6] =	sst s8  }
0x11: {  	[smem:$0x3FB7] =	sst s9;
	s0 =	simm.s32 @!p0 $0x0  }
0x12: {  	s1 =	sld [smem:$0x3F9D];
	s0 =	simm.s32 @p0 $0x1  }
0x13: {  	[smem:$0x3FB8] =	sst s0;
	s0 =	simm.s32 @!p1 $0x0  }
0x14: {  	s2 =	sld [smem:$0x3F9C];
	s0 =	simm.s32 @p1 $0x1  }
0x15: {  	[smem:$0x3FB9] =	sst s0;
	s0 =	simm.s32 @!p2 $0x0  }
0x16: {  	s3 =	sld [smem:$0x3FDB];
	s0 =	simm.s32 @p2 $0x1  }
0x17: {  	s4 =	simm.s32 $0x1BF5;
	[smem:$0x3FBB] =	sst s0  }
0x18: {  	s0 =	sld [smem:$0x3F9E];
	_ =	swait.ge [sflag:s4], $0x0  }
0x19: {  	s7 =	sld [smem:$0x3F9F]  }
0x1a: {  	s8 =	sadd.s32 $0xFFFFE003, lr  }
0x1b: {  	s9 =	sadd.s32 $0xFFFFFEF7, lr;
	s5 =	simm.s32 $0xFFFFFFFF;
	p2 =	slt.u32 s8, $0xFFFFF086  }
0x1c: {  	p1 =	slt.u32 s9, $0xF7A;
	s5 =	simm.s32 @!p2 $0x0  }
0x1d: {  	s5 =	simm.s32 @p1 $0x1;
	p0 =	seq.s32 s7, s2  }
0x1e: {  	s7 =	smul.u32 @!p0 $0xF7A, s2;
	p2 =	seq.s32 @!p0 s5, $0x0  }
0x1f: {  	s9 =	smul.u32 $0xF7A, s1;
	s8 =	simm.s32 @!p0 $0x1BF5;
	p2 =	por !p2, p0  }
0x20: {  	[sflag:s8] =	ssyncset.s32 @!p0 $0xFFFFF086;
	s6 =	sadd.s32 @!p0 s3, s7;
	s7 =	simm.s32 @!p0 $0x108  }
0x21: {  	s3 =	sadd.s32 s3, s9;
	s6 =	sadd.s32 @!p0 $0x88, s6;
	s7 =	simm.s32 @p2 $0x1082  }
0x22: {  	[simem:s7], [sflag:s8] =	dma.local @!p0 [hbm:s6], $0xF7A  }
0x23: {  	s9 =	sor.u32 $0xD0000000, s2;
	s6 =	simm.s32 $0x108;
	_ =	swait.ge @!p0 [sflag:s8], $0x0  }
0x24: {  	s3 =	sadd.s32 $0x88, s3;
	s6 =	simm.s32 @!p1 $0x1082;
	[sflag:s4] =	ssyncset.s32 $0xFFFFF086  }
0x25: {  	[simem:s6], [sflag:s4] =	dma.local [hbm:s3], $0xF7A  }
0x26: {  	[smem:$0x3F9F] =	sst s1;
	(tag) =	ssettag s2;
	_ =	strace s9  }
0x27: {  	s1 =	sld [smem:$0x3FAF]  }
0x28: {  	s2 =	sld [smem:$0x3FB0]  }
0x29: {  	s4 =	sld [smem:$0x3FB2]  }
0x2a: {  	p0 =	seq.s32 s5, $0x0;
	s5 =	sld [smem:$0x3FB3]  }
0x2b: {  	s6 =	sld [smem:$0x3FB4]  }
0x2c: {  	s7 =	sld [smem:$0x3FB5]  }
0x2d: {  	s3 =	simm.s32 $0x108;
	s8 =	sld [smem:$0x3FB6]  }
0x2e: {  	s3 =	simm.s32 @!p0 $0x1082;
	s9 =	sld [smem:$0x3FB7]  }
0x2f: {  	lr =	sadd.s32 s0, s3;
	s0 =	sld [smem:$0x3FAE]  }
0x30: {  	s3 =	sld [smem:$0x3FB1]  }
0x31: {  	[smem:$0x3FBA] =	sst s10  }
0x32: {  	s10 =	sld [smem:$0x3FB8];
	_ =	sdelay $0x3  }
0x33: {  	p0 =	seq.s32 s10, $0x1;
	s10 =	sld [smem:$0x3FBA];
	_ =	sdelay $0x3  }
0x34: {  	[smem:$0x3FBA] =	sst s10  }
0x35: {  	s10 =	sld [smem:$0x3FB9];
	_ =	sdelay $0x3  }
0x36: {  	p1 =	seq.s32 s10, $0x1;
	s10 =	sld [smem:$0x3FBA];
	_ =	sdelay $0x3  }
0x37: {  	[smem:$0x3FBA] =	sst s10  }
0x38: {  	s10 =	sld [smem:$0x3FBB]  }
0x39: {  	_ = 	snop;
	(pc) =	sbr.ind lr, $3  }
0x3a: {  	_ = 	snop  }
0x3b: {  	_ = 	snop  }
0x3c: {  	p2 =	seq.s32 s10, $0x1;
	s10 =	sld [smem:$0x3FBA]  }
0x3d: {  	_ =	shalt  }
0x3e: {  	_ =	shalt  }
0x3f: {  	_ =	shalt  }
0x40: {  	_ =	shalt  }
0x41: {  	_ =	shalt  }
0x42: {  	_ =	shalt  }
0x43: {  	_ =	shalt  }
0x44: {  	_ =	shalt  }
0x45: {  	_ =	shalt  }
0x46: {  	_ =	shalt  }
0x47: {  	_ =	shalt  }
0x48: {  	_ =	shalt  }
0x49: {  	_ =	shalt  }
0x4a: {  	_ =	shalt  }
0x4b: {  	_ =	shalt  }
0x4c: {  	_ =	shalt  }
0x4d: {  	_ =	shalt  }
0x4e: {  	_ =	shalt  }
0x4f: {  	_ =	shalt  }
0x50: {  	_ =	shalt  }
0x51: {  	_ =	shalt  }
0x52: {  	_ =	shalt  }
0x53: {  	_ =	shalt  }
0x54: {  	_ =	shalt  }
0x55: {  	_ =	shalt  }
0x56: {  	_ =	shalt  }
0x57: {  	_ =	shalt  }
0x58: {  	_ =	shalt  }
0x59: {  	_ =	shalt  }
0x5a: {  	_ =	shalt  }
0x5b: {  	_ =	shalt  }
0x5c: {  	_ =	shalt  }
0x5d: {  	_ =	shalt  }
0x5e: {  	_ =	shalt  }
0x5f: {  	_ =	shalt  }
0x60: {  	_ =	shalt  }
0x61: {  	_ =	shalt  }
0x62: {  	_ =	shalt  }
0x63: {  	_ =	shalt  }
0x64: {  	_ =	shalt  }
0x65: {  	_ =	shalt  }
0x66: {  	_ =	shalt  }
0x67: {  	_ =	shalt  }
0x68: {  	_ =	shalt  }
0x69: {  	_ =	shalt  }
0x6a: {  	_ =	shalt  }
0x6b: {  	_ =	shalt  }
0x6c: {  	_ =	shalt  }
0x6d: {  	_ =	shalt  }
0x6e: {  	_ =	shalt  }
0x6f: {  	_ =	shalt  }
0x70: {  	_ =	shalt  }
0x71: {  	_ =	shalt  }
0x72: {  	_ =	shalt  }
0x73: {  	_ =	shalt  }
0x74: {  	_ =	shalt  }
0x75: {  	_ =	shalt  }
0x76: {  	_ =	shalt  }
0x77: {  	_ =	shalt  }
0x78: {  	_ =	shalt  }
0x79: {  	_ =	shalt  }
0x7a: {  	_ =	shalt  }
0x7b: {  	_ =	shalt  }
0x7c: {  	_ =	shalt  }
0x7d: {  	_ =	shalt  }
0x7e: {  	_ =	shalt  }
0x7f: {  	_ =	shalt  }
0x80: {  	_ =	shalt  }
0x81: {  	_ =	shalt  }
0x82: {  	_ =	shalt  }
0x83: {  	_ =	shalt  }
0x84: {  	_ =	shalt  }
0x85: {  	_ =	shalt  }
0x86: {  	_ =	shalt  }
0x87: {  	_ =	shalt  }
.Lfunc_end0:
.L_simem_size_0:
called_computation_lowered:
.L_overlay_start_0:
0x88: {  	s2 =	sld [smem:$0x3FD9]  }
0x89: {  	s3 =	sld [smem:$0x3FFE];
	_ =	sdelay $0x1  }
0x8a: {  	s1 =	srdreg.scid  }
0x8b: {  	s0 =	sand.u32 $0x1, s1  }
0x8c: {  	s18 =	sshll.u32 s0, $0xA;
	s2 =	sadd.s32 s3, s2  }
0x8d: {  	s2 =	sadd.s32 s2, s18  }
0x8e: {  	[smem:$0x3FC6] =	sst s2  }
0x8f: {  	_ = 	snop  }
0x90: {  	s2 =	sld [smem:$0x3FC9]  }
0x91: {  	s19 =	sld [smem:$0x3FC8]  }
0x92: {  	s4 =	sld [smem:$0x3FD0];
	(tm) =	ssettm $0x1  }
0x93: {  	s5 =	sld [smem:$0x3FFB];
	_ =	sdelay $0x3  }
0x94: {  	_ =	strace s5  }
0x95: {  	s5 =	sld [smem:$0x3FFC];
	_ =	sdelay $0x3  }
0x96: {  	_ =	strace s5  }
0x97: {  	s5 =	sld [smem:$0x3FFD];
	_ =	sdelay $0x3  }
0x98: {  	_ =	strace s5  }
0x99: {  	_ =	strace $0x8FFFFFFF  }
0x9a: {  	s20 =	sld [smem:$0x3FDB];
	_ =	sdelay $0x1  }
0x9b: {  	s6 =	simm.s32 $_scs_section_size  }
0x9c: {  	s7 =	simm.s32 $_size__tile_overlayer_lowered;
	s8 =	simm.s32 $_tile_overlayer_lowered  }
0x9d: {  	s23 =	simm.s32 $0x1BFF;
	s22 =	sshll.u32 s8, $0x1;
	s5 =	sadd.s32 s6, s20  }
0x9e: {  	s9 =	simm.s32 $0x0;
	s21 =	sshll.u32 s7, $0x1;
	s7 =	sadd.s32 s22, s5  }
0x9f: {  	[timem:s9], [sflag:s23] =	dma.local [hbm:s7], s21  }
0xa0: {  	_ =	swait.ge [sflag:s23], s21  }
0xa1: {  	s6 =	ssub.s32 $0x0, s21;
	[sflag:s23] =	ssyncset.done $0x0  }
0xa2: {  	[sflag:s23] =	ssyncadd.s32 s6;
	_ =	sdelay $0x1  }
0xa3: {  	s24 =	simm.s32 $0x1B8B  }
0xa4: {  	_ =	swait.ge [sflag:s24], $0x1  }
0xa5: {  	[sflag:s24] =	ssyncset.done $0x0  }
0xa6: {  	s25 =	simm.s32 $0x1B8E;
	[sflag:s24] =	ssyncadd.s32 $0xFFFFFFFF  }
0xa7: {  	s26 =	simm.s32 $execute0_lowered;
	[smem:$0x3FD2] =	sst s25  }
0xa8: {  	s6 =	sshll.u32 s26, $0x1;
	_ =	strace $0x80000046;
	[dreg:$0x1] =	wrdreg $0xFFFFFFFF  }
0xa9: {  	s28 =	simm.s32 $_size_execute0_lowered;
	s5 =	sadd.s32 s5, s6;
	[dreg:$0x0] =	wrdreg $0x0  }
0xaa: {  	s6 =	sshll.u32 s28, $0x1;
	[dreg:$0x2] =	wrdreg s5  }
0xab: {  	[dreg:$0x3] =	wrdreg s6  }
0xac: {  	[dreg:$0x4] =	wrdreg $0xC0  }
0xad: {  	_ =	task [dreg:s9], $0x5FFFF  }
0xae: {  	[dreg:$0x1] =	wrdreg $0xFFFFFFFF  }
0xaf: {  	[dreg:$0x0] =	wrdreg $0x60  }
0xb0: {  	[dreg:$0x2] =	wrdreg s2  }
0xb1: {  	[dreg:$0x3] =	wrdreg s19  }
0xb2: {  	[dreg:$0x4] =	wrdreg s4  }
0xb3: {  	[dreg:$0x5] =	wrdreg $0x9  }
0xb4: {  	_ =	task.clear_ibuf [dreg:s9], $0x6FFFF;
	_ =	strace $0x90000046  }
0xb5: {  	s29 =	simm.s32 $0x9;
	_ =	strace $0x80000048  }
0xb6: {  	_ =	swait.ge [sflag:s29], $0x1  }
0xb7: {  	[sflag:s29] =	ssyncadd.s32 $0xFFFFFFFF  }
0xb8: {  	_ =	strace $0x90000048  }
0xb9: {  	_ =	sfence  }
0xba: {  	s30 =	sld [smem:$0x0];
	_ =	sdelay $0x2  }
0xbb: {  	s31 =	sshll.u32 s1, $0xD;
	s1 =	sshrl.u32 s1, $0x2  }
0xbc: {  	s3 =	sand.u32 $0x4000, s31;
	s1 =	sadd.s32 s1, s30  }
0xbd: {  	s0 =	sor.u32 s3, s0;
	s1 =	sshll.u32 s1, $0x11  }
0xbe: {  	s0 =	sor.u32 s1, s0  }
0xbf: {  	s0 =	sadd.s32 $0x8F2B, s0  }
0xc0: {  	[sflag:s0] =	ssyncadd.remote.s32 $0x1  }
0xc1: {  	_ =	sfence.sel $0xFFFF  }
0xc2: {  	[dreg:$0x0] =	wrdreg $0xFFFFFFFF;
	(pc) =	sbr.abs _section_cstart, $3  }
0xc3: {  	[dreg:$0x1] =	wrdreg $0xFFFFFFFF  }
0xc4: {  	_ =	task.clear_ibuf [dreg:s9], $0x2FFFF;
	_ =	strace $0x9FFFFFFF  }
0xc5: {  	(tm) =	ssettm $0x7FFFFFFF  }
tec
execute0_lowered:
.L_overlay_start_1:
0x0: {  	(tag) =	ssettag $0x1  }
0x1: {  	s1 =	rddreg [dreg:$0x0]  }
0x2: {  	s0 =	rddreg [dreg:$0x1]  }
0x3: {  	s2 =	srdreg.scid;
	s3 =	stileid.u32  }
0x4: {  	s5 =	rddreg [dreg:$0x2];
	s10 =	simm.s32 $0x60;
	s13 =	simm.s32 $0x7D00  }
0x5: {  	s14 =	simm.s32 $0x130;
	s15 =	simm.s32 $0xB100;
	s16 =	simm.s32 $0x190  }
0x6: {  	s17 =	simm.s32 $0xE100;
	s18 =	simm.s32 $0x1F8;
	s19 =	simm.s32 $0x11500  }
0x7: {  	s20 =	simm.s32 $0x258;
	s21 =	simm.s32 $0x14500;
	s22 =	simm.s32 $0x2C0  }
0x8: {  	s23 =	simm.s32 $0x17900;
	s24 =	simm.s32 $0x1;
	s25 =	simm.s32 $0x2  }
0x9: {  	s26 =	simm.s32 $0x3;
	s28 =	simm.s32 $0x4;
	s29 =	simm.s32 $0x1A900  }
0xa: {  	s30 =	simm.s32 $0x0;
	s2 =	sand.u32 $0x1, s2;
	s4 =	sshll.u32 s3, $0x1  }
.Ltmp0:
0xb: {  	s3 =	simm.s32 $0x0;
	s4 =	sor.u32 s2, s4;
	(pc) =	sbr.rel .LBB2_1-.Ltmp0, $4  }
0xc: {  	[smem:$0x7FF] =	sst s3;
	s2 =	ssub.s32 $0x2, s2;
	s6 =	smul.u32 $0x320, s4  }
0xd: {  	_ =	strace $0x80000047;
	s7 =	sshrl.u32 s2, $0x1;
	s8 =	sshll.u32 s4, $0xB  }
0xe: {  	s2 =	ssub.s32 s2, s7;
	s5 =	sadd.s32 s5, s8;
	s7 =	simm.s32 $0x5  }
0xf: {  	s8 =	simm.s32 $0x68;
	s4 =	sadd.s32 s0, s6;
	s6 =	smax.u32 s2, $0x1  }
.LBB2_20:
0x10: {  	s30 =	sadd.s32 $0x1, s30  }
0x11: {  	p0 =	sne.s32 s30, s6  }
.Ltmp1:
0x12: {  	_ = 	snop;
	(pc) =	sbr.rel @!p0 .LBB2_21-.Ltmp1, $4  }
0x13: {  	[hbm4b:s5+s3] =	stream.linear.scatter [tilespmem:s29], [sflag:$0x5], $0x4000, $0x38;
	[tilespmem:$0x1E900] =	vst v63  }
0x14: {  	_ =	swait.ge [sflag:s7], $0x4000  }
0x15: {  	[sflag:s7] =	ssyncset.done $0x0  }
0x16: {  	[sflag:s7] =	ssyncadd.s32 $0xFFFFC000  }
.LBB2_1:
0x17: {  	[tilespmem:s3], [sflag:$0x5] =	stream.linear.gather [hbm4b:s4+s3], $0x1900, $0x38;
	[tilespmem:$0x1E900] =	vst v63  }
0x18: {  	_ =	swait.ge [sflag:s7], $0x1900  }
0x19: {  	[sflag:s7] =	ssyncset.done $0x0  }
0x1a: {  	s0 =	simm.s32 $0x1900;
	[sflag:s7] =	ssyncadd.s32 $0xFFFFE700  }
0x1b: {  	[tilespmem:s0], [sflag:$0x1] =	stream.indirect.gather [hbm4b:s1+s8], $0x80, s3, s8, $0xb8;
	[tilespmem:$0x1E900] =	vst v63  }
0x1c: {  	s11 =	simm.s32 $0x4D00  }
0x1d: {  	[tilespmem:s11], [sflag:$0x1] =	stream.indirect.gather [hbm4b:s1+s10], $0x80, s8, s10, $0xb8;
	[tilespmem:$0x1E900] =	vst v63  }
0x1e: {  	s12 =	simm.s32 $0xC8  }
0x1f: {  	[tilespmem:s13], [sflag:$0x2] =	stream.indirect.gather [hbm4b:s1+s8], $0x80, s12, s8, $0xb8;
	[tilespmem:$0x1E900] =	vst v63  }
0x20: {  	_ = 	snop  }
0x21: {  	[tilespmem:s15], [sflag:$0x2] =	stream.indirect.gather [hbm4b:s1+s10], $0x80, s14, s10, $0xb8;
	[tilespmem:$0x1E900] =	vst v63  }
0x22: {  	_ = 	snop  }
0x23: {  	[tilespmem:s17], [sflag:$0x3] =	stream.indirect.gather [hbm4b:s1+s8], $0x80, s16, s8, $0xb8;
	[tilespmem:$0x1E900] =	vst v63  }
0x24: {  	_ = 	snop  }
0x25: {  	[tilespmem:s19], [sflag:$0x3] =	stream.indirect.gather [hbm4b:s1+s10], $0x80, s18, s10, $0xb8;
	[tilespmem:$0x1E900] =	vst v63  }
0x26: {  	_ = 	snop  }
0x27: {  	[tilespmem:s21], [sflag:$0x4] =	stream.indirect.gather [hbm4b:s1+s8], $0x80, s20, s8, $0xb8;
	[tilespmem:$0x1E900] =	vst v63  }
0x28: {  	s31 =	simm.s32 $0x0  }
0x29: {  	[tilespmem:s23], [sflag:$0x4] =	stream.indirect.gather [hbm4b:s1+s10], $0x80, s22, s10, $0xb8;
	[tilespmem:$0x1E900] =	vst v63  }
.LBB2_2:
0x2a: {  	_ =	swait.ge [sflag:s24], $0x3400  }
0x2b: {  	[sflag:s24] =	ssyncset.done $0x0  }
0x2c: {  	s0 =	sshll.u32 s31, $0xB;
	[sflag:s24] =	ssyncadd.s32 $0xFFFFCC00  }
0x2d: {  	s0 =	sand.u32 $0x3FFFF800, s0;
	_ =	swait.ge [sflag:s24], $0x3000  }
0x2e: {  	s9 =	sadd.s32 $0x1A900, s0;
	[sflag:s24] =	ssyncset.done $0x0  }
0x2f: {  	s2 =	simm.s32 $0x0;
	s0 =	simm.s32 $0x1900;
	v0 =	vmov s9;
	[sflag:s24] =	ssyncadd.s32 $0xFFFFD000  }
.LBB2_3:
0x30: {  	s9 =	smul.u32 $0x6400, s2;
	_ =	sdelay $0x1  }
0x31: {  	s9 =	sshra.s32 s9, $0x2  }
0x32: {  	v10 =	vld [tilespmem:s9+$0x1900]  }
0x33: {  	v11 =	vld [tilespmem:s9+$0x3180]  }
0x34: {  	v12 =	vld [tilespmem:s9+$0x1910]  }
0x35: {  	v13 =	vld [tilespmem:s9+$0x3190]  }
0x36: {  	v18 =	vld [tilespmem:s9+$0x1920]  }
0x37: {  	v19 =	vld [tilespmem:s9+$0x31A0]  }
0x38: {  	v20 =	vld [tilespmem:s9+$0x1930]  }
0x39: {  	v21 =	vld [tilespmem:s9+$0x31B0]  }
0x3a: {  	v22 =	vld [tilespmem:s9+$0x1940]  }
0x3b: {  	v25 =	vld [tilespmem:s9+$0x31C0]  }
0x3c: {  	v26 =	vld [tilespmem:s9+$0x1950]  }
0x3d: {  	v2 =	vmov s0;
	v27 =	vld [tilespmem:s9+$0x31D0]  }
0x3e: {  	v28 =	vld [tilespmem:s9+$0x1960]  }
0x3f: {  	v29 =	vld [tilespmem:s9+$0x31E0]  }
0x40: {  	v30 =	vld [tilespmem:s9+$0x1970]  }
0x41: {  	v31 =	vld [tilespmem:s9+$0x31F0];
	s9 =	simm.s32 $0x270  }
0x42: {  	v5 =	vld.idx.msk [tilespmem:v2+s9+$0xFFFFFF90 ss:$0x1], $0xffff  }
0x43: {  	v7 =	vld.idx.msk [tilespmem:v2+s9+$0xFFFFFFA0 ss:$0x1], $0xffff  }
0x44: {  	v8 =	vld.idx.msk [tilespmem:v2+s9+$0xFFFFFFB0 ss:$0x1], $0xffff  }
0x45: {  	v9 =	vld.idx.msk [tilespmem:v2+s9+$0xFFFFFFC0 ss:$0x1], $0xffff  }
0x46: {  	v3 =	vld.idx.msk [tilespmem:v2+s9+$0xFFFFFFD0 ss:$0x1], $0xffff  }
0x47: {  	v1 =	vld.idx.msk [tilespmem:v2+s9+$0xFFFFFFE0 ss:$0x1], $0xffff  }
0x48: {  	v15 =	vld.idx.msk [tilespmem:v2+s9+$0xFFFFFF10 ss:$0x1], $0xffff  }
0x49: {  	v17 =	vld.idx.msk [tilespmem:v2+s9+$0xFFFFFF20 ss:$0x1], $0xffff  }
0x4a: {  	v14 =	vld.idx.msk [tilespmem:v2+s9+$0xFFFFFF30 ss:$0x1], $0xffff  }
0x4b: {  	v16 =	vld.idx.msk [tilespmem:v2+s9+$0xFFFFFF40 ss:$0x1], $0xffff  }
0x4c: {  	v6 =	vld.idx.msk [tilespmem:v2+s9+$0xFFFFFF50 ss:$0x1], $0xffff  }
0x4d: {  	v4 =	vld.idx.msk [tilespmem:v2+s9+$0xFFFFFF60 ss:$0x1], $0xffff  }
0x4e: {  	v32 =	vld.idx.msk [tilespmem:v2+s9+$0xFFFFFE90 ss:$0x1], $0xffff  }
0x4f: {  	v33 =	vld.idx.msk [tilespmem:v2+s9+$0xFFFFFEA0 ss:$0x1], $0xffff  }
0x50: {  	v34 =	vld.idx.msk [tilespmem:v2+s9+$0xFFFFFE10 ss:$0x1], $0xffff  }
0x51: {  	v35 =	vld.idx.msk [tilespmem:v2+s9+$0xFFFFFE20 ss:$0x1], $0xffff  }
0x52: {  	v36 =	vld.idx.msk [tilespmem:v2+s9+$0xFFFFFE30 ss:$0x1], $0xffff  }
0x53: {  	v37 =	vld.idx.msk [tilespmem:v2+s9+$0xFFFFFE40 ss:$0x1], $0xffff  }
0x54: {  	v23 =	vld.idx.msk [tilespmem:v2+s9+$0xFFFFFEB0 ss:$0x1], $0xffff;
	v38 =	vadd.f32 v11, v10;
	v39 =	vadd.f32 v13, v12  }
0x55: {  	v24 =	vld.idx.msk [tilespmem:v2+s9+$0xFFFFFEC0 ss:$0x1], $0xffff;
	v40 =	vadd.f32 v19, v18;
	v21 =	vadd.f32 v21, v20  }
0x56: {  	v13 =	vadd.f32 v25, v22;
	v11 =	vadd.f32 v27, v26;
	v18 =	vld.idx.msk [tilespmem:v2+s9+$0xFFFFFED0 ss:$0x1], $0xffff  }
0x57: {  	v12 =	vadd.f32 v29, v28;
	v10 =	vadd.f32 v31, v30;
	v19 =	vld.idx.msk [tilespmem:v2+s9+$0xFFFFFEE0 ss:$0x1], $0xffff  }
0x58: {  	v20 =	vld.idx.msk [tilespmem:v2+s9+$0xFFFFFE50 ss:$0x1], $0xffff;
	v27 =	vadd.f32 v34, v38;
	v28 =	vadd.f32 v35, v39  }
0x59: {  	v22 =	vld.idx.msk [tilespmem:v2+s9+$0xFFFFFE60 ss:$0x1], $0xffff;
	v25 =	vadd.f32 v36, v40;
	v26 =	vadd.f32 v37, v21  }
0x5a: {  	s11 =	simm.s32 $0x11C0;
	v21 =	vld.idx.msk [tilespmem:v2+s9+$0xFFFFFE70 ss:$0x1], $0xffff;
	v27 =	vadd.f32 v32, v27;
	v28 =	vadd.f32 v33, v28  }
.LBB2_4:
0x5b: {  	p0 =	sne.s32 s11, $0x61C0;
	v29 =	vld.idx.msk [tilespmem:v2+s9+$0xFFFFFE80 ss:$0x1], $0xffff;
	v23 =	vadd.f32 v23, v25;
	v24 =	vadd.f32 v24, v26  }
0x5c: {  	v25 =	vld.idx.msk [tilespmem:v2+s9+$0xFFFFFEF0 ss:$0x1], $0xffff;
	v15 =	vadd.f32 v15, v27;
	v17 =	vadd.f32 v17, v28  }
0x5d: {  	v26 =	vld.idx.msk [tilespmem:v2+s9+$0xFFFFFF00 ss:$0x1], $0xffff;
	v14 =	vadd.f32 v14, v23;
	v16 =	vadd.f32 v16, v24  }
0x5e: {  	v23 =	vld.idx.msk [tilespmem:v2+s9+$0xFFFFFF70 ss:$0x1], $0xffff;
	v27 =	vadd.f32 v5, v15;
	v28 =	vadd.f32 v7, v17  }
0x5f: {  	v15 =	vld.idx.msk [tilespmem:v2+s9+$0xFFFFFF80 ss:$0x1], $0xffff;
	v30 =	vadd.f32 v8, v14;
	v31 =	vadd.f32 v9, v16  }
0x60: {  	v7 =	vadd.f32 v20, v13;
	v8 =	vadd.f32 v22, v11;
	v14 =	vld.idx.msk [tilespmem:v2+s9+$0xFFFFFFF0 ss:$0x1], $0xffff  }
0x61: {  	v9 =	vadd.f32 v21, v12;
	v10 =	vadd.f32 v29, v10;
	v16 =	vld.idx.msk [tilespmem:v2+s9+$0x0 ss:$0x1], $0xffff;
	s9 =	sshra.s32 s11, $0x2  }
0x62: {  	v11 =	vadd.f32 v18, v7;
	v12 =	vadd.f32 v19, v8;
	v5 =	vld.idx.msk [tilespmem:v2+s9+$0xFFFFFF90 ss:$0x1], $0xffff  }
0x63: {  	v13 =	vadd.f32 v25, v9;
	v10 =	vadd.f32 v26, v10;
	v7 =	vld.idx.msk [tilespmem:v2+s9+$0xFFFFFFA0 ss:$0x1], $0xffff  }
0x64: {  	v6 =	vadd.f32 v6, v11;
	v4 =	vadd.f32 v4, v12;
	v8 =	vld.idx.msk [tilespmem:v2+s9+$0xFFFFFFB0 ss:$0x1], $0xffff  }
0x65: {  	v12 =	vadd.f32 v23, v13;
	v10 =	vadd.f32 v15, v10;
	v9 =	vld.idx.msk [tilespmem:v2+s9+$0xFFFFFFC0 ss:$0x1], $0xffff  }
0x66: {  	v13 =	vadd.f32 v3, v6;
	v11 =	vadd.f32 v1, v4;
	v3 =	vld.idx.msk [tilespmem:v2+s9+$0xFFFFFFD0 ss:$0x1], $0xffff  }
0x67: {  	v12 =	vadd.f32 v14, v12;
	v10 =	vadd.f32 v16, v10;
	v1 =	vld.idx.msk [tilespmem:v2+s9+$0xFFFFFFE0 ss:$0x1], $0xffff  }
0x68: {  	v15 =	vld.idx.msk [tilespmem:v2+s9+$0xFFFFFF10 ss:$0x1], $0xffff  }
0x69: {  	v17 =	vld.idx.msk [tilespmem:v2+s9+$0xFFFFFF20 ss:$0x1], $0xffff  }
0x6a: {  	v14 =	vld.idx.msk [tilespmem:v2+s9+$0xFFFFFF30 ss:$0x1], $0xffff  }
0x6b: {  	v16 =	vld.idx.msk [tilespmem:v2+s9+$0xFFFFFF40 ss:$0x1], $0xffff  }
0x6c: {  	v6 =	vld.idx.msk [tilespmem:v2+s9+$0xFFFFFF50 ss:$0x1], $0xffff  }
0x6d: {  	v4 =	vld.idx.msk [tilespmem:v2+s9+$0xFFFFFF60 ss:$0x1], $0xffff  }
0x6e: {  	v29 =	vld.idx.msk [tilespmem:v2+s9+$0xFFFFFE90 ss:$0x1], $0xffff  }
0x6f: {  	v32 =	vld.idx.msk [tilespmem:v2+s9+$0xFFFFFEA0 ss:$0x1], $0xffff  }
0x70: {  	v20 =	vld.idx.msk [tilespmem:v2+s9+$0xFFFFFE10 ss:$0x1], $0xffff  }
0x71: {  	v21 =	vld.idx.msk [tilespmem:v2+s9+$0xFFFFFE20 ss:$0x1], $0xffff  }
0x72: {  	v22 =	vld.idx.msk [tilespmem:v2+s9+$0xFFFFFE30 ss:$0x1], $0xffff  }
0x73: {  	v26 =	vld.idx.msk [tilespmem:v2+s9+$0xFFFFFE40 ss:$0x1], $0xffff  }
0x74: {  	v23 =	vld.idx.msk [tilespmem:v2+s9+$0xFFFFFEB0 ss:$0x1], $0xffff  }
0x75: {  	v24 =	vld.idx.msk [tilespmem:v2+s9+$0xFFFFFEC0 ss:$0x1], $0xffff  }
.Ltmp2:
0x76: {  	v18 =	vld.idx.msk [tilespmem:v2+s9+$0xFFFFFED0 ss:$0x1], $0xffff;
	(pc) =	sbr.rel @p0 .LBB2_4-.Ltmp2, $4  }
0x77: {  	v19 =	vld.idx.msk [tilespmem:v2+s9+$0xFFFFFEE0 ss:$0x1], $0xffff  }
0x78: {  	v27 =	vadd.f32 v20, v27;
	v28 =	vadd.f32 v21, v28;
	v20 =	vld.idx.msk [tilespmem:v2+s9+$0xFFFFFE50 ss:$0x1], $0xffff  }
0x79: {  	v25 =	vadd.f32 v22, v30;
	v26 =	vadd.f32 v26, v31;
	v22 =	vld.idx.msk [tilespmem:v2+s9+$0xFFFFFE60 ss:$0x1], $0xffff  }
0x7a: {  	s11 =	sadd.s32 $0x800, s11;
	v27 =	vadd.f32 v29, v27;
	v28 =	vadd.f32 v32, v28;
	v21 =	vld.idx.msk [tilespmem:v2+s9+$0xFFFFFE70 ss:$0x1], $0xffff  }
0x7b: {  	_ =	sdelay $0x1  }
0x7c: {  	v23 =	vadd.f32 v23, v25;
	v24 =	vadd.f32 v24, v26  }
0x7d: {  	v15 =	vadd.f32 v15, v27;
	v17 =	vadd.f32 v17, v28  }
0x7e: {  	v55 =	vld.idx.msk [tilespmem:v2+s9+$0xFFFFFE80 ss:$0x1], $0xffff;
	v14 =	vadd.f32 v14, v23;
	v16 =	vadd.f32 v16, v24  }
0x7f: {  	v56 =	vld.idx.msk [tilespmem:v2+s9+$0xFFFFFEF0 ss:$0x1], $0xffff;
	v13 =	vadd.f32 v20, v13;
	v5 =	vadd.f32 v5, v15  }
0x80: {  	v57 =	vld.idx.msk [tilespmem:v2+s9+$0xFFFFFF00 ss:$0x1], $0xffff;
	v7 =	vadd.f32 v7, v17;
	v11 =	vadd.f32 v22, v11  }
0x81: {  	v58 =	vld.idx.msk [tilespmem:v2+s9+$0xFFFFFF70 ss:$0x1], $0xffff;
	v8 =	vadd.f32 v8, v14;
	v9 =	vadd.f32 v9, v16  }
0x82: {  	v59 =	vld.idx.msk [tilespmem:v2+s9+$0xFFFFFF80 ss:$0x1], $0xffff;
	s11 =	sshll.u32 s2, $0x7;
	v12 =	vadd.f32 v21, v12;
	v13 =	vadd.f32 v18, v13  }
0x83: {  	v60 =	vld.idx.msk [tilespmem:v2+s9+$0xFFFFFFF0 ss:$0x1], $0xffff;
	s12 =	sand.u32 $0x3FFFFF80, s11;
	v10 =	vadd.f32 v55, v10;
	v11 =	vadd.f32 v19, v11  }
0x84: {  	v2 =	vld.idx.msk [tilespmem:v2+s9+$0x0 ss:$0x1], $0xffff;
	[tilespmem:v0+s12+$0x0 ss:$0x1] =	vst.idx.msk $0xffff, v5;
	v12 =	vadd.f32 v56, v12;
	v6 =	vadd.f32 v6, v13  }
0x85: {  	s2 =	sadd.s32 $0x1, s2;
	[tilespmem:v0+s12+$0x10 ss:$0x1] =	vst.idx.msk $0xffff, v7;
	v61 =	vadd.f32 v57, v10;
	v4 =	vadd.f32 v4, v11  }
0x86: {  	p0 =	sne.s32 s2, $0x4;
	[tilespmem:v0+s12+$0x20 ss:$0x1] =	vst.idx.msk $0xffff, v8;
	v62 =	vadd.f32 v58, v12;
	v3 =	vadd.f32 v3, v6  }
.Ltmp3:
0x87: {  	[tilespmem:v0+s12+$0x30 ss:$0x1] =	vst.idx.msk $0xffff, v9;
	v5 =	vadd.f32 v59, v61;
	v1 =	vadd.f32 v1, v4;
	(pc) =	sbr.rel @p0 .LBB2_3-.Ltmp3, $4  }
0x88: {  	v63 =	vadd.f32 v60, v62;
	[tilespmem:v0+s12+$0x40 ss:$0x1] =	vst.idx.msk $0xffff, v3  }
0x89: {  	v2 =	vadd.f32 v2, v5;
	[tilespmem:v0+s12+$0x50 ss:$0x1] =	vst.idx.msk $0xffff, v1  }
0x8a: {  	[tilespmem:v0+s12+$0x60 ss:$0x1] =	vst.idx.msk $0xffff, v63  }
0x8b: {  	s0 =	sadd.s32 $0x1900, s0;
	[tilespmem:v0+s12+$0x70 ss:$0x1] =	vst.idx.msk $0xffff, v2  }
0x8c: {  	p0 =	seq.s32 s31, $0x7  }
0x8d: {  	s0 =	smul.u32 @!p0 $0xC80, s31;
	_ =	sdelay $0x1  }
0x8e: {  	s2 =	sshra.s32 @!p0 s0, $0x2  }
0x8f: {  	s9 =	simm.s32 @!p0 $0x68;
	s11 =	simm.s32 @!p0 $0x1900;
	s0 =	sadd.s32 @!p0 $0x320, s2  }
0x90: {  	[tilespmem:s11], [sflag:$0x1] =	stream.indirect.gather @!p0 [hbm4b:s1+s9], $0x80, s0, s9, $0xb8;
	[tilespmem:$0x1E900] =	vst v63  }
0x91: {  	s0 =	sadd.s32 @!p0 $0x388, s2;
	s9 =	simm.s32 @!p0 $0x60;
	s11 =	simm.s32 @!p0 $0x4D00  }
0x92: {  	[tilespmem:s11], [sflag:$0x1] =	stream.indirect.gather @!p0 [hbm4b:s1+s9], $0x80, s0, s9, $0xb8;
	[tilespmem:$0x1E900] =	vst v63  }
0x93: {  	_ =	swait.ge [sflag:s25], $0x3400  }
0x94: {  	[sflag:s25] =	ssyncset.done $0x0  }
0x95: {  	[sflag:s25] =	ssyncadd.s32 $0xFFFFCC00  }
0x96: {  	_ =	swait.ge [sflag:s25], $0x3000  }
0x97: {  	[sflag:s25] =	ssyncset.done $0x0  }
0x98: {  	s0 =	simm.s32 $0x0;
	s9 =	simm.s32 $0x1900;
	[sflag:s25] =	ssyncadd.s32 $0xFFFFD000  }
.LBB2_7:
0x99: {  	s11 =	smul.u32 $0x6400, s0;
	_ =	sdelay $0x1  }
0x9a: {  	s11 =	sshra.s32 s11, $0x2  }
0x9b: {  	v10 =	vld [tilespmem:s11+$0x7D00]  }
0x9c: {  	v11 =	vld [tilespmem:s11+$0x9580]  }
0x9d: {  	v12 =	vld [tilespmem:s11+$0x7D10]  }
0x9e: {  	v13 =	vld [tilespmem:s11+$0x9590]  }
0x9f: {  	v18 =	vld [tilespmem:s11+$0x7D20]  }
0xa0: {  	v19 =	vld [tilespmem:s11+$0x95A0]  }
0xa1: {  	v20 =	vld [tilespmem:s11+$0x7D30]  }
0xa2: {  	v21 =	vld [tilespmem:s11+$0x95B0]  }
0xa3: {  	v22 =	vld [tilespmem:s11+$0x7D40]  }
0xa4: {  	v25 =	vld [tilespmem:s11+$0x95C0]  }
0xa5: {  	v26 =	vld [tilespmem:s11+$0x7D50]  }
0xa6: {  	v2 =	vmov s9;
	v27 =	vld [tilespmem:s11+$0x95D0]  }
0xa7: {  	v28 =	vld [tilespmem:s11+$0x7D60]  }
0xa8: {  	v29 =	vld [tilespmem:s11+$0x95E0]  }
0xa9: {  	v30 =	vld [tilespmem:s11+$0x7D70]  }
0xaa: {  	v31 =	vld [tilespmem:s11+$0x95F0];
	s11 =	simm.s32 $0x0  }
0xab: {  	v5 =	vld.idx.msk [tilespmem:v2+s11+$0x6600 ss:$0x1], $0xffff  }
0xac: {  	v7 =	vld.idx.msk [tilespmem:v2+s11+$0x6610 ss:$0x1], $0xffff  }
0xad: {  	v8 =	vld.idx.msk [tilespmem:v2+s11+$0x6620 ss:$0x1], $0xffff  }
0xae: {  	v9 =	vld.idx.msk [tilespmem:v2+s11+$0x6630 ss:$0x1], $0xffff  }
0xaf: {  	v3 =	vld.idx.msk [tilespmem:v2+s11+$0x6640 ss:$0x1], $0xffff  }
0xb0: {  	v1 =	vld.idx.msk [tilespmem:v2+s11+$0x6650 ss:$0x1], $0xffff  }
0xb1: {  	v15 =	vld.idx.msk [tilespmem:v2+s11+$0x6580 ss:$0x1], $0xffff  }
0xb2: {  	v17 =	vld.idx.msk [tilespmem:v2+s11+$0x6590 ss:$0x1], $0xffff  }
0xb3: {  	v14 =	vld.idx.msk [tilespmem:v2+s11+$0x65A0 ss:$0x1], $0xffff  }
0xb4: {  	v16 =	vld.idx.msk [tilespmem:v2+s11+$0x65B0 ss:$0x1], $0xffff  }
0xb5: {  	v6 =	vld.idx.msk [tilespmem:v2+s11+$0x65C0 ss:$0x1], $0xffff  }
0xb6: {  	v4 =	vld.idx.msk [tilespmem:v2+s11+$0x65D0 ss:$0x1], $0xffff  }
0xb7: {  	v32 =	vld.idx.msk [tilespmem:v2+s11+$0x6500 ss:$0x1], $0xffff  }
0xb8: {  	v33 =	vld.idx.msk [tilespmem:v2+s11+$0x6510 ss:$0x1], $0xffff  }
0xb9: {  	v34 =	vld.idx.msk [tilespmem:v2+s11+$0x6480 ss:$0x1], $0xffff  }
0xba: {  	v35 =	vld.idx.msk [tilespmem:v2+s11+$0x6490 ss:$0x1], $0xffff  }
0xbb: {  	v36 =	vld.idx.msk [tilespmem:v2+s11+$0x64A0 ss:$0x1], $0xffff  }
0xbc: {  	v37 =	vld.idx.msk [tilespmem:v2+s11+$0x64B0 ss:$0x1], $0xffff  }
0xbd: {  	v23 =	vld.idx.msk [tilespmem:v2+s11+$0x6520 ss:$0x1], $0xffff;
	v38 =	vadd.f32 v11, v10;
	v39 =	vadd.f32 v13, v12  }
0xbe: {  	v24 =	vld.idx.msk [tilespmem:v2+s11+$0x6530 ss:$0x1], $0xffff;
	v40 =	vadd.f32 v19, v18;
	v21 =	vadd.f32 v21, v20  }
0xbf: {  	v13 =	vadd.f32 v25, v22;
	v11 =	vadd.f32 v27, v26;
	v18 =	vld.idx.msk [tilespmem:v2+s11+$0x6540 ss:$0x1], $0xffff  }
0xc0: {  	v12 =	vadd.f32 v29, v28;
	v10 =	vadd.f32 v31, v30;
	v19 =	vld.idx.msk [tilespmem:v2+s11+$0x6550 ss:$0x1], $0xffff  }
0xc1: {  	v20 =	vld.idx.msk [tilespmem:v2+s11+$0x64C0 ss:$0x1], $0xffff;
	v27 =	vadd.f32 v34, v38;
	v28 =	vadd.f32 v35, v39  }
0xc2: {  	v22 =	vld.idx.msk [tilespmem:v2+s11+$0x64D0 ss:$0x1], $0xffff;
	v25 =	vadd.f32 v36, v40;
	v26 =	vadd.f32 v37, v21  }
0xc3: {  	s12 =	simm.s32 $0x800;
	v21 =	vld.idx.msk [tilespmem:v2+s11+$0x64E0 ss:$0x1], $0xffff;
	v27 =	vadd.f32 v32, v27;
	v28 =	vadd.f32 v33, v28  }
.LBB2_8:
0xc4: {  	p1 =	sne.s32 s12, $0x5800;
	v29 =	vld.idx.msk [tilespmem:v2+s11+$0x64F0 ss:$0x1], $0xffff;
	v23 =	vadd.f32 v23, v25;
	v24 =	vadd.f32 v24, v26  }
0xc5: {  	v25 =	vld.idx.msk [tilespmem:v2+s11+$0x6560 ss:$0x1], $0xffff;
	v15 =	vadd.f32 v15, v27;
	v17 =	vadd.f32 v17, v28  }
0xc6: {  	v26 =	vld.idx.msk [tilespmem:v2+s11+$0x6570 ss:$0x1], $0xffff;
	v14 =	vadd.f32 v14, v23;
	v16 =	vadd.f32 v16, v24  }
0xc7: {  	v23 =	vld.idx.msk [tilespmem:v2+s11+$0x65E0 ss:$0x1], $0xffff;
	v27 =	vadd.f32 v5, v15;
	v28 =	vadd.f32 v7, v17  }
0xc8: {  	v15 =	vld.idx.msk [tilespmem:v2+s11+$0x65F0 ss:$0x1], $0xffff;
	v30 =	vadd.f32 v8, v14;
	v31 =	vadd.f32 v9, v16  }
0xc9: {  	v7 =	vadd.f32 v20, v13;
	v8 =	vadd.f32 v22, v11;
	v14 =	vld.idx.msk [tilespmem:v2+s11+$0x6660 ss:$0x1], $0xffff  }
0xca: {  	v9 =	vadd.f32 v21, v12;
	v10 =	vadd.f32 v29, v10;
	v16 =	vld.idx.msk [tilespmem:v2+s11+$0x6670 ss:$0x1], $0xffff;
	s11 =	sshra.s32 s12, $0x2  }
0xcb: {  	v11 =	vadd.f32 v18, v7;
	v12 =	vadd.f32 v19, v8;
	v5 =	vld.idx.msk [tilespmem:v2+s11+$0x6600 ss:$0x1], $0xffff  }
0xcc: {  	v13 =	vadd.f32 v25, v9;
	v10 =	vadd.f32 v26, v10;
	v7 =	vld.idx.msk [tilespmem:v2+s11+$0x6610 ss:$0x1], $0xffff  }
0xcd: {  	v6 =	vadd.f32 v6, v11;
	v4 =	vadd.f32 v4, v12;
	v8 =	vld.idx.msk [tilespmem:v2+s11+$0x6620 ss:$0x1], $0xffff  }
0xce: {  	v12 =	vadd.f32 v23, v13;
	v10 =	vadd.f32 v15, v10;
	v9 =	vld.idx.msk [tilespmem:v2+s11+$0x6630 ss:$0x1], $0xffff  }
0xcf: {  	v13 =	vadd.f32 v3, v6;
	v11 =	vadd.f32 v1, v4;
	v3 =	vld.idx.msk [tilespmem:v2+s11+$0x6640 ss:$0x1], $0xffff  }
0xd0: {  	v12 =	vadd.f32 v14, v12;
	v10 =	vadd.f32 v16, v10;
	v1 =	vld.idx.msk [tilespmem:v2+s11+$0x6650 ss:$0x1], $0xffff  }
0xd1: {  	v15 =	vld.idx.msk [tilespmem:v2+s11+$0x6580 ss:$0x1], $0xffff  }
0xd2: {  	v17 =	vld.idx.msk [tilespmem:v2+s11+$0x6590 ss:$0x1], $0xffff  }
0xd3: {  	v14 =	vld.idx.msk [tilespmem:v2+s11+$0x65A0 ss:$0x1], $0xffff  }
0xd4: {  	v16 =	vld.idx.msk [tilespmem:v2+s11+$0x65B0 ss:$0x1], $0xffff  }
0xd5: {  	v6 =	vld.idx.msk [tilespmem:v2+s11+$0x65C0 ss:$0x1], $0xffff  }
0xd6: {  	v4 =	vld.idx.msk [tilespmem:v2+s11+$0x65D0 ss:$0x1], $0xffff  }
0xd7: {  	v29 =	vld.idx.msk [tilespmem:v2+s11+$0x6500 ss:$0x1], $0xffff  }
0xd8: {  	v32 =	vld.idx.msk [tilespmem:v2+s11+$0x6510 ss:$0x1], $0xffff  }
0xd9: {  	v20 =	vld.idx.msk [tilespmem:v2+s11+$0x6480 ss:$0x1], $0xffff  }
0xda: {  	v21 =	vld.idx.msk [tilespmem:v2+s11+$0x6490 ss:$0x1], $0xffff  }
0xdb: {  	v22 =	vld.idx.msk [tilespmem:v2+s11+$0x64A0 ss:$0x1], $0xffff  }
0xdc: {  	v26 =	vld.idx.msk [tilespmem:v2+s11+$0x64B0 ss:$0x1], $0xffff  }
0xdd: {  	v23 =	vld.idx.msk [tilespmem:v2+s11+$0x6520 ss:$0x1], $0xffff  }
0xde: {  	v24 =	vld.idx.msk [tilespmem:v2+s11+$0x6530 ss:$0x1], $0xffff  }
.Ltmp4:
0xdf: {  	v18 =	vld.idx.msk [tilespmem:v2+s11+$0x6540 ss:$0x1], $0xffff;
	(pc) =	sbr.rel @p1 .LBB2_8-.Ltmp4, $4  }
0xe0: {  	v19 =	vld.idx.msk [tilespmem:v2+s11+$0x6550 ss:$0x1], $0xffff  }
0xe1: {  	v27 =	vadd.f32 v20, v27;
	v28 =	vadd.f32 v21, v28;
	v20 =	vld.idx.msk [tilespmem:v2+s11+$0x64C0 ss:$0x1], $0xffff  }
0xe2: {  	v25 =	vadd.f32 v22, v30;
	v26 =	vadd.f32 v26, v31;
	v22 =	vld.idx.msk [tilespmem:v2+s11+$0x64D0 ss:$0x1], $0xffff  }
0xe3: {  	s12 =	sadd.s32 $0x800, s12;
	v27 =	vadd.f32 v29, v27;
	v28 =	vadd.f32 v32, v28;
	v21 =	vld.idx.msk [tilespmem:v2+s11+$0x64E0 ss:$0x1], $0xffff  }
0xe4: {  	_ =	sdelay $0x1  }
0xe5: {  	v23 =	vadd.f32 v23, v25;
	v24 =	vadd.f32 v24, v26  }
0xe6: {  	v15 =	vadd.f32 v15, v27;
	v17 =	vadd.f32 v17, v28  }
0xe7: {  	v55 =	vld.idx.msk [tilespmem:v2+s11+$0x64F0 ss:$0x1], $0xffff;
	v14 =	vadd.f32 v14, v23;
	v16 =	vadd.f32 v16, v24  }
0xe8: {  	v56 =	vld.idx.msk [tilespmem:v2+s11+$0x6560 ss:$0x1], $0xffff;
	v13 =	vadd.f32 v20, v13;
	v5 =	vadd.f32 v5, v15  }
0xe9: {  	v57 =	vld.idx.msk [tilespmem:v2+s11+$0x6570 ss:$0x1], $0xffff;
	v7 =	vadd.f32 v7, v17;
	v11 =	vadd.f32 v22, v11  }
0xea: {  	v58 =	vld.idx.msk [tilespmem:v2+s11+$0x65E0 ss:$0x1], $0xffff;
	v8 =	vadd.f32 v8, v14;
	v9 =	vadd.f32 v9, v16  }
0xeb: {  	v59 =	vld.idx.msk [tilespmem:v2+s11+$0x65F0 ss:$0x1], $0xffff;
	s12 =	sshll.u32 s0, $0x7;
	v12 =	vadd.f32 v21, v12;
	v13 =	vadd.f32 v18, v13  }
0xec: {  	v60 =	vld.idx.msk [tilespmem:v2+s11+$0x6660 ss:$0x1], $0xffff;
	s12 =	sand.u32 $0x3FFFFF80, s12;
	v10 =	vadd.f32 v55, v10;
	v11 =	vadd.f32 v19, v11  }
0xed: {  	v2 =	vld.idx.msk [tilespmem:v2+s11+$0x6670 ss:$0x1], $0xffff;
	[tilespmem:v0+s12+$0x200 ss:$0x1] =	vst.idx.msk $0xffff, v5;
	v12 =	vadd.f32 v56, v12;
	v6 =	vadd.f32 v6, v13  }
0xee: {  	s0 =	sadd.s32 $0x1, s0;
	[tilespmem:v0+s12+$0x210 ss:$0x1] =	vst.idx.msk $0xffff, v7;
	v61 =	vadd.f32 v57, v10;
	v4 =	vadd.f32 v4, v11  }
0xef: {  	p1 =	sne.s32 s0, $0x4;
	[tilespmem:v0+s12+$0x220 ss:$0x1] =	vst.idx.msk $0xffff, v8;
	v62 =	vadd.f32 v58, v12;
	v3 =	vadd.f32 v3, v6  }
.Ltmp5:
0xf0: {  	[tilespmem:v0+s12+$0x230 ss:$0x1] =	vst.idx.msk $0xffff, v9;
	v5 =	vadd.f32 v59, v61;
	v1 =	vadd.f32 v1, v4;
	(pc) =	sbr.rel @p1 .LBB2_7-.Ltmp5, $4  }
0xf1: {  	v63 =	vadd.f32 v60, v62;
	[tilespmem:v0+s12+$0x240 ss:$0x1] =	vst.idx.msk $0xffff, v3  }
0xf2: {  	v2 =	vadd.f32 v2, v5;
	[tilespmem:v0+s12+$0x250 ss:$0x1] =	vst.idx.msk $0xffff, v1  }
0xf3: {  	[tilespmem:v0+s12+$0x260 ss:$0x1] =	vst.idx.msk $0xffff, v63  }
0xf4: {  	s9 =	sadd.s32 $0x1900, s9;
	[tilespmem:v0+s12+$0x270 ss:$0x1] =	vst.idx.msk $0xffff, v2  }
0xf5: {  	s0 =	sadd.s32 @!p0 $0x3E8, s2;
	s9 =	simm.s32 @!p0 $0x68;
	s11 =	simm.s32 @!p0 $0x7D00  }
0xf6: {  	[tilespmem:s11], [sflag:$0x2] =	stream.indirect.gather @!p0 [hbm4b:s1+s9], $0x80, s0, s9, $0xb8;
	[tilespmem:$0x1E900] =	vst v63  }
0xf7: {  	s0 =	sadd.s32 @!p0 $0x450, s2;
	s9 =	simm.s32 @!p0 $0x60;
	s11 =	simm.s32 @!p0 $0xB100  }
0xf8: {  	[tilespmem:s11], [sflag:$0x2] =	stream.indirect.gather @!p0 [hbm4b:s1+s9], $0x80, s0, s9, $0xb8;
	[tilespmem:$0x1E900] =	vst v63  }
0xf9: {  	_ =	swait.ge [sflag:s26], $0x3400  }
0xfa: {  	[sflag:s26] =	ssyncset.done $0x0  }
0xfb: {  	[sflag:s26] =	ssyncadd.s32 $0xFFFFCC00  }
0xfc: {  	_ =	swait.ge [sflag:s26], $0x3000  }
0xfd: {  	[sflag:s26] =	ssyncset.done $0x0  }
0xfe: {  	s0 =	simm.s32 $0x0;
	s9 =	simm.s32 $0x1900;
	[sflag:s26] =	ssyncadd.s32 $0xFFFFD000  }
.LBB2_11:
0xff: {  	s11 =	smul.u32 $0x6400, s0;
	_ =	sdelay $0x1  }
0x100: {  	s11 =	sshra.s32 s11, $0x2  }
0x101: {  	v10 =	vld [tilespmem:s11+$0xE100]  }
0x102: {  	v11 =	vld [tilespmem:s11+$0xF980]  }
0x103: {  	v12 =	vld [tilespmem:s11+$0xE110]  }
0x104: {  	v13 =	vld [tilespmem:s11+$0xF990]  }
0x105: {  	v18 =	vld [tilespmem:s11+$0xE120]  }
0x106: {  	v19 =	vld [tilespmem:s11+$0xF9A0]  }
0x107: {  	v20 =	vld [tilespmem:s11+$0xE130]  }
0x108: {  	v21 =	vld [tilespmem:s11+$0xF9B0]  }
0x109: {  	v22 =	vld [tilespmem:s11+$0xE140]  }
0x10a: {  	v25 =	vld [tilespmem:s11+$0xF9C0]  }
0x10b: {  	v26 =	vld [tilespmem:s11+$0xE150]  }
0x10c: {  	v2 =	vmov s9;
	v27 =	vld [tilespmem:s11+$0xF9D0]  }
0x10d: {  	v28 =	vld [tilespmem:s11+$0xE160]  }
0x10e: {  	v29 =	vld [tilespmem:s11+$0xF9E0]  }
0x10f: {  	v30 =	vld [tilespmem:s11+$0xE170]  }
0x110: {  	v31 =	vld [tilespmem:s11+$0xF9F0];
	s11 =	simm.s32 $0x0  }
0x111: {  	v5 =	vld.idx.msk [tilespmem:v2+s11+$0xCA00 ss:$0x1], $0xffff  }
0x112: {  	v7 =	vld.idx.msk [tilespmem:v2+s11+$0xCA10 ss:$0x1], $0xffff  }
0x113: {  	v8 =	vld.idx.msk [tilespmem:v2+s11+$0xCA20 ss:$0x1], $0xffff  }
0x114: {  	v9 =	vld.idx.msk [tilespmem:v2+s11+$0xCA30 ss:$0x1], $0xffff  }
0x115: {  	v3 =	vld.idx.msk [tilespmem:v2+s11+$0xCA40 ss:$0x1], $0xffff  }
0x116: {  	v1 =	vld.idx.msk [tilespmem:v2+s11+$0xCA50 ss:$0x1], $0xffff  }
0x117: {  	v15 =	vld.idx.msk [tilespmem:v2+s11+$0xC980 ss:$0x1], $0xffff  }
0x118: {  	v17 =	vld.idx.msk [tilespmem:v2+s11+$0xC990 ss:$0x1], $0xffff  }
0x119: {  	v14 =	vld.idx.msk [tilespmem:v2+s11+$0xC9A0 ss:$0x1], $0xffff  }
0x11a: {  	v16 =	vld.idx.msk [tilespmem:v2+s11+$0xC9B0 ss:$0x1], $0xffff  }
0x11b: {  	v6 =	vld.idx.msk [tilespmem:v2+s11+$0xC9C0 ss:$0x1], $0xffff  }
0x11c: {  	v4 =	vld.idx.msk [tilespmem:v2+s11+$0xC9D0 ss:$0x1], $0xffff  }
0x11d: {  	v32 =	vld.idx.msk [tilespmem:v2+s11+$0xC900 ss:$0x1], $0xffff  }
0x11e: {  	v33 =	vld.idx.msk [tilespmem:v2+s11+$0xC910 ss:$0x1], $0xffff  }
0x11f: {  	v34 =	vld.idx.msk [tilespmem:v2+s11+$0xC880 ss:$0x1], $0xffff  }
0x120: {  	v35 =	vld.idx.msk [tilespmem:v2+s11+$0xC890 ss:$0x1], $0xffff  }
0x121: {  	v36 =	vld.idx.msk [tilespmem:v2+s11+$0xC8A0 ss:$0x1], $0xffff  }
0x122: {  	v37 =	vld.idx.msk [tilespmem:v2+s11+$0xC8B0 ss:$0x1], $0xffff  }
0x123: {  	v23 =	vld.idx.msk [tilespmem:v2+s11+$0xC920 ss:$0x1], $0xffff;
	v38 =	vadd.f32 v11, v10;
	v39 =	vadd.f32 v13, v12  }
0x124: {  	v24 =	vld.idx.msk [tilespmem:v2+s11+$0xC930 ss:$0x1], $0xffff;
	v40 =	vadd.f32 v19, v18;
	v21 =	vadd.f32 v21, v20  }
0x125: {  	v13 =	vadd.f32 v25, v22;
	v11 =	vadd.f32 v27, v26;
	v18 =	vld.idx.msk [tilespmem:v2+s11+$0xC940 ss:$0x1], $0xffff  }
0x126: {  	v12 =	vadd.f32 v29, v28;
	v10 =	vadd.f32 v31, v30;
	v19 =	vld.idx.msk [tilespmem:v2+s11+$0xC950 ss:$0x1], $0xffff  }
0x127: {  	v20 =	vld.idx.msk [tilespmem:v2+s11+$0xC8C0 ss:$0x1], $0xffff;
	v27 =	vadd.f32 v34, v38;
	v28 =	vadd.f32 v35, v39  }
0x128: {  	v22 =	vld.idx.msk [tilespmem:v2+s11+$0xC8D0 ss:$0x1], $0xffff;
	v25 =	vadd.f32 v36, v40;
	v26 =	vadd.f32 v37, v21  }
0x129: {  	s12 =	simm.s32 $0x800;
	v21 =	vld.idx.msk [tilespmem:v2+s11+$0xC8E0 ss:$0x1], $0xffff;
	v27 =	vadd.f32 v32, v27;
	v28 =	vadd.f32 v33, v28  }
.LBB2_12:
0x12a: {  	p1 =	sne.s32 s12, $0x5800;
	v29 =	vld.idx.msk [tilespmem:v2+s11+$0xC8F0 ss:$0x1], $0xffff;
	v23 =	vadd.f32 v23, v25;
	v24 =	vadd.f32 v24, v26  }
0x12b: {  	v25 =	vld.idx.msk [tilespmem:v2+s11+$0xC960 ss:$0x1], $0xffff;
	v15 =	vadd.f32 v15, v27;
	v17 =	vadd.f32 v17, v28  }
0x12c: {  	v26 =	vld.idx.msk [tilespmem:v2+s11+$0xC970 ss:$0x1], $0xffff;
	v14 =	vadd.f32 v14, v23;
	v16 =	vadd.f32 v16, v24  }
0x12d: {  	v23 =	vld.idx.msk [tilespmem:v2+s11+$0xC9E0 ss:$0x1], $0xffff;
	v27 =	vadd.f32 v5, v15;
	v28 =	vadd.f32 v7, v17  }
0x12e: {  	v15 =	vld.idx.msk [tilespmem:v2+s11+$0xC9F0 ss:$0x1], $0xffff;
	v30 =	vadd.f32 v8, v14;
	v31 =	vadd.f32 v9, v16  }
0x12f: {  	v7 =	vadd.f32 v20, v13;
	v8 =	vadd.f32 v22, v11;
	v14 =	vld.idx.msk [tilespmem:v2+s11+$0xCA60 ss:$0x1], $0xffff  }
0x130: {  	v9 =	vadd.f32 v21, v12;
	v10 =	vadd.f32 v29, v10;
	v16 =	vld.idx.msk [tilespmem:v2+s11+$0xCA70 ss:$0x1], $0xffff;
	s11 =	sshra.s32 s12, $0x2  }
0x131: {  	v11 =	vadd.f32 v18, v7;
	v12 =	vadd.f32 v19, v8;
	v5 =	vld.idx.msk [tilespmem:v2+s11+$0xCA00 ss:$0x1], $0xffff  }
0x132: {  	v13 =	vadd.f32 v25, v9;
	v10 =	vadd.f32 v26, v10;
	v7 =	vld.idx.msk [tilespmem:v2+s11+$0xCA10 ss:$0x1], $0xffff  }
0x133: {  	v6 =	vadd.f32 v6, v11;
	v4 =	vadd.f32 v4, v12;
	v8 =	vld.idx.msk [tilespmem:v2+s11+$0xCA20 ss:$0x1], $0xffff  }
0x134: {  	v12 =	vadd.f32 v23, v13;
	v10 =	vadd.f32 v15, v10;
	v9 =	vld.idx.msk [tilespmem:v2+s11+$0xCA30 ss:$0x1], $0xffff  }
0x135: {  	v13 =	vadd.f32 v3, v6;
	v11 =	vadd.f32 v1, v4;
	v3 =	vld.idx.msk [tilespmem:v2+s11+$0xCA40 ss:$0x1], $0xffff  }
0x136: {  	v12 =	vadd.f32 v14, v12;
	v10 =	vadd.f32 v16, v10;
	v1 =	vld.idx.msk [tilespmem:v2+s11+$0xCA50 ss:$0x1], $0xffff  }
0x137: {  	v15 =	vld.idx.msk [tilespmem:v2+s11+$0xC980 ss:$0x1], $0xffff  }
0x138: {  	v17 =	vld.idx.msk [tilespmem:v2+s11+$0xC990 ss:$0x1], $0xffff  }
0x139: {  	v14 =	vld.idx.msk [tilespmem:v2+s11+$0xC9A0 ss:$0x1], $0xffff  }
0x13a: {  	v16 =	vld.idx.msk [tilespmem:v2+s11+$0xC9B0 ss:$0x1], $0xffff  }
0x13b: {  	v6 =	vld.idx.msk [tilespmem:v2+s11+$0xC9C0 ss:$0x1], $0xffff  }
0x13c: {  	v4 =	vld.idx.msk [tilespmem:v2+s11+$0xC9D0 ss:$0x1], $0xffff  }
0x13d: {  	v29 =	vld.idx.msk [tilespmem:v2+s11+$0xC900 ss:$0x1], $0xffff  }
0x13e: {  	v32 =	vld.idx.msk [tilespmem:v2+s11+$0xC910 ss:$0x1], $0xffff  }
0x13f: {  	v20 =	vld.idx.msk [tilespmem:v2+s11+$0xC880 ss:$0x1], $0xffff  }
0x140: {  	v21 =	vld.idx.msk [tilespmem:v2+s11+$0xC890 ss:$0x1], $0xffff  }
0x141: {  	v22 =	vld.idx.msk [tilespmem:v2+s11+$0xC8A0 ss:$0x1], $0xffff  }
0x142: {  	v26 =	vld.idx.msk [tilespmem:v2+s11+$0xC8B0 ss:$0x1], $0xffff  }
0x143: {  	v23 =	vld.idx.msk [tilespmem:v2+s11+$0xC920 ss:$0x1], $0xffff  }
0x144: {  	v24 =	vld.idx.msk [tilespmem:v2+s11+$0xC930 ss:$0x1], $0xffff  }
.Ltmp6:
0x145: {  	v18 =	vld.idx.msk [tilespmem:v2+s11+$0xC940 ss:$0x1], $0xffff;
	(pc) =	sbr.rel @p1 .LBB2_12-.Ltmp6, $4  }
0x146: {  	v19 =	vld.idx.msk [tilespmem:v2+s11+$0xC950 ss:$0x1], $0xffff  }
0x147: {  	v27 =	vadd.f32 v20, v27;
	v28 =	vadd.f32 v21, v28;
	v20 =	vld.idx.msk [tilespmem:v2+s11+$0xC8C0 ss:$0x1], $0xffff  }
0x148: {  	v25 =	vadd.f32 v22, v30;
	v26 =	vadd.f32 v26, v31;
	v22 =	vld.idx.msk [tilespmem:v2+s11+$0xC8D0 ss:$0x1], $0xffff  }
0x149: {  	s12 =	sadd.s32 $0x800, s12;
	v27 =	vadd.f32 v29, v27;
	v28 =	vadd.f32 v32, v28;
	v21 =	vld.idx.msk [tilespmem:v2+s11+$0xC8E0 ss:$0x1], $0xffff  }
0x14a: {  	_ =	sdelay $0x1  }
0x14b: {  	v23 =	vadd.f32 v23, v25;
	v24 =	vadd.f32 v24, v26  }
0x14c: {  	v15 =	vadd.f32 v15, v27;
	v17 =	vadd.f32 v17, v28  }
0x14d: {  	v55 =	vld.idx.msk [tilespmem:v2+s11+$0xC8F0 ss:$0x1], $0xffff;
	v14 =	vadd.f32 v14, v23;
	v16 =	vadd.f32 v16, v24  }
0x14e: {  	v56 =	vld.idx.msk [tilespmem:v2+s11+$0xC960 ss:$0x1], $0xffff;
	v13 =	vadd.f32 v20, v13;
	v5 =	vadd.f32 v5, v15  }
0x14f: {  	v57 =	vld.idx.msk [tilespmem:v2+s11+$0xC970 ss:$0x1], $0xffff;
	v7 =	vadd.f32 v7, v17;
	v11 =	vadd.f32 v22, v11  }
0x150: {  	v58 =	vld.idx.msk [tilespmem:v2+s11+$0xC9E0 ss:$0x1], $0xffff;
	v8 =	vadd.f32 v8, v14;
	v9 =	vadd.f32 v9, v16  }
0x151: {  	v59 =	vld.idx.msk [tilespmem:v2+s11+$0xC9F0 ss:$0x1], $0xffff;
	s12 =	sshll.u32 s0, $0x7;
	v12 =	vadd.f32 v21, v12;
	v13 =	vadd.f32 v18, v13  }
0x152: {  	v60 =	vld.idx.msk [tilespmem:v2+s11+$0xCA60 ss:$0x1], $0xffff;
	s12 =	sand.u32 $0x3FFFFF80, s12;
	v10 =	vadd.f32 v55, v10;
	v11 =	vadd.f32 v19, v11  }
0x153: {  	v2 =	vld.idx.msk [tilespmem:v2+s11+$0xCA70 ss:$0x1], $0xffff;
	[tilespmem:v0+s12+$0x400 ss:$0x1] =	vst.idx.msk $0xffff, v5;
	v12 =	vadd.f32 v56, v12;
	v6 =	vadd.f32 v6, v13  }
0x154: {  	s0 =	sadd.s32 $0x1, s0;
	[tilespmem:v0+s12+$0x410 ss:$0x1] =	vst.idx.msk $0xffff, v7;
	v61 =	vadd.f32 v57, v10;
	v4 =	vadd.f32 v4, v11  }
0x155: {  	p1 =	sne.s32 s0, $0x4;
	[tilespmem:v0+s12+$0x420 ss:$0x1] =	vst.idx.msk $0xffff, v8;
	v62 =	vadd.f32 v58, v12;
	v3 =	vadd.f32 v3, v6  }
.Ltmp7:
0x156: {  	[tilespmem:v0+s12+$0x430 ss:$0x1] =	vst.idx.msk $0xffff, v9;
	v5 =	vadd.f32 v59, v61;
	v1 =	vadd.f32 v1, v4;
	(pc) =	sbr.rel @p1 .LBB2_11-.Ltmp7, $4  }
0x157: {  	v63 =	vadd.f32 v60, v62;
	[tilespmem:v0+s12+$0x440 ss:$0x1] =	vst.idx.msk $0xffff, v3  }
0x158: {  	v2 =	vadd.f32 v2, v5;
	[tilespmem:v0+s12+$0x450 ss:$0x1] =	vst.idx.msk $0xffff, v1  }
0x159: {  	[tilespmem:v0+s12+$0x460 ss:$0x1] =	vst.idx.msk $0xffff, v63  }
0x15a: {  	s9 =	sadd.s32 $0x1900, s9;
	[tilespmem:v0+s12+$0x470 ss:$0x1] =	vst.idx.msk $0xffff, v2  }
0x15b: {  	s0 =	sadd.s32 @!p0 $0x4B0, s2;
	s9 =	simm.s32 @!p0 $0x68;
	s11 =	simm.s32 @!p0 $0xE100  }
0x15c: {  	[tilespmem:s11], [sflag:$0x3] =	stream.indirect.gather @!p0 [hbm4b:s1+s9], $0x80, s0, s9, $0xb8;
	[tilespmem:$0x1E900] =	vst v63  }
0x15d: {  	s0 =	sadd.s32 @!p0 $0x518, s2;
	s2 =	simm.s32 @!p0 $0x60;
	s9 =	simm.s32 @!p0 $0x11500  }
0x15e: {  	[tilespmem:s9], [sflag:$0x3] =	stream.indirect.gather @!p0 [hbm4b:s1+s2], $0x80, s0, s2, $0xb8;
	[tilespmem:$0x1E900] =	vst v63  }
0x15f: {  	_ =	swait.ge [sflag:s28], $0x3400  }
0x160: {  	[sflag:s28] =	ssyncset.done $0x0  }
0x161: {  	[sflag:s28] =	ssyncadd.s32 $0xFFFFCC00  }
0x162: {  	_ =	swait.ge [sflag:s28], $0x3000  }
0x163: {  	[sflag:s28] =	ssyncset.done $0x0  }
0x164: {  	s0 =	simm.s32 $0x0;
	s2 =	simm.s32 $0x1900;
	[sflag:s28] =	ssyncadd.s32 $0xFFFFD000  }
.LBB2_15:
0x165: {  	s9 =	smul.u32 $0x6400, s0;
	_ =	sdelay $0x1  }
0x166: {  	s9 =	sshra.s32 s9, $0x2  }
0x167: {  	v10 =	vld [tilespmem:s9+$0x14500]  }
0x168: {  	v11 =	vld [tilespmem:s9+$0x15D80]  }
0x169: {  	v12 =	vld [tilespmem:s9+$0x14510]  }
0x16a: {  	v13 =	vld [tilespmem:s9+$0x15D90]  }
0x16b: {  	v18 =	vld [tilespmem:s9+$0x14520]  }
0x16c: {  	v19 =	vld [tilespmem:s9+$0x15DA0]  }
0x16d: {  	v20 =	vld [tilespmem:s9+$0x14530]  }
0x16e: {  	v21 =	vld [tilespmem:s9+$0x15DB0]  }
0x16f: {  	v22 =	vld [tilespmem:s9+$0x14540]  }
0x170: {  	v25 =	vld [tilespmem:s9+$0x15DC0]  }
0x171: {  	v26 =	vld [tilespmem:s9+$0x14550]  }
0x172: {  	v2 =	vmov s2;
	v27 =	vld [tilespmem:s9+$0x15DD0]  }
0x173: {  	v28 =	vld [tilespmem:s9+$0x14560]  }
0x174: {  	v29 =	vld [tilespmem:s9+$0x15DE0]  }
0x175: {  	v30 =	vld [tilespmem:s9+$0x14570]  }
0x176: {  	v31 =	vld [tilespmem:s9+$0x15DF0];
	s9 =	simm.s32 $0x0  }
0x177: {  	v5 =	vld.idx.msk [tilespmem:v2+s9+$0x12E00 ss:$0x1], $0xffff  }
0x178: {  	v7 =	vld.idx.msk [tilespmem:v2+s9+$0x12E10 ss:$0x1], $0xffff  }
0x179: {  	v8 =	vld.idx.msk [tilespmem:v2+s9+$0x12E20 ss:$0x1], $0xffff  }
0x17a: {  	v9 =	vld.idx.msk [tilespmem:v2+s9+$0x12E30 ss:$0x1], $0xffff  }
0x17b: {  	v3 =	vld.idx.msk [tilespmem:v2+s9+$0x12E40 ss:$0x1], $0xffff  }
0x17c: {  	v1 =	vld.idx.msk [tilespmem:v2+s9+$0x12E50 ss:$0x1], $0xffff  }
0x17d: {  	v15 =	vld.idx.msk [tilespmem:v2+s9+$0x12D80 ss:$0x1], $0xffff  }
0x17e: {  	v17 =	vld.idx.msk [tilespmem:v2+s9+$0x12D90 ss:$0x1], $0xffff  }
0x17f: {  	v14 =	vld.idx.msk [tilespmem:v2+s9+$0x12DA0 ss:$0x1], $0xffff  }
0x180: {  	v16 =	vld.idx.msk [tilespmem:v2+s9+$0x12DB0 ss:$0x1], $0xffff  }
0x181: {  	v6 =	vld.idx.msk [tilespmem:v2+s9+$0x12DC0 ss:$0x1], $0xffff  }
0x182: {  	v4 =	vld.idx.msk [tilespmem:v2+s9+$0x12DD0 ss:$0x1], $0xffff  }
0x183: {  	v32 =	vld.idx.msk [tilespmem:v2+s9+$0x12D00 ss:$0x1], $0xffff  }
0x184: {  	v33 =	vld.idx.msk [tilespmem:v2+s9+$0x12D10 ss:$0x1], $0xffff  }
0x185: {  	v34 =	vld.idx.msk [tilespmem:v2+s9+$0x12C80 ss:$0x1], $0xffff  }
0x186: {  	v35 =	vld.idx.msk [tilespmem:v2+s9+$0x12C90 ss:$0x1], $0xffff  }
0x187: {  	v36 =	vld.idx.msk [tilespmem:v2+s9+$0x12CA0 ss:$0x1], $0xffff  }
0x188: {  	v37 =	vld.idx.msk [tilespmem:v2+s9+$0x12CB0 ss:$0x1], $0xffff  }
0x189: {  	v23 =	vld.idx.msk [tilespmem:v2+s9+$0x12D20 ss:$0x1], $0xffff;
	v38 =	vadd.f32 v11, v10;
	v39 =	vadd.f32 v13, v12  }
0x18a: {  	v24 =	vld.idx.msk [tilespmem:v2+s9+$0x12D30 ss:$0x1], $0xffff;
	v40 =	vadd.f32 v19, v18;
	v21 =	vadd.f32 v21, v20  }
0x18b: {  	v13 =	vadd.f32 v25, v22;
	v11 =	vadd.f32 v27, v26;
	v18 =	vld.idx.msk [tilespmem:v2+s9+$0x12D40 ss:$0x1], $0xffff  }
0x18c: {  	v12 =	vadd.f32 v29, v28;
	v10 =	vadd.f32 v31, v30;
	v19 =	vld.idx.msk [tilespmem:v2+s9+$0x12D50 ss:$0x1], $0xffff  }
0x18d: {  	v20 =	vld.idx.msk [tilespmem:v2+s9+$0x12CC0 ss:$0x1], $0xffff;
	v27 =	vadd.f32 v34, v38;
	v28 =	vadd.f32 v35, v39  }
0x18e: {  	v22 =	vld.idx.msk [tilespmem:v2+s9+$0x12CD0 ss:$0x1], $0xffff;
	v25 =	vadd.f32 v36, v40;
	v26 =	vadd.f32 v37, v21  }
0x18f: {  	s11 =	simm.s32 $0x800;
	v21 =	vld.idx.msk [tilespmem:v2+s9+$0x12CE0 ss:$0x1], $0xffff;
	v27 =	vadd.f32 v32, v27;
	v28 =	vadd.f32 v33, v28  }
.LBB2_16:
0x190: {  	p1 =	sne.s32 s11, $0x5800;
	v29 =	vld.idx.msk [tilespmem:v2+s9+$0x12CF0 ss:$0x1], $0xffff;
	v23 =	vadd.f32 v23, v25;
	v24 =	vadd.f32 v24, v26  }
0x191: {  	v25 =	vld.idx.msk [tilespmem:v2+s9+$0x12D60 ss:$0x1], $0xffff;
	v15 =	vadd.f32 v15, v27;
	v17 =	vadd.f32 v17, v28  }
0x192: {  	v26 =	vld.idx.msk [tilespmem:v2+s9+$0x12D70 ss:$0x1], $0xffff;
	v14 =	vadd.f32 v14, v23;
	v16 =	vadd.f32 v16, v24  }
0x193: {  	v23 =	vld.idx.msk [tilespmem:v2+s9+$0x12DE0 ss:$0x1], $0xffff;
	v27 =	vadd.f32 v5, v15;
	v28 =	vadd.f32 v7, v17  }
0x194: {  	v15 =	vld.idx.msk [tilespmem:v2+s9+$0x12DF0 ss:$0x1], $0xffff;
	v30 =	vadd.f32 v8, v14;
	v31 =	vadd.f32 v9, v16  }
0x195: {  	v7 =	vadd.f32 v20, v13;
	v8 =	vadd.f32 v22, v11;
	v14 =	vld.idx.msk [tilespmem:v2+s9+$0x12E60 ss:$0x1], $0xffff  }
0x196: {  	v9 =	vadd.f32 v21, v12;
	v10 =	vadd.f32 v29, v10;
	v16 =	vld.idx.msk [tilespmem:v2+s9+$0x12E70 ss:$0x1], $0xffff;
	s9 =	sshra.s32 s11, $0x2  }
0x197: {  	v11 =	vadd.f32 v18, v7;
	v12 =	vadd.f32 v19, v8;
	v5 =	vld.idx.msk [tilespmem:v2+s9+$0x12E00 ss:$0x1], $0xffff  }
0x198: {  	v13 =	vadd.f32 v25, v9;
	v10 =	vadd.f32 v26, v10;
	v7 =	vld.idx.msk [tilespmem:v2+s9+$0x12E10 ss:$0x1], $0xffff  }
0x199: {  	v6 =	vadd.f32 v6, v11;
	v4 =	vadd.f32 v4, v12;
	v8 =	vld.idx.msk [tilespmem:v2+s9+$0x12E20 ss:$0x1], $0xffff  }
0x19a: {  	v12 =	vadd.f32 v23, v13;
	v10 =	vadd.f32 v15, v10;
	v9 =	vld.idx.msk [tilespmem:v2+s9+$0x12E30 ss:$0x1], $0xffff  }
0x19b: {  	v13 =	vadd.f32 v3, v6;
	v11 =	vadd.f32 v1, v4;
	v3 =	vld.idx.msk [tilespmem:v2+s9+$0x12E40 ss:$0x1], $0xffff  }
0x19c: {  	v12 =	vadd.f32 v14, v12;
	v10 =	vadd.f32 v16, v10;
	v1 =	vld.idx.msk [tilespmem:v2+s9+$0x12E50 ss:$0x1], $0xffff  }
0x19d: {  	v15 =	vld.idx.msk [tilespmem:v2+s9+$0x12D80 ss:$0x1], $0xffff  }
0x19e: {  	v17 =	vld.idx.msk [tilespmem:v2+s9+$0x12D90 ss:$0x1], $0xffff  }
0x19f: {  	v14 =	vld.idx.msk [tilespmem:v2+s9+$0x12DA0 ss:$0x1], $0xffff  }
0x1a0: {  	v16 =	vld.idx.msk [tilespmem:v2+s9+$0x12DB0 ss:$0x1], $0xffff  }
0x1a1: {  	v6 =	vld.idx.msk [tilespmem:v2+s9+$0x12DC0 ss:$0x1], $0xffff  }
0x1a2: {  	v4 =	vld.idx.msk [tilespmem:v2+s9+$0x12DD0 ss:$0x1], $0xffff  }
0x1a3: {  	v29 =	vld.idx.msk [tilespmem:v2+s9+$0x12D00 ss:$0x1], $0xffff  }
0x1a4: {  	v32 =	vld.idx.msk [tilespmem:v2+s9+$0x12D10 ss:$0x1], $0xffff  }
0x1a5: {  	v20 =	vld.idx.msk [tilespmem:v2+s9+$0x12C80 ss:$0x1], $0xffff  }
0x1a6: {  	v21 =	vld.idx.msk [tilespmem:v2+s9+$0x12C90 ss:$0x1], $0xffff  }
0x1a7: {  	v22 =	vld.idx.msk [tilespmem:v2+s9+$0x12CA0 ss:$0x1], $0xffff  }
0x1a8: {  	v26 =	vld.idx.msk [tilespmem:v2+s9+$0x12CB0 ss:$0x1], $0xffff  }
0x1a9: {  	v23 =	vld.idx.msk [tilespmem:v2+s9+$0x12D20 ss:$0x1], $0xffff  }
0x1aa: {  	v24 =	vld.idx.msk [tilespmem:v2+s9+$0x12D30 ss:$0x1], $0xffff  }
.Ltmp8:
0x1ab: {  	v18 =	vld.idx.msk [tilespmem:v2+s9+$0x12D40 ss:$0x1], $0xffff;
	(pc) =	sbr.rel @p1 .LBB2_16-.Ltmp8, $4  }
0x1ac: {  	v19 =	vld.idx.msk [tilespmem:v2+s9+$0x12D50 ss:$0x1], $0xffff  }
0x1ad: {  	v27 =	vadd.f32 v20, v27;
	v28 =	vadd.f32 v21, v28;
	v20 =	vld.idx.msk [tilespmem:v2+s9+$0x12CC0 ss:$0x1], $0xffff  }
0x1ae: {  	v25 =	vadd.f32 v22, v30;
	v26 =	vadd.f32 v26, v31;
	v22 =	vld.idx.msk [tilespmem:v2+s9+$0x12CD0 ss:$0x1], $0xffff  }
0x1af: {  	s11 =	sadd.s32 $0x800, s11;
	v27 =	vadd.f32 v29, v27;
	v28 =	vadd.f32 v32, v28;
	v21 =	vld.idx.msk [tilespmem:v2+s9+$0x12CE0 ss:$0x1], $0xffff  }
0x1b0: {  	_ =	sdelay $0x1  }
0x1b1: {  	v23 =	vadd.f32 v23, v25;
	v24 =	vadd.f32 v24, v26  }
0x1b2: {  	v15 =	vadd.f32 v15, v27;
	v17 =	vadd.f32 v17, v28  }
0x1b3: {  	v55 =	vld.idx.msk [tilespmem:v2+s9+$0x12CF0 ss:$0x1], $0xffff;
	v14 =	vadd.f32 v14, v23;
	v16 =	vadd.f32 v16, v24  }
0x1b4: {  	v56 =	vld.idx.msk [tilespmem:v2+s9+$0x12D60 ss:$0x1], $0xffff;
	v13 =	vadd.f32 v20, v13;
	v5 =	vadd.f32 v5, v15  }
0x1b5: {  	v57 =	vld.idx.msk [tilespmem:v2+s9+$0x12D70 ss:$0x1], $0xffff;
	v7 =	vadd.f32 v7, v17;
	v11 =	vadd.f32 v22, v11  }
0x1b6: {  	v58 =	vld.idx.msk [tilespmem:v2+s9+$0x12DE0 ss:$0x1], $0xffff;
	v8 =	vadd.f32 v8, v14;
	v9 =	vadd.f32 v9, v16  }
0x1b7: {  	v59 =	vld.idx.msk [tilespmem:v2+s9+$0x12DF0 ss:$0x1], $0xffff;
	s11 =	sshll.u32 s0, $0x7;
	v12 =	vadd.f32 v21, v12;
	v13 =	vadd.f32 v18, v13  }
0x1b8: {  	v60 =	vld.idx.msk [tilespmem:v2+s9+$0x12E60 ss:$0x1], $0xffff;
	s12 =	sand.u32 $0x3FFFFF80, s11;
	v10 =	vadd.f32 v55, v10;
	v11 =	vadd.f32 v19, v11  }
0x1b9: {  	v2 =	vld.idx.msk [tilespmem:v2+s9+$0x12E70 ss:$0x1], $0xffff;
	[tilespmem:v0+s12+$0x600 ss:$0x1] =	vst.idx.msk $0xffff, v5;
	v12 =	vadd.f32 v56, v12;
	v6 =	vadd.f32 v6, v13  }
0x1ba: {  	s0 =	sadd.s32 $0x1, s0;
	[tilespmem:v0+s12+$0x610 ss:$0x1] =	vst.idx.msk $0xffff, v7;
	v61 =	vadd.f32 v57, v10;
	v4 =	vadd.f32 v4, v11  }
0x1bb: {  	p1 =	sne.s32 s0, $0x4;
	[tilespmem:v0+s12+$0x620 ss:$0x1] =	vst.idx.msk $0xffff, v8;
	v62 =	vadd.f32 v58, v12;
	v3 =	vadd.f32 v3, v6  }
.Ltmp9:
0x1bc: {  	[tilespmem:v0+s12+$0x630 ss:$0x1] =	vst.idx.msk $0xffff, v9;
	v5 =	vadd.f32 v59, v61;
	v1 =	vadd.f32 v1, v4;
	(pc) =	sbr.rel @p1 .LBB2_15-.Ltmp9, $4  }
0x1bd: {  	v63 =	vadd.f32 v60, v62;
	[tilespmem:v0+s12+$0x640 ss:$0x1] =	vst.idx.msk $0xffff, v3  }
0x1be: {  	v2 =	vadd.f32 v2, v5;
	[tilespmem:v0+s12+$0x650 ss:$0x1] =	vst.idx.msk $0xffff, v1  }
0x1bf: {  	[tilespmem:v0+s12+$0x660 ss:$0x1] =	vst.idx.msk $0xffff, v63  }
0x1c0: {  	s2 =	sadd.s32 $0x1900, s2;
	[tilespmem:v0+s12+$0x670 ss:$0x1] =	vst.idx.msk $0xffff, v2  }
.Ltmp10:
0x1c1: {  	(pc) =	sbr.rel @p0 .LBB2_20-.Ltmp10, $1  }
0x1c2: {  	_ =	sdelay $0x3  }
0x1c3: {  	s0 =	smul.u32 $0xC80, s31;
	_ =	sdelay $0x1  }
.Ltmp11:
0x1c4: {  	s0 =	sshra.s32 s0, $0x2;
	(pc) =	sbr.rel .LBB2_2-.Ltmp11, $4  }
0x1c5: {  	s2 =	sadd.s32 $0x578, s0  }
0x1c6: {  	[tilespmem:s21], [sflag:$0x4] =	stream.indirect.gather [hbm4b:s1+s8], $0x80, s2, s8, $0xb8;
	[tilespmem:$0x1E900] =	vst v63  }
0x1c7: {  	s31 =	sadd.s32 $0x1, s31;
	s0 =	sadd.s32 $0x5E0, s0  }
0x1c8: {  	[tilespmem:s23], [sflag:$0x4] =	stream.indirect.gather [hbm4b:s1+s10], $0x80, s0, s10, $0xb8;
	[tilespmem:$0x1E900] =	vst v63  }
.LBB2_21:
0x1c9: {  	_ =	sfence.sel $0x180000  }
0x1ca: {  	[bflag:$0x0] =	sbarrier.arrive $0xFFFF  }
0x1cb: {  	_ =	strace $0x90000047  }
0x1cc: {  	s0 =	stileid.u32;
	[bflag:$0x2] =	sbarrier.arrive $0xFFFF  }
0x1cd: {  	p0 =	sne.s32 s0, $0x0;
	s0 =	rddreg [dreg:$0x3]  }
0x1ce: {  	s0 =	sadd.s32 @!p0 $0x100000, s0  }
0x1cf: {  	[sflag:s0] =	ssyncadd.tile.s32 @!p0 $0x1;
	_ =	shalt  }
.Lfunc_end2:
_tile_overlayer_lowered:
.L_overlay_start_2:
0x1d0: {  	(tag) =	ssettag $0x2  }
0x1d1: {  	s0 =	rddreg [dreg:$0x0];
	s2 =	stileid.u32  }
0x1d2: {  	s1 =	rddreg [dreg:$0x1];
	p0 =	sne.s32 s2, $0x0  }
0x1d3: {  	s3 =	rddreg [dreg:$0x2];
	[bflag:$0x3] =	sbarrier.arrive $0xFFFF;
	s2 =	simm.s32 @!p0 $0x1C05  }
0x1d4: {  	[timem:s3], [sflag:s2] =	dma.local @!p0 [hbm:s0], s1  }
0x1d5: {  	s0 =	simm.s32 @!p0 $0x5  }
0x1d6: {  	_ =	swait.ge @!p0 [sflag:s0], s1  }
0x1d7: {  	s1 =	ssub.s32 @!p0 $0x0, s1;
	[sflag:s0] =	ssyncset.done @!p0 $0x0  }
0x1d8: {  	[sflag:s0] =	ssyncadd.s32 @!p0 s1  }
0x1d9: {  	[bflag:$0x3] =	sbarrier.arrive $0xFFFF  }
0x1da: {  	_ =	shalt  }

</sc_bundles>
